<compile_context>
chip_gen: v7x
topology: tpu7x:2x2x1
jax: 0.10.2.dev20260603
libtpu: 0.0.44.dev20260713+nightly
codegen_flags: <defaults>
</compile_context>

<pallas_src>
import functools

import jax
import jax.numpy as jnp
from jax import lax
from jax.experimental import pallas as pl
from jax.experimental.pallas import tpu as pltpu
from jax.experimental.pallas import tpu_sc as plsc

N = 10000
E = 160000
D = 256
H = 128
NT = 16
RT = (N // NT) // 8 * 8
RTAIL = N - NT * RT
K = 128
NCHUNK = E // K
MAXI = -(-NCHUNK // NT)
NI = 3
NG = 2
R = 2000


def _sc_aggregate(hs, ed):
    mesh = plsc.VectorSubcoreMesh(core_axis_name="c", subcore_axis_name="s")

    @functools.partial(
        pl.kernel,
        out_type=jax.ShapeDtypeStruct((2 * N, H), jnp.float32),
        mesh=mesh,
        scratch_types=[
            pltpu.VMEM((NI, 2, K), jnp.int32),
            pltpu.VMEM((NG, K, H), jnp.float32),
            pltpu.VMEM_SHARED((N, H), jnp.float32),
            pltpu.SemaphoreType.DMA((NI,)),
            pltpu.SemaphoreType.DMA((NG,)),
            pltpu.SemaphoreType.DMA((NG,)),
        ],
    )
    def k(h_hbm, ed_hbm, z_hbm, idx, rows, acc, isem, gsem, ssem):
        c = lax.axis_index("c")
        t = lax.axis_index("s")

        def idx_load(i):
            pltpu.make_async_copy(ed_hbm.at[c, t + i * NT],
                                  idx.at[lax.rem(i, NI)],
                                  isem.at[lax.rem(i, NI)]).start()

        def idx_wait(i):
            pltpu.make_async_copy(ed_hbm.at[c, t + i * NT],
                                  idx.at[lax.rem(i, NI)],
                                  isem.at[lax.rem(i, NI)]).wait()

        def gather(i):
            pltpu.make_async_copy(h_hbm.at[idx.at[lax.rem(i, NI), 0]],
                                  rows.at[lax.rem(i, NG)],
                                  gsem.at[lax.rem(i, NG)]).start()

        def gather_wait(i):
            pltpu.make_async_copy(h_hbm.at[idx.at[lax.rem(i, NI), 0]],
                                  rows.at[lax.rem(i, NG)],
                                  gsem.at[lax.rem(i, NG)]).wait()

        def scatter_start(i):
            pltpu.async_copy(rows.at[lax.rem(i, NG)],
                             acc.at[idx.at[lax.rem(i, NI), 1]],
                             ssem.at[lax.rem(i, NG)], add=True)

        def scatter_wait(i):
            pltpu.make_async_copy(rows.at[lax.rem(i, NG)],
                                  acc.at[idx.at[lax.rem(i, NI), 1]],
                                  ssem.at[lax.rem(i, NG)]).wait()

        idx_load(0)
        idx_load(1)
        pltpu.sync_copy(h_hbm.at[pl.ds(c * N + t * RT, RT)],
                        acc.at[pl.ds(t * RT, RT)])

        @pl.when(t == 0)
        def _():
            pltpu.sync_copy(h_hbm.at[pl.ds(c * N + NT * RT, RTAIL)],
                            acc.at[pl.ds(NT * RT, RTAIL)])

        idx_wait(0)
        gather(0)
        plsc.subcore_barrier()

        def body(i, carry):
            @pl.when(t + (i + 2) * NT < NCHUNK)
            def _():
                idx_load(i + 2)

            @pl.when(t + (i + 1) * NT < NCHUNK)
            def _():
                @pl.when(i + 1 >= NG)
                def _():
                    scatter_wait(i + 1 - NG)

                idx_wait(i + 1)
                gather(i + 1)

            @pl.when(t + i * NT < NCHUNK)
            def _():
                gather_wait(i)
                scatter_start(i)

            return carry

        lax.fori_loop(0, MAXI, body, 0)
        nval = (NCHUNK - t + NT - 1) // NT
        for kk in range(NG):
            i_d = nval - NG + kk

            @pl.when(i_d >= 0)
            def _():
                scatter_wait(i_d)

        plsc.subcore_barrier()
        pltpu.sync_copy(acc.at[pl.ds(t * RT, RT)],
                        z_hbm.at[pl.ds(c * N + t * RT, RT)])

        @pl.when(t == 0)
        def _():
            pltpu.sync_copy(acc.at[pl.ds(NT * RT, RTAIL)],
                            z_hbm.at[pl.ds(c * N + NT * RT, RTAIL)])

    return k(hs, ed)


def _prep(h):
    def body(h_ref, o_ref):
        o_ref[...] = jnp.round(h_ref[...] * 100.0) / 100.0

    return pl.pallas_call(
        body,
        grid=(2, N // R),
        in_specs=[pl.BlockSpec((R, H), lambda c, i: (i, c))],
        out_specs=pl.BlockSpec((R, H), lambda c, i: (c * (N // R) + i, 0)),
        out_shape=jax.ShapeDtypeStruct((2 * N, H), jnp.float32),
    )(h)


def _mlp(z, W1, b1, W2, b2):
    def body(z0_ref, z1_ref, w1_ref, b1_ref, w2_ref, b2_ref,
             y_ref, s_ref, q_ref):
        i = pl.program_id(0)
        u = jnp.dot(z0_ref[...], w1_ref[0:H, :],
                    preferred_element_type=jnp.float32)
        u = u + jnp.dot(z1_ref[...], w1_ref[H:2 * H, :],
                        preferred_element_type=jnp.float32)
        r = jnp.maximum(u + b1_ref[...], 0.0)
        y = jnp.dot(r, w2_ref[...], preferred_element_type=jnp.float32) \
            + b2_ref[...]
        y_ref[...] = y.astype(jnp.bfloat16)
        ps = jnp.sum(y, axis=0, keepdims=True)
        pq = jnp.sum(y * y, axis=0, keepdims=True)

        @pl.when(i == 0)
        def _():
            s_ref[...] = ps
            q_ref[...] = pq

        @pl.when(i > 0)
        def _():
            s_ref[...] += ps
            q_ref[...] += pq

    return pl.pallas_call(
        body,
        grid=(N // R,),
        in_specs=[
            pl.BlockSpec((R, H), lambda i: (i, 0)),
            pl.BlockSpec((R, H), lambda i: (N // R + i, 0)),
            pl.BlockSpec((D, D), lambda i: (0, 0)),
            pl.BlockSpec((D,), lambda i: (0,)),
            pl.BlockSpec((D, D), lambda i: (0, 0)),
            pl.BlockSpec((D,), lambda i: (0,)),
        ],
        out_specs=[
            pl.BlockSpec((R, D), lambda i: (i, 0)),
            pl.BlockSpec((1, D), lambda i: (0, 0)),
            pl.BlockSpec((1, D), lambda i: (0, 0)),
        ],
        out_shape=[
            jax.ShapeDtypeStruct((N, D), jnp.bfloat16),
            jax.ShapeDtypeStruct((1, D), jnp.float32),
            jax.ShapeDtypeStruct((1, D), jnp.float32),
        ],
    )(z, z, W1, b1, W2, b2)


def _bn_relu_split(y, s, q, gamma, beta):
    def body(y_ref, s_ref, q_ref, g_ref, b_ref, o_ref):
        mean = s_ref[...] / N
        var = q_ref[...] / N - mean * mean
        rstd = lax.rsqrt(var + 1e-5)
        o_ref[...] = jnp.maximum(
            (y_ref[...].astype(jnp.float32) - mean) * rstd * g_ref[...]
            + b_ref[...], 0.0)

    return pl.pallas_call(
        body,
        grid=(2, N // R),
        in_specs=[
            pl.BlockSpec((R, H), lambda c, i: (i, c)),
            pl.BlockSpec((1, H), lambda c, i: (0, c)),
            pl.BlockSpec((1, H), lambda c, i: (0, c)),
            pl.BlockSpec((H,), lambda c, i: (c,)),
            pl.BlockSpec((H,), lambda c, i: (c,)),
        ],
        out_specs=pl.BlockSpec((R, H), lambda c, i: (c * (N // R) + i, 0)),
        out_shape=jax.ShapeDtypeStruct((2 * N, H), jnp.float32),
    )(y, s, q, gamma, beta)


def _bn_relu_pool(y, s, q, gamma, beta):
    def body(y_ref, s_ref, q_ref, g_ref, b_ref, o_ref):
        i = pl.program_id(0)
        mean = s_ref[...] / N
        var = q_ref[...] / N - mean * mean
        rstd = lax.rsqrt(var + 1e-5)
        hb = jnp.maximum(
            (y_ref[...].astype(jnp.float32) - mean) * rstd * g_ref[...]
            + b_ref[...], 0.0)
        ps = jnp.sum(hb, axis=0, keepdims=True)

        @pl.when(i == 0)
        def _():
            o_ref[...] = ps

        @pl.when(i > 0)
        def _():
            o_ref[...] += ps

    return pl.pallas_call(
        body,
        grid=(N // R,),
        in_specs=[
            pl.BlockSpec((R, D), lambda i: (i, 0)),
            pl.BlockSpec((1, D), lambda i: (0, 0)),
            pl.BlockSpec((1, D), lambda i: (0, 0)),
            pl.BlockSpec((D,), lambda i: (0,)),
            pl.BlockSpec((D,), lambda i: (0,)),
        ],
        out_specs=pl.BlockSpec((1, D), lambda i: (0, 0)),
        out_shape=jax.ShapeDtypeStruct((1, D), jnp.float32),
    )(y, s, q, gamma, beta)


def kernel(h, edge_index, W1_0, b1_0, W2_0, b2_0, gamma_0, beta_0,
           W1_1, b1_1, W2_1, b2_1, gamma_1, beta_1,
           W1_2, b1_2, W2_2, b2_2, gamma_2, beta_2):
    src = edge_index[0]
    dst = edge_index[1]
    s2 = src.reshape(NCHUNK, K)
    d2 = dst.reshape(NCHUNK, K)
    ed = jnp.stack([jnp.stack([s2, d2], axis=1),
                    jnp.stack([s2 + N, d2], axis=1)])
    hs = _prep(h)
    layers = [
        (W1_0, b1_0, W2_0, b2_0, gamma_0, beta_0),
        (W1_1, b1_1, W2_1, b2_1, gamma_1, beta_1),
        (W1_2, b1_2, W2_2, b2_2, gamma_2, beta_2),
    ]
    out = None
    for l, (W1, b1, W2, b2, g, bt) in enumerate(layers):
        z = _sc_aggregate(hs, ed)
        y, s, q = _mlp(z, W1, b1, W2, b2)
        if l < 2:
            hs = _bn_relu_split(y, s, q, g, bt)
        else:
            out = _bn_relu_pool(y, s, q, g, bt)
    return out

# --- scband reference (transcript-rebuilt; emitter-appended) ---
"""Pipeline reference for scband-gin-28484223108046 (READ-ONLY COPY).

The authoritative reference and input builder live on the scoring server;
editing this copy changes nothing except your own understanding.
"""

import jax, jax.numpy as jnp
import numpy as np

N = 10000
E = 160000
D = 256

def _init_params(key):
    params = {}
    k = key
    for i in range(3):
        k, k1, k2, k3, k4 = jax.random.split(k, 5)
        s = 1.0 / np.sqrt(D)
        params['W1_%d' % i] = jax.random.uniform(k1, (D, D), jnp.float32, -s, s)
        params['b1_%d' % i] = jax.random.uniform(k2, (D,), jnp.float32, -s, s)
        params['W2_%d' % i] = jax.random.uniform(k3, (D, D), jnp.float32, -s, s)
        params['b2_%d' % i] = jax.random.uniform(k4, (D,), jnp.float32, -s, s)
        params['gamma_%d' % i] = jnp.ones((D,), jnp.float32)
        params['beta_%d' % i] = jnp.zeros((D,), jnp.float32)
    return params

def setup_inputs(seed: int = 0):
    key = jax.random.key(seed)
    kh, ke, kp = jax.random.split(key, 3)
    inp = {}
    inp['h'] = jax.random.normal(kh, (N, D), dtype=jnp.float32)
    inp['edge_index'] = jax.random.randint(ke, (2, E), 0, N, dtype=jnp.int32)
    inp.update(_init_params(kp))
    return inp

def _gin_forward(h, edge_index, layers):
    src = edge_index[0]
    dst = edge_index[1]
    # h = torch.round(h * 100) / 100
    h = jnp.round(h * 100.0) / 100.0
    for (W1, b1, W2, b2, gamma, beta) in layers:
        # GINConv with 'sum' aggregation, eps=0: z = (1+eps)*h + sum_{j in N(i)} h_j
        agg = jnp.zeros_like(h).at[dst].add(h[src])
        z = h + agg
        # apply_func: Linear -> ReLU -> Linear
        z = jnp.maximum(jnp.dot(z, W1) + b1, 0.0)
        z = jnp.dot(z, W2) + b2
        # BatchNorm1d (training mode, batch statistics)
        mean = jnp.mean(z, axis=0)
        var = jnp.var(z, axis=0)
        z = (z - mean) / jnp.sqrt(var + 1e-5) * gamma + beta
        h = jnp.maximum(z, 0.0)
    # SumPooling over the single graph -> [1, D]
    return jnp.sum(h, axis=0, keepdims=True)

def reference(h, edge_index, W1_0, b1_0, W2_0, b2_0, gamma_0, beta_0, W1_1, b1_1, W2_1, b2_1, gamma_1, beta_1, W1_2, b1_2, W2_2, b2_2, gamma_2, beta_2):
    layers = [
        (W1_0, b1_0, W2_0, b2_0, gamma_0, beta_0),
        (W1_1, b1_1, W2_1, b2_1, gamma_1, beta_1),
        (W1_2, b1_2, W2_2, b2_2, gamma_2, beta_2),
    ]
    return _gin_forward(h, edge_index, layers)

if __name__ == "__main__":
    import jax
    _d = setup_inputs()
    print(jax.jit(kernel)(*tuple(_d.values())))

</pallas_src>

<mosaic_0001>
#map = affine_map<(d0, d1) -> (0, 0)>
#map1 = affine_map<(d0, d1) -> (0, 0, 0, 0)>
module attributes {stable_mosaic.version = 14 : i64} {
  func.func @k(%arg0: i32, %arg1: i32, %arg2: memref<20000x128xf32, #tpu.memory_space<hbm>>, %arg3: memref<2x1250x2x128xi32, #tpu.memory_space<hbm>>, %arg4: memref<20000x128xf32, #tpu.memory_space<hbm>>, %arg5: memref<3x2x128xi32, #tpu.memory_space<vmem>>, %arg6: memref<2x128x128xf32, #tpu.memory_space<vmem>>, %arg7: memref<10000x128xf32, #tpu.memory_space<vmem_shared>>, %arg8: memref<3x!tpu.dma_semaphore, #tpu.memory_space<semaphore_mem>>, %arg9: memref<2x!tpu.dma_semaphore, #tpu.memory_space<semaphore_mem>>, %arg10: memref<2x!tpu.dma_semaphore, #tpu.memory_space<semaphore_mem>>) attributes {dimension_semantics = [#tpu.dimension_semantics<core_parallel>, #tpu.dimension_semantics<subcore_parallel>], iteration_bounds = array<i64: 2, 16>, scalar_prefetch = 0 : i64, scratch_operands = 6 : i64, tpu.core_type = #tpu.core_type<sc_vector_subcore>, window_params = [{transform_indices = #map}, {transform_indices = #map1}, {transform_indices = #map}]} {
    %add3A = arith.constant 0 : i32
    %add3A_0 = arith.addi %arg1, %add3A : i32
    %rem3A = arith.constant 0 : i32
    %rem3A_1 = arith.constant 3 : i32
    %rem3A_2 = arith.remsi %rem3A, %rem3A_1 : i32
    %rem3A_3 = arith.constant 0 : i32
    %rem3A_4 = arith.constant 3 : i32
    %rem3A_5 = arith.remsi %rem3A_3, %rem3A_4 : i32
    %dma_start3A = arith.constant 0 : i32
    %dma_start3A_6 = arith.constant 0 : i32
    %dma_start3A_7 = tpu.memref_slice %arg5[%rem3A_2, %dma_start3A, %dma_start3A_6] : memref<3x2x128xi32, #tpu.memory_space<vmem>> -> memref<1x2x128xi32, #tpu.memory_space<vmem>>
    %dma_start3A_8 = tpu.memref_squeeze %dma_start3A_7 : memref<1x2x128xi32, #tpu.memory_space<vmem>> -> memref<2x128xi32, #tpu.memory_space<vmem>>
    %dma_start3A_9 = arith.constant 0 : i32
    %dma_start3A_10 = arith.constant 0 : i32
    %dma_start3A_11 = tpu.memref_slice %arg3[%arg0, %add3A_0, %dma_start3A_9, %dma_start3A_10] : memref<2x1250x2x128xi32, #tpu.memory_space<hbm>> -> memref<1x1x2x128xi32, #tpu.memory_space<hbm>>
    %dma_start3A_12 = tpu.memref_squeeze %dma_start3A_11 : memref<1x1x2x128xi32, #tpu.memory_space<hbm>> -> memref<2x128xi32, #tpu.memory_space<hbm>>
    %dma_start3A_13 = tpu.memref_slice %arg8[%rem3A_5] : memref<3x!tpu.dma_semaphore, #tpu.memory_space<semaphore_mem>> -> memref<1x!tpu.dma_semaphore, #tpu.memory_space<semaphore_mem>>
    %dma_start3A_14 = tpu.memref_squeeze %dma_start3A_13 : memref<1x!tpu.dma_semaphore, #tpu.memory_space<semaphore_mem>> -> memref<!tpu.dma_semaphore, #tpu.memory_space<semaphore_mem>>
    %dma_start3A_15 = arith.constant 0 : i32
    %dma_start3A_16 = arith.constant 0 : i32
    %dma_start3A_17 = tpu.memref_slice %arg5[%rem3A_2, %dma_start3A_15, %dma_start3A_16] : memref<3x2x128xi32, #tpu.memory_space<vmem>> -> memref<1x2x128xi32, #tpu.memory_space<vmem>>
    %dma_start3A_18 = tpu.memref_squeeze %dma_start3A_17 : memref<1x2x128xi32, #tpu.memory_space<vmem>> -> memref<2x128xi32, #tpu.memory_space<vmem>>
    %dma_start3A_19 = arith.constant 0 : i32
    %dma_start3A_20 = arith.constant 0 : i32
    %dma_start3A_21 = tpu.memref_slice %arg3[%arg0, %add3A_0, %dma_start3A_19, %dma_start3A_20] : memref<2x1250x2x128xi32, #tpu.memory_space<hbm>> -> memref<1x1x2x128xi32, #tpu.memory_space<hbm>>
    %dma_start3A_22 = tpu.memref_squeeze %dma_start3A_21 : memref<1x1x2x128xi32, #tpu.memory_space<hbm>> -> memref<2x128xi32, #tpu.memory_space<hbm>>
    tpu.enqueue_dma source(%dma_start3A_22 : memref<2x128xi32, #tpu.memory_space<hbm>>) target(%dma_start3A_18 : memref<2x128xi32, #tpu.memory_space<vmem>>) target_semaphore(%dma_start3A_14 : memref<!tpu.dma_semaphore, #tpu.memory_space<semaphore_mem>>)
    %add3A_23 = arith.constant 16 : i32
    %add3A_24 = arith.addi %arg1, %add3A_23 : i32
    %rem3A_25 = arith.constant 1 : i32
    %rem3A_26 = arith.constant 3 : i32
    %rem3A_27 = arith.remsi %rem3A_25, %rem3A_26 : i32
    %rem3A_28 = arith.constant 1 : i32
    %rem3A_29 = arith.constant 3 : i32
    %rem3A_30 = arith.remsi %rem3A_28, %rem3A_29 : i32
    %dma_start3A_31 = arith.constant 0 : i32
    %dma_start3A_32 = arith.constant 0 : i32
    %dma_start3A_33 = tpu.memref_slice %arg5[%rem3A_27, %dma_start3A_31, %dma_start3A_32] : memref<3x2x128xi32, #tpu.memory_space<vmem>> -> memref<1x2x128xi32, #tpu.memory_space<vmem>>
    %dma_start3A_34 = tpu.memref_squeeze %dma_start3A_33 : memref<1x2x128xi32, #tpu.memory_space<vmem>> -> memref<2x128xi32, #tpu.memory_space<vmem>>
    %dma_start3A_35 = arith.constant 0 : i32
    %dma_start3A_36 = arith.constant 0 : i32
    %dma_start3A_37 = tpu.memref_slice %arg3[%arg0, %add3A_24, %dma_start3A_35, %dma_start3A_36] : memref<2x1250x2x128xi32, #tpu.memory_space<hbm>> -> memref<1x1x2x128xi32, #tpu.memory_space<hbm>>
    %dma_start3A_38 = tpu.memref_squeeze %dma_start3A_37 : memref<1x1x2x128xi32, #tpu.memory_space<hbm>> -> memref<2x128xi32, #tpu.memory_space<hbm>>
    %dma_start3A_39 = tpu.memref_slice %arg8[%rem3A_30] : memref<3x!tpu.dma_semaphore, #tpu.memory_space<semaphore_mem>> -> memref<1x!tpu.dma_semaphore, #tpu.memory_space<semaphore_mem>>
    %dma_start3A_40 = tpu.memref_squeeze %dma_start3A_39 : memref<1x!tpu.dma_semaphore, #tpu.memory_space<semaphore_mem>> -> memref<!tpu.dma_semaphore, #tpu.memory_space<semaphore_mem>>
    %dma_start3A_41 = arith.constant 0 : i32
    %dma_start3A_42 = arith.constant 0 : i32
    %dma_start3A_43 = tpu.memref_slice %arg5[%rem3A_27, %dma_start3A_41, %dma_start3A_42] : memref<3x2x128xi32, #tpu.memory_space<vmem>> -> memref<1x2x128xi32, #tpu.memory_space<vmem>>
    %dma_start3A_44 = tpu.memref_squeeze %dma_start3A_43 : memref<1x2x128xi32, #tpu.memory_space<vmem>> -> memref<2x128xi32, #tpu.memory_space<vmem>>
    %dma_start3A_45 = arith.constant 0 : i32
    %dma_start3A_46 = arith.constant 0 : i32
    %dma_start3A_47 = tpu.memref_slice %arg3[%arg0, %add3A_24, %dma_start3A_45, %dma_start3A_46] : memref<2x1250x2x128xi32, #tpu.memory_space<hbm>> -> memref<1x1x2x128xi32, #tpu.memory_space<hbm>>
    %dma_start3A_48 = tpu.memref_squeeze %dma_start3A_47 : memref<1x1x2x128xi32, #tpu.memory_space<hbm>> -> memref<2x128xi32, #tpu.memory_space<hbm>>
    tpu.enqueue_dma source(%dma_start3A_48 : memref<2x128xi32, #tpu.memory_space<hbm>>) target(%dma_start3A_44 : memref<2x128xi32, #tpu.memory_space<vmem>>) target_semaphore(%dma_start3A_40 : memref<!tpu.dma_semaphore, #tpu.memory_space<semaphore_mem>>)
    %mul3A = arith.constant 10000 : i32
    %mul3A_49 = arith.muli %arg0, %mul3A : i32
    %mul3A_50 = arith.constant 624 : i32
    %mul3A_51 = arith.muli %arg1, %mul3A_50 : i32
    %add3A_52 = arith.addi %mul3A_49, %mul3A_51 : i32
    %mul3A_53 = arith.constant 624 : i32
    %mul3A_54 = arith.muli %arg1, %mul3A_53 : i32
    "tpu.region"() ({
      %run_scoped3A = tpu.sem_alloc : memref<!tpu.dma_semaphore, #tpu.memory_space<semaphore_mem>>
      %dma_start3A_162 = arith.constant 0 : i32
      %dma_start3A_163 = tpu.memref_slice %arg7[%mul3A_54, %dma_start3A_162] : memref<10000x128xf32, #tpu.memory_space<vmem_shared>> -> memref<624x128xf32, #tpu.memory_space<vmem_shared>>
      %dma_start3A_164 = arith.constant 0 : i32
      %dma_start3A_165 = tpu.memref_slice %arg2[%add3A_52, %dma_start3A_164] : memref<20000x128xf32, #tpu.memory_space<hbm>> -> memref<624x128xf32, #tpu.memory_space<hbm>>
      tpu.enqueue_dma source(%dma_start3A_165 : memref<624x128xf32, #tpu.memory_space<hbm>>) target(%dma_start3A_163 : memref<624x128xf32, #tpu.memory_space<vmem_shared>>) target_semaphore(%run_scoped3A : memref<!tpu.dma_semaphore, #tpu.memory_space<semaphore_mem>>)
      %dma_wait3A_166 = arith.constant 0 : i32
      %dma_wait3A_167 = tpu.memref_slice %arg7[%mul3A_54, %dma_wait3A_166] : memref<10000x128xf32, #tpu.memory_space<vmem_shared>> -> memref<624x128xf32, #tpu.memory_space<vmem_shared>>
      %dma_wait3A_168 = arith.constant 0 : i32
      %dma_wait3A_169 = tpu.memref_slice %arg2[%add3A_52, %dma_wait3A_168] : memref<20000x128xf32, #tpu.memory_space<hbm>> -> memref<624x128xf32, #tpu.memory_space<hbm>>
      tpu.wait_dma2 semaphore(%run_scoped3A : memref<!tpu.dma_semaphore, #tpu.memory_space<semaphore_mem>>) src(%dma_wait3A_169 : memref<624x128xf32, #tpu.memory_space<hbm>>) dst(%dma_wait3A_167 : memref<624x128xf32, #tpu.memory_space<vmem_shared>>)
      tpu.yield
    }) : () -> ()
    %eq3A = arith.constant 0 : i32
    %eq3A_55 = arith.cmpi eq, %arg1, %eq3A : i32
    %convert_element_type3A = arith.extui %eq3A_55 : i1 to i32
    %cond3A = arith.constant 0 : i32
    %cond3A_56 = arith.cmpi ne, %convert_element_type3A, %cond3A : i32
    scf.if %cond3A_56 {
      %mul3A_162 = arith.constant 10000 : i32
      %mul3A_163 = arith.muli %arg0, %mul3A_162 : i32
      %add3A_164 = arith.constant 9984 : i32
      %add3A_165 = arith.addi %mul3A_163, %add3A_164 : i32
      "tpu.region"() ({
        %run_scoped3A = tpu.sem_alloc : memref<!tpu.dma_semaphore, #tpu.memory_space<semaphore_mem>>
        %dma_start3A_166 = arith.constant 9984 : i32
        %dma_start3A_167 = arith.constant 0 : i32
        %dma_start3A_168 = tpu.memref_slice %arg7[%dma_start3A_166, %dma_start3A_167] : memref<10000x128xf32, #tpu.memory_space<vmem_shared>> -> memref<16x128xf32, #tpu.memory_space<vmem_shared>>
        %dma_start3A_169 = arith.constant 0 : i32
        %dma_start3A_170 = tpu.memref_slice %arg2[%add3A_165, %dma_start3A_169] : memref<20000x128xf32, #tpu.memory_space<hbm>> -> memref<16x128xf32, #tpu.memory_space<hbm>>
        tpu.enqueue_dma source(%dma_start3A_170 : memref<16x128xf32, #tpu.memory_space<hbm>>) target(%dma_start3A_168 : memref<16x128xf32, #tpu.memory_space<vmem_shared>>) target_semaphore(%run_scoped3A : memref<!tpu.dma_semaphore, #tpu.memory_space<semaphore_mem>>)
        %dma_wait3A_171 = arith.constant 9984 : i32
        %dma_wait3A_172 = arith.constant 0 : i32
        %dma_wait3A_173 = tpu.memref_slice %arg7[%dma_wait3A_171, %dma_wait3A_172] : memref<10000x128xf32, #tpu.memory_space<vmem_shared>> -> memref<16x128xf32, #tpu.memory_space<vmem_shared>>
        %dma_wait3A_174 = arith.constant 0 : i32
        %dma_wait3A_175 = tpu.memref_slice %arg2[%add3A_165, %dma_wait3A_174] : memref<20000x128xf32, #tpu.memory_space<hbm>> -> memref<16x128xf32, #tpu.memory_space<hbm>>
        tpu.wait_dma2 semaphore(%run_scoped3A : memref<!tpu.dma_semaphore, #tpu.memory_space<semaphore_mem>>) src(%dma_wait3A_175 : memref<16x128xf32, #tpu.memory_space<hbm>>) dst(%dma_wait3A_173 : memref<16x128xf32, #tpu.memory_space<vmem_shared>>)
        tpu.yield
      }) : () -> ()
    } else {
    }
    %add3A_57 = arith.constant 0 : i32
    %add3A_58 = arith.addi %arg1, %add3A_57 : i32
    %rem3A_59 = arith.constant 0 : i32
    %rem3A_60 = arith.constant 3 : i32
    %rem3A_61 = arith.remsi %rem3A_59, %rem3A_60 : i32
    %rem3A_62 = arith.constant 0 : i32
    %rem3A_63 = arith.constant 3 : i32
    %rem3A_64 = arith.remsi %rem3A_62, %rem3A_63 : i32
    %dma_wait3A = arith.constant 0 : i32
    %dma_wait3A_65 = arith.constant 0 : i32
    %dma_wait3A_66 = tpu.memref_slice %arg5[%rem3A_61, %dma_wait3A, %dma_wait3A_65] : memref<3x2x128xi32, #tpu.memory_space<vmem>> -> memref<1x2x128xi32, #tpu.memory_space<vmem>>
    %dma_wait3A_67 = tpu.memref_squeeze %dma_wait3A_66 : memref<1x2x128xi32, #tpu.memory_space<vmem>> -> memref<2x128xi32, #tpu.memory_space<vmem>>
    %dma_wait3A_68 = arith.constant 0 : i32
    %dma_wait3A_69 = arith.constant 0 : i32
    %dma_wait3A_70 = tpu.memref_slice %arg3[%arg0, %add3A_58, %dma_wait3A_68, %dma_wait3A_69] : memref<2x1250x2x128xi32, #tpu.memory_space<hbm>> -> memref<1x1x2x128xi32, #tpu.memory_space<hbm>>
    %dma_wait3A_71 = tpu.memref_squeeze %dma_wait3A_70 : memref<1x1x2x128xi32, #tpu.memory_space<hbm>> -> memref<2x128xi32, #tpu.memory_space<hbm>>
    %dma_wait3A_72 = tpu.memref_slice %arg8[%rem3A_64] : memref<3x!tpu.dma_semaphore, #tpu.memory_space<semaphore_mem>> -> memref<1x!tpu.dma_semaphore, #tpu.memory_space<semaphore_mem>>
    %dma_wait3A_73 = tpu.memref_squeeze %dma_wait3A_72 : memref<1x!tpu.dma_semaphore, #tpu.memory_space<semaphore_mem>> -> memref<!tpu.dma_semaphore, #tpu.memory_space<semaphore_mem>>
    %dma_wait3A_74 = arith.constant 0 : i32
    %dma_wait3A_75 = arith.constant 0 : i32
    %dma_wait3A_76 = tpu.memref_slice %arg5[%rem3A_61, %dma_wait3A_74, %dma_wait3A_75] : memref<3x2x128xi32, #tpu.memory_space<vmem>> -> memref<1x2x128xi32, #tpu.memory_space<vmem>>
    %dma_wait3A_77 = tpu.memref_squeeze %dma_wait3A_76 : memref<1x2x128xi32, #tpu.memory_space<vmem>> -> memref<2x128xi32, #tpu.memory_space<vmem>>
    %dma_wait3A_78 = arith.constant 0 : i32
    %dma_wait3A_79 = arith.constant 0 : i32
    %dma_wait3A_80 = tpu.memref_slice %arg3[%arg0, %add3A_58, %dma_wait3A_78, %dma_wait3A_79] : memref<2x1250x2x128xi32, #tpu.memory_space<hbm>> -> memref<1x1x2x128xi32, #tpu.memory_space<hbm>>
    %dma_wait3A_81 = tpu.memref_squeeze %dma_wait3A_80 : memref<1x1x2x128xi32, #tpu.memory_space<hbm>> -> memref<2x128xi32, #tpu.memory_space<hbm>>
    tpu.wait_dma2 semaphore(%dma_wait3A_73 : memref<!tpu.dma_semaphore, #tpu.memory_space<semaphore_mem>>) src(%dma_wait3A_81 : memref<2x128xi32, #tpu.memory_space<hbm>>) dst(%dma_wait3A_77 : memref<2x128xi32, #tpu.memory_space<vmem>>)
    %rem3A_82 = arith.constant 0 : i32
    %rem3A_83 = arith.constant 3 : i32
    %rem3A_84 = arith.remsi %rem3A_82, %rem3A_83 : i32
    %rem3A_85 = arith.constant 0 : i32
    %rem3A_86 = arith.constant 2 : i32
    %rem3A_87 = arith.remsi %rem3A_85, %rem3A_86 : i32
    %rem3A_88 = arith.constant 0 : i32
    %rem3A_89 = arith.constant 2 : i32
    %rem3A_90 = arith.remsi %rem3A_88, %rem3A_89 : i32
    %dma_start3A_91 = arith.constant 0 : i32
    %dma_start3A_92 = arith.constant 0 : i32
    %dma_start3A_93 = arith.constant 0 : i32
    %dma_start3A_94 = tpu.memref_slice %arg6[%rem3A_87, %dma_start3A_92, %dma_start3A_93] : memref<2x128x128xf32, #tpu.memory_space<vmem>> -> memref<1x128x128xf32, #tpu.memory_space<vmem>>
    %dma_start3A_95 = tpu.memref_squeeze %dma_start3A_94 : memref<1x128x128xf32, #tpu.memory_space<vmem>> -> memref<128x128xf32, #tpu.memory_space<vmem>>
    %dma_start3A_96 = arith.constant 0 : i32
    %dma_start3A_97 = tpu.memref_slice %arg5[%rem3A_84, %dma_start3A_91, %dma_start3A_96] : memref<3x2x128xi32, #tpu.memory_space<vmem>> -> memref<1x1x128xi32, #tpu.memory_space<vmem>>
    %dma_start3A_98 = tpu.memref_squeeze %dma_start3A_97 : memref<1x1x128xi32, #tpu.memory_space<vmem>> -> memref<128xi32, #tpu.memory_space<vmem>>
    %dma_start3A_99 = arith.constant 0 : i32
    %dma_start3A_100 = arith.constant 0 : i32
    %dma_start3A_101 = tpu.memref_slice %arg2[%dma_start3A_99, %dma_start3A_100] : memref<20000x128xf32, #tpu.memory_space<hbm>> -> memref<20000x128xf32, #tpu.memory_space<hbm>>
    %dma_start3A_102 = tpu.memref_slice %arg9[%rem3A_90] : memref<2x!tpu.dma_semaphore, #tpu.memory_space<semaphore_mem>> -> memref<1x!tpu.dma_semaphore, #tpu.memory_space<semaphore_mem>>
    %dma_start3A_103 = tpu.memref_squeeze %dma_start3A_102 : memref<1x!tpu.dma_semaphore, #tpu.memory_space<semaphore_mem>> -> memref<!tpu.dma_semaphore, #tpu.memory_space<semaphore_mem>>
    tpu.enqueue_indirect_dma source(%dma_start3A_101 : memref<20000x128xf32, #tpu.memory_space<hbm>>) target(%dma_start3A_95 : memref<128x128xf32, #tpu.memory_space<vmem>>) offsets(%dma_start3A_98 : memref<128xi32, #tpu.memory_space<vmem>>) semaphore(%dma_start3A_103 : memref<!tpu.dma_semaphore, #tpu.memory_space<semaphore_mem>>)
    %barrier3A = arith.constant 0 : index
    tpu.barrier barrier_id(%barrier3A)
    %scan3A = arith.constant 0 : i32
    %scan3A_104 = arith.constant 0 : i32
    %scan3A_105 = arith.constant 79 : i32
    %scan3A_106 = arith.addi %scan3A_104, %scan3A_105 : i32
    %scan3A_107 = arith.constant 1 : i32
    scf.for %scan3A_162 = %scan3A_104 to %scan3A_106 step %scan3A_107  : i32 {
      %add3A_163 = arith.constant 2 : i32
      %add3A_164 = arith.addi %scan3A_162, %add3A_163 : i32
      %mul3A_165 = arith.constant 16 : i32
      %mul3A_166 = arith.muli %add3A_164, %mul3A_165 : i32
      %add3A_167 = arith.addi %arg1, %mul3A_166 : i32
      %lt3A = arith.constant 1250 : i32
      %lt3A_168 = arith.cmpi slt, %add3A_167, %lt3A : i32
      %convert_element_type3A_169 = arith.extui %lt3A_168 : i1 to i32
      %cond3A_170 = arith.constant 0 : i32
      %cond3A_171 = arith.cmpi ne, %convert_element_type3A_169, %cond3A_170 : i32
      scf.if %cond3A_171 {
        %add3A_190 = arith.constant 2 : i32
        %add3A_191 = arith.addi %scan3A_162, %add3A_190 : i32
        %mul3A_192 = arith.constant 16 : i32
        %mul3A_193 = arith.muli %add3A_191, %mul3A_192 : i32
        %add3A_194 = arith.addi %arg1, %mul3A_193 : i32
        %rem3A_195 = arith.constant 3 : i32
        %rem3A_196 = arith.remsi %add3A_191, %rem3A_195 : i32
        %rem3A_197 = arith.constant 3 : i32
        %rem3A_198 = arith.remsi %add3A_191, %rem3A_197 : i32
        %dma_start3A_199 = arith.constant 0 : i32
        %dma_start3A_200 = arith.constant 0 : i32
        %dma_start3A_201 = tpu.memref_slice %arg5[%rem3A_196, %dma_start3A_199, %dma_start3A_200] : memref<3x2x128xi32, #tpu.memory_space<vmem>> -> memref<1x2x128xi32, #tpu.memory_space<vmem>>
        %dma_start3A_202 = tpu.memref_squeeze %dma_start3A_201 : memref<1x2x128xi32, #tpu.memory_space<vmem>> -> memref<2x128xi32, #tpu.memory_space<vmem>>
        %dma_start3A_203 = arith.constant 0 : i32
        %dma_start3A_204 = arith.constant 0 : i32
        %dma_start3A_205 = tpu.memref_slice %arg3[%arg0, %add3A_194, %dma_start3A_203, %dma_start3A_204] : memref<2x1250x2x128xi32, #tpu.memory_space<hbm>> -> memref<1x1x2x128xi32, #tpu.memory_space<hbm>>
        %dma_start3A_206 = tpu.memref_squeeze %dma_start3A_205 : memref<1x1x2x128xi32, #tpu.memory_space<hbm>> -> memref<2x128xi32, #tpu.memory_space<hbm>>
        %dma_start3A_207 = tpu.memref_slice %arg8[%rem3A_198] : memref<3x!tpu.dma_semaphore, #tpu.memory_space<semaphore_mem>> -> memref<1x!tpu.dma_semaphore, #tpu.memory_space<semaphore_mem>>
        %dma_start3A_208 = tpu.memref_squeeze %dma_start3A_207 : memref<1x!tpu.dma_semaphore, #tpu.memory_space<semaphore_mem>> -> memref<!tpu.dma_semaphore, #tpu.memory_space<semaphore_mem>>
        %dma_start3A_209 = arith.constant 0 : i32
        %dma_start3A_210 = arith.constant 0 : i32
        %dma_start3A_211 = tpu.memref_slice %arg5[%rem3A_196, %dma_start3A_209, %dma_start3A_210] : memref<3x2x128xi32, #tpu.memory_space<vmem>> -> memref<1x2x128xi32, #tpu.memory_space<vmem>>
        %dma_start3A_212 = tpu.memref_squeeze %dma_start3A_211 : memref<1x2x128xi32, #tpu.memory_space<vmem>> -> memref<2x128xi32, #tpu.memory_space<vmem>>
        %dma_start3A_213 = arith.constant 0 : i32
        %dma_start3A_214 = arith.constant 0 : i32
        %dma_start3A_215 = tpu.memref_slice %arg3[%arg0, %add3A_194, %dma_start3A_213, %dma_start3A_214] : memref<2x1250x2x128xi32, #tpu.memory_space<hbm>> -> memref<1x1x2x128xi32, #tpu.memory_space<hbm>>
        %dma_start3A_216 = tpu.memref_squeeze %dma_start3A_215 : memref<1x1x2x128xi32, #tpu.memory_space<hbm>> -> memref<2x128xi32, #tpu.memory_space<hbm>>
        tpu.enqueue_dma source(%dma_start3A_216 : memref<2x128xi32, #tpu.memory_space<hbm>>) target(%dma_start3A_212 : memref<2x128xi32, #tpu.memory_space<vmem>>) target_semaphore(%dma_start3A_208 : memref<!tpu.dma_semaphore, #tpu.memory_space<semaphore_mem>>)
      } else {
      }
      %add3A_172 = arith.constant 1 : i32
      %add3A_173 = arith.addi %scan3A_162, %add3A_172 : i32
      %mul3A_174 = arith.constant 16 : i32
      %mul3A_175 = arith.muli %add3A_173, %mul3A_174 : i32
      %add3A_176 = arith.addi %arg1, %mul3A_175 : i32
      %lt3A_177 = arith.constant 1250 : i32
      %lt3A_178 = arith.cmpi slt, %add3A_176, %lt3A_177 : i32
      %convert_element_type3A_179 = arith.extui %lt3A_178 : i1 to i32
      %cond3A_180 = arith.constant 0 : i32
      %cond3A_181 = arith.cmpi ne, %convert_element_type3A_179, %cond3A_180 : i32
      scf.if %cond3A_181 {
        %add3A_190 = arith.constant 1 : i32
        %add3A_191 = arith.addi %scan3A_162, %add3A_190 : i32
        %ge3A_192 = arith.constant 2 : i32
        %ge3A_193 = arith.cmpi sge, %add3A_191, %ge3A_192 : i32
        %convert_element_type3A_194 = arith.extui %ge3A_193 : i1 to i32
        %cond3A_195 = arith.constant 0 : i32
        %cond3A_196 = arith.cmpi ne, %convert_element_type3A_194, %cond3A_195 : i32
        scf.if %cond3A_196 {
          %add3A_245 = arith.constant 1 : i32
          %add3A_246 = arith.addi %scan3A_162, %add3A_245 : i32
          %sub3A_247 = arith.constant 2 : i32
          %sub3A_248 = arith.subi %add3A_246, %sub3A_247 : i32
          %rem3A_249 = arith.constant 2 : i32
          %rem3A_250 = arith.remsi %sub3A_248, %rem3A_249 : i32
          %rem3A_251 = arith.constant 3 : i32
          %rem3A_252 = arith.remsi %sub3A_248, %rem3A_251 : i32
          %rem3A_253 = arith.constant 2 : i32
          %rem3A_254 = arith.remsi %sub3A_248, %rem3A_253 : i32
          %dma_wait3A_255 = arith.constant 1 : i32
          %dma_wait3A_256 = arith.constant 0 : i32
          %dma_wait3A_257 = arith.constant 0 : i32
          %dma_wait3A_258 = tpu.memref_slice %arg6[%rem3A_250, %dma_wait3A_256, %dma_wait3A_257] : memref<2x128x128xf32, #tpu.memory_space<vmem>> -> memref<1x128x128xf32, #tpu.memory_space<vmem>>
          %dma_wait3A_259 = tpu.memref_squeeze %dma_wait3A_258 : memref<1x128x128xf32, #tpu.memory_space<vmem>> -> memref<128x128xf32, #tpu.memory_space<vmem>>
          %dma_wait3A_260 = arith.constant 0 : i32
          %dma_wait3A_261 = tpu.memref_slice %arg5[%rem3A_252, %dma_wait3A_255, %dma_wait3A_260] : memref<3x2x128xi32, #tpu.memory_space<vmem>> -> memref<1x1x128xi32, #tpu.memory_space<vmem>>
          %dma_wait3A_262 = tpu.memref_squeeze %dma_wait3A_261 : memref<1x1x128xi32, #tpu.memory_space<vmem>> -> memref<128xi32, #tpu.memory_space<vmem>>
          %dma_wait3A_263 = arith.constant 0 : i32
          %dma_wait3A_264 = arith.constant 0 : i32
          %dma_wait3A_265 = tpu.memref_slice %arg7[%dma_wait3A_263, %dma_wait3A_264] : memref<10000x128xf32, #tpu.memory_space<vmem_shared>> -> memref<10000x128xf32, #tpu.memory_space<vmem_shared>>
          %dma_wait3A_266 = tpu.memref_slice %arg10[%rem3A_254] : memref<2x!tpu.dma_semaphore, #tpu.memory_space<semaphore_mem>> -> memref<1x!tpu.dma_semaphore, #tpu.memory_space<semaphore_mem>>
          %dma_wait3A_267 = tpu.memref_squeeze %dma_wait3A_266 : memref<1x!tpu.dma_semaphore, #tpu.memory_space<semaphore_mem>> -> memref<!tpu.dma_semaphore, #tpu.memory_space<semaphore_mem>>
          tpu.wait_indirect_dma semaphore(%dma_wait3A_267 : memref<!tpu.dma_semaphore, #tpu.memory_space<semaphore_mem>>) src(%dma_wait3A_259 : memref<128x128xf32, #tpu.memory_space<vmem>>) dst(%dma_wait3A_265 : memref<10000x128xf32, #tpu.memory_space<vmem_shared>>)
        } else {
        }
        %add3A_197 = arith.constant 1 : i32
        %add3A_198 = arith.addi %scan3A_162, %add3A_197 : i32
        %mul3A_199 = arith.constant 16 : i32
        %mul3A_200 = arith.muli %add3A_198, %mul3A_199 : i32
        %add3A_201 = arith.addi %arg1, %mul3A_200 : i32
        %rem3A_202 = arith.constant 3 : i32
        %rem3A_203 = arith.remsi %add3A_198, %rem3A_202 : i32
        %rem3A_204 = arith.constant 3 : i32
        %rem3A_205 = arith.remsi %add3A_198, %rem3A_204 : i32
        %dma_wait3A_206 = arith.constant 0 : i32
        %dma_wait3A_207 = arith.constant 0 : i32
        %dma_wait3A_208 = tpu.memref_slice %arg5[%rem3A_203, %dma_wait3A_206, %dma_wait3A_207] : memref<3x2x128xi32, #tpu.memory_space<vmem>> -> memref<1x2x128xi32, #tpu.memory_space<vmem>>
        %dma_wait3A_209 = tpu.memref_squeeze %dma_wait3A_208 : memref<1x2x128xi32, #tpu.memory_space<vmem>> -> memref<2x128xi32, #tpu.memory_space<vmem>>
        %dma_wait3A_210 = arith.constant 0 : i32
        %dma_wait3A_211 = arith.constant 0 : i32
        %dma_wait3A_212 = tpu.memref_slice %arg3[%arg0, %add3A_201, %dma_wait3A_210, %dma_wait3A_211] : memref<2x1250x2x128xi32, #tpu.memory_space<hbm>> -> memref<1x1x2x128xi32, #tpu.memory_space<hbm>>
        %dma_wait3A_213 = tpu.memref_squeeze %dma_wait3A_212 : memref<1x1x2x128xi32, #tpu.memory_space<hbm>> -> memref<2x128xi32, #tpu.memory_space<hbm>>
        %dma_wait3A_214 = tpu.memref_slice %arg8[%rem3A_205] : memref<3x!tpu.dma_semaphore, #tpu.memory_space<semaphore_mem>> -> memref<1x!tpu.dma_semaphore, #tpu.memory_space<semaphore_mem>>
        %dma_wait3A_215 = tpu.memref_squeeze %dma_wait3A_214 : memref<1x!tpu.dma_semaphore, #tpu.memory_space<semaphore_mem>> -> memref<!tpu.dma_semaphore, #tpu.memory_space<semaphore_mem>>
        %dma_wait3A_216 = arith.constant 0 : i32
        %dma_wait3A_217 = arith.constant 0 : i32
        %dma_wait3A_218 = tpu.memref_slice %arg5[%rem3A_203, %dma_wait3A_216, %dma_wait3A_217] : memref<3x2x128xi32, #tpu.memory_space<vmem>> -> memref<1x2x128xi32, #tpu.memory_space<vmem>>
        %dma_wait3A_219 = tpu.memref_squeeze %dma_wait3A_218 : memref<1x2x128xi32, #tpu.memory_space<vmem>> -> memref<2x128xi32, #tpu.memory_space<vmem>>
        %dma_wait3A_220 = arith.constant 0 : i32
        %dma_wait3A_221 = arith.constant 0 : i32
        %dma_wait3A_222 = tpu.memref_slice %arg3[%arg0, %add3A_201, %dma_wait3A_220, %dma_wait3A_221] : memref<2x1250x2x128xi32, #tpu.memory_space<hbm>> -> memref<1x1x2x128xi32, #tpu.memory_space<hbm>>
        %dma_wait3A_223 = tpu.memref_squeeze %dma_wait3A_222 : memref<1x1x2x128xi32, #tpu.memory_space<hbm>> -> memref<2x128xi32, #tpu.memory_space<hbm>>
        tpu.wait_dma2 semaphore(%dma_wait3A_215 : memref<!tpu.dma_semaphore, #tpu.memory_space<semaphore_mem>>) src(%dma_wait3A_223 : memref<2x128xi32, #tpu.memory_space<hbm>>) dst(%dma_wait3A_219 : memref<2x128xi32, #tpu.memory_space<vmem>>)
        %add3A_224 = arith.constant 1 : i32
        %add3A_225 = arith.addi %scan3A_162, %add3A_224 : i32
        %rem3A_226 = arith.constant 3 : i32
        %rem3A_227 = arith.remsi %add3A_225, %rem3A_226 : i32
        %rem3A_228 = arith.constant 2 : i32
        %rem3A_229 = arith.remsi %add3A_225, %rem3A_228 : i32
        %rem3A_230 = arith.constant 2 : i32
        %rem3A_231 = arith.remsi %add3A_225, %rem3A_230 : i32
        %dma_start3A_232 = arith.constant 0 : i32
        %dma_start3A_233 = arith.constant 0 : i32
        %dma_start3A_234 = arith.constant 0 : i32
        %dma_start3A_235 = tpu.memref_slice %arg6[%rem3A_229, %dma_start3A_233, %dma_start3A_234] : memref<2x128x128xf32, #tpu.memory_space<vmem>> -> memref<1x128x128xf32, #tpu.memory_space<vmem>>
        %dma_start3A_236 = tpu.memref_squeeze %dma_start3A_235 : memref<1x128x128xf32, #tpu.memory_space<vmem>> -> memref<128x128xf32, #tpu.memory_space<vmem>>
        %dma_start3A_237 = arith.constant 0 : i32
        %dma_start3A_238 = tpu.memref_slice %arg5[%rem3A_227, %dma_start3A_232, %dma_start3A_237] : memref<3x2x128xi32, #tpu.memory_space<vmem>> -> memref<1x1x128xi32, #tpu.memory_space<vmem>>
        %dma_start3A_239 = tpu.memref_squeeze %dma_start3A_238 : memref<1x1x128xi32, #tpu.memory_space<vmem>> -> memref<128xi32, #tpu.memory_space<vmem>>
        %dma_start3A_240 = arith.constant 0 : i32
        %dma_start3A_241 = arith.constant 0 : i32
        %dma_start3A_242 = tpu.memref_slice %arg2[%dma_start3A_240, %dma_start3A_241] : memref<20000x128xf32, #tpu.memory_space<hbm>> -> memref<20000x128xf32, #tpu.memory_space<hbm>>
        %dma_start3A_243 = tpu.memref_slice %arg9[%rem3A_231] : memref<2x!tpu.dma_semaphore, #tpu.memory_space<semaphore_mem>> -> memref<1x!tpu.dma_semaphore, #tpu.memory_space<semaphore_mem>>
        %dma_start3A_244 = tpu.memref_squeeze %dma_start3A_243 : memref<1x!tpu.dma_semaphore, #tpu.memory_space<semaphore_mem>> -> memref<!tpu.dma_semaphore, #tpu.memory_space<semaphore_mem>>
        tpu.enqueue_indirect_dma source(%dma_start3A_242 : memref<20000x128xf32, #tpu.memory_space<hbm>>) target(%dma_start3A_236 : memref<128x128xf32, #tpu.memory_space<vmem>>) offsets(%dma_start3A_239 : memref<128xi32, #tpu.memory_space<vmem>>) semaphore(%dma_start3A_244 : memref<!tpu.dma_semaphore, #tpu.memory_space<semaphore_mem>>)
      } else {
      }
      %mul3A_182 = arith.constant 16 : i32
      %mul3A_183 = arith.muli %scan3A_162, %mul3A_182 : i32
      %add3A_184 = arith.addi %arg1, %mul3A_183 : i32
      %lt3A_185 = arith.constant 1250 : i32
      %lt3A_186 = arith.cmpi slt, %add3A_184, %lt3A_185 : i32
      %convert_element_type3A_187 = arith.extui %lt3A_186 : i1 to i32
      %cond3A_188 = arith.constant 0 : i32
      %cond3A_189 = arith.cmpi ne, %convert_element_type3A_187, %cond3A_188 : i32
      scf.if %cond3A_189 {
        %rem3A_190 = arith.constant 3 : i32
        %rem3A_191 = arith.remsi %scan3A_162, %rem3A_190 : i32
        %rem3A_192 = arith.constant 2 : i32
        %rem3A_193 = arith.remsi %scan3A_162, %rem3A_192 : i32
        %rem3A_194 = arith.constant 2 : i32
        %rem3A_195 = arith.remsi %scan3A_162, %rem3A_194 : i32
        %dma_wait3A_196 = arith.constant 0 : i32
        %dma_wait3A_197 = arith.constant 0 : i32
        %dma_wait3A_198 = arith.constant 0 : i32
        %dma_wait3A_199 = tpu.memref_slice %arg6[%rem3A_193, %dma_wait3A_197, %dma_wait3A_198] : memref<2x128x128xf32, #tpu.memory_space<vmem>> -> memref<1x128x128xf32, #tpu.memory_space<vmem>>
        %dma_wait3A_200 = tpu.memref_squeeze %dma_wait3A_199 : memref<1x128x128xf32, #tpu.memory_space<vmem>> -> memref<128x128xf32, #tpu.memory_space<vmem>>
        %dma_wait3A_201 = arith.constant 0 : i32
        %dma_wait3A_202 = tpu.memref_slice %arg5[%rem3A_191, %dma_wait3A_196, %dma_wait3A_201] : memref<3x2x128xi32, #tpu.memory_space<vmem>> -> memref<1x1x128xi32, #tpu.memory_space<vmem>>
        %dma_wait3A_203 = tpu.memref_squeeze %dma_wait3A_202 : memref<1x1x128xi32, #tpu.memory_space<vmem>> -> memref<128xi32, #tpu.memory_space<vmem>>
        %dma_wait3A_204 = arith.constant 0 : i32
        %dma_wait3A_205 = arith.constant 0 : i32
        %dma_wait3A_206 = tpu.memref_slice %arg2[%dma_wait3A_204, %dma_wait3A_205] : memref<20000x128xf32, #tpu.memory_space<hbm>> -> memref<20000x128xf32, #tpu.memory_space<hbm>>
        %dma_wait3A_207 = tpu.memref_slice %arg9[%rem3A_195] : memref<2x!tpu.dma_semaphore, #tpu.memory_space<semaphore_mem>> -> memref<1x!tpu.dma_semaphore, #tpu.memory_space<semaphore_mem>>
        %dma_wait3A_208 = tpu.memref_squeeze %dma_wait3A_207 : memref<1x!tpu.dma_semaphore, #tpu.memory_space<semaphore_mem>> -> memref<!tpu.dma_semaphore, #tpu.memory_space<semaphore_mem>>
        tpu.wait_indirect_dma semaphore(%dma_wait3A_208 : memref<!tpu.dma_semaphore, #tpu.memory_space<semaphore_mem>>) src(%dma_wait3A_206 : memref<20000x128xf32, #tpu.memory_space<hbm>>) dst(%dma_wait3A_200 : memref<128x128xf32, #tpu.memory_space<vmem>>)
        %rem3A_209 = arith.constant 2 : i32
        %rem3A_210 = arith.remsi %scan3A_162, %rem3A_209 : i32
        %rem3A_211 = arith.constant 3 : i32
        %rem3A_212 = arith.remsi %scan3A_162, %rem3A_211 : i32
        %rem3A_213 = arith.constant 2 : i32
        %rem3A_214 = arith.remsi %scan3A_162, %rem3A_213 : i32
        %dma_start3A_215 = arith.constant 1 : i32
        %dma_start3A_216 = arith.constant 0 : i32
        %dma_start3A_217 = arith.constant 0 : i32
        %dma_start3A_218 = tpu.memref_slice %arg6[%rem3A_210, %dma_start3A_216, %dma_start3A_217] : memref<2x128x128xf32, #tpu.memory_space<vmem>> -> memref<1x128x128xf32, #tpu.memory_space<vmem>>
        %dma_start3A_219 = tpu.memref_squeeze %dma_start3A_218 : memref<1x128x128xf32, #tpu.memory_space<vmem>> -> memref<128x128xf32, #tpu.memory_space<vmem>>
        %dma_start3A_220 = arith.constant 0 : i32
        %dma_start3A_221 = tpu.memref_slice %arg5[%rem3A_212, %dma_start3A_215, %dma_start3A_220] : memref<3x2x128xi32, #tpu.memory_space<vmem>> -> memref<1x1x128xi32, #tpu.memory_space<vmem>>
        %dma_start3A_222 = tpu.memref_squeeze %dma_start3A_221 : memref<1x1x128xi32, #tpu.memory_space<vmem>> -> memref<128xi32, #tpu.memory_space<vmem>>
        %dma_start3A_223 = arith.constant 0 : i32
        %dma_start3A_224 = arith.constant 0 : i32
        %dma_start3A_225 = tpu.memref_slice %arg7[%dma_start3A_223, %dma_start3A_224] : memref<10000x128xf32, #tpu.memory_space<vmem_shared>> -> memref<10000x128xf32, #tpu.memory_space<vmem_shared>>
        %dma_start3A_226 = tpu.memref_slice %arg10[%rem3A_214] : memref<2x!tpu.dma_semaphore, #tpu.memory_space<semaphore_mem>> -> memref<1x!tpu.dma_semaphore, #tpu.memory_space<semaphore_mem>>
        %dma_start3A_227 = tpu.memref_squeeze %dma_start3A_226 : memref<1x!tpu.dma_semaphore, #tpu.memory_space<semaphore_mem>> -> memref<!tpu.dma_semaphore, #tpu.memory_space<semaphore_mem>>
        tpu.enqueue_indirect_dma source(%dma_start3A_219 : memref<128x128xf32, #tpu.memory_space<vmem>>) target(%dma_start3A_225 : memref<10000x128xf32, #tpu.memory_space<vmem_shared>>) offsets(%dma_start3A_222 : memref<128xi32, #tpu.memory_space<vmem>>) semaphore(%dma_start3A_227 : memref<!tpu.dma_semaphore, #tpu.memory_space<semaphore_mem>>) {add = true}
      } else {
      }
    }
    %scan3A_108 = arith.constant 79 : i32
    %sub3A = arith.constant 1250 : i32
    %sub3A_109 = arith.subi %sub3A, %arg1 : i32
    %add3A_110 = arith.constant 16 : i32
    %add3A_111 = arith.addi %sub3A_109, %add3A_110 : i32
    %sub3A_112 = arith.constant 1 : i32
    %sub3A_113 = arith.subi %add3A_111, %sub3A_112 : i32
    %jit3A = arith.constant 16 : i32
    %div3A = arith.divsi %sub3A_113, %jit3A : i32
    %sign3A = arith.constant 0 : i32
    %sign3A_114 = arith.cmpi sgt, %sub3A_113, %sign3A : i32
    %sign3A_115 = arith.extui %sign3A_114 : i1 to i32
    %sign3A_116 = arith.constant 0 : i32
    %sign3A_117 = arith.cmpi slt, %sub3A_113, %sign3A_116 : i32
    %sign3A_118 = arith.extui %sign3A_117 : i1 to i32
    %sign3A_119 = arith.subi %sign3A_115, %sign3A_118 : i32
    %sign3A_120 = arith.constant 0 : i32
    %sign3A_121 = arith.cmpi sgt, %jit3A, %sign3A_120 : i32
    %sign3A_122 = arith.extui %sign3A_121 : i1 to i32
    %sign3A_123 = arith.constant 0 : i32
    %sign3A_124 = arith.cmpi slt, %jit3A, %sign3A_123 : i32
    %sign3A_125 = arith.extui %sign3A_124 : i1 to i32
    %sign3A_126 = arith.subi %sign3A_122, %sign3A_125 : i32
    %ne3A = arith.cmpi ne, %sign3A_119, %sign3A_126 : i32
    %rem3A_127 = arith.remsi %sub3A_113, %jit3A : i32
    %ne3A_128 = arith.constant 0 : i32
    %ne3A_129 = arith.cmpi ne, %rem3A_127, %ne3A_128 : i32
    %and3A = arith.andi %ne3A, %ne3A_129 : i1
    %sub3A_130 = arith.constant 1 : i32
    %sub3A_131 = arith.subi %div3A, %sub3A_130 : i32
    %select_n3A = arith.select %and3A, %sub3A_131, %div3A : i32
    %sub3A_132 = arith.constant 2 : i32
    %sub3A_133 = arith.subi %select_n3A, %sub3A_132 : i32
    %add3A_134 = arith.constant 0 : i32
    %add3A_135 = arith.addi %sub3A_133, %add3A_134 : i32
    %ge3A = arith.constant 0 : i32
    %ge3A_136 = arith.cmpi sge, %add3A_135, %ge3A : i32
    %convert_element_type3A_137 = arith.extui %ge3A_136 : i1 to i32
    %cond3A_138 = arith.constant 0 : i32
    %cond3A_139 = arith.cmpi ne, %convert_element_type3A_137, %cond3A_138 : i32
    scf.if %cond3A_139 {
      %rem3A_162 = arith.constant 2 : i32
      %rem3A_163 = arith.remsi %add3A_135, %rem3A_162 : i32
      %rem3A_164 = arith.constant 3 : i32
      %rem3A_165 = arith.remsi %add3A_135, %rem3A_164 : i32
      %rem3A_166 = arith.constant 2 : i32
      %rem3A_167 = arith.remsi %add3A_135, %rem3A_166 : i32
      %dma_wait3A_168 = arith.constant 1 : i32
      %dma_wait3A_169 = arith.constant 0 : i32
      %dma_wait3A_170 = arith.constant 0 : i32
      %dma_wait3A_171 = tpu.memref_slice %arg6[%rem3A_163, %dma_wait3A_169, %dma_wait3A_170] : memref<2x128x128xf32, #tpu.memory_space<vmem>> -> memref<1x128x128xf32, #tpu.memory_space<vmem>>
      %dma_wait3A_172 = tpu.memref_squeeze %dma_wait3A_171 : memref<1x128x128xf32, #tpu.memory_space<vmem>> -> memref<128x128xf32, #tpu.memory_space<vmem>>
      %dma_wait3A_173 = arith.constant 0 : i32
      %dma_wait3A_174 = tpu.memref_slice %arg5[%rem3A_165, %dma_wait3A_168, %dma_wait3A_173] : memref<3x2x128xi32, #tpu.memory_space<vmem>> -> memref<1x1x128xi32, #tpu.memory_space<vmem>>
      %dma_wait3A_175 = tpu.memref_squeeze %dma_wait3A_174 : memref<1x1x128xi32, #tpu.memory_space<vmem>> -> memref<128xi32, #tpu.memory_space<vmem>>
      %dma_wait3A_176 = arith.constant 0 : i32
      %dma_wait3A_177 = arith.constant 0 : i32
      %dma_wait3A_178 = tpu.memref_slice %arg7[%dma_wait3A_176, %dma_wait3A_177] : memref<10000x128xf32, #tpu.memory_space<vmem_shared>> -> memref<10000x128xf32, #tpu.memory_space<vmem_shared>>
      %dma_wait3A_179 = tpu.memref_slice %arg10[%rem3A_167] : memref<2x!tpu.dma_semaphore, #tpu.memory_space<semaphore_mem>> -> memref<1x!tpu.dma_semaphore, #tpu.memory_space<semaphore_mem>>
      %dma_wait3A_180 = tpu.memref_squeeze %dma_wait3A_179 : memref<1x!tpu.dma_semaphore, #tpu.memory_space<semaphore_mem>> -> memref<!tpu.dma_semaphore, #tpu.memory_space<semaphore_mem>>
      tpu.wait_indirect_dma semaphore(%dma_wait3A_180 : memref<!tpu.dma_semaphore, #tpu.memory_space<semaphore_mem>>) src(%dma_wait3A_172 : memref<128x128xf32, #tpu.memory_space<vmem>>) dst(%dma_wait3A_178 : memref<10000x128xf32, #tpu.memory_space<vmem_shared>>)
    } else {
    }
    %sub3A_140 = arith.constant 2 : i32
    %sub3A_141 = arith.subi %select_n3A, %sub3A_140 : i32
    %add3A_142 = arith.constant 1 : i32
    %add3A_143 = arith.addi %sub3A_141, %add3A_142 : i32
    %ge3A_144 = arith.constant 0 : i32
    %ge3A_145 = arith.cmpi sge, %add3A_143, %ge3A_144 : i32
    %convert_element_type3A_146 = arith.extui %ge3A_145 : i1 to i32
    %cond3A_147 = arith.constant 0 : i32
    %cond3A_148 = arith.cmpi ne, %convert_element_type3A_146, %cond3A_147 : i32
    scf.if %cond3A_148 {
      %rem3A_162 = arith.constant 2 : i32
      %rem3A_163 = arith.remsi %add3A_143, %rem3A_162 : i32
      %rem3A_164 = arith.constant 3 : i32
      %rem3A_165 = arith.remsi %add3A_143, %rem3A_164 : i32
      %rem3A_166 = arith.constant 2 : i32
      %rem3A_167 = arith.remsi %add3A_143, %rem3A_166 : i32
      %dma_wait3A_168 = arith.constant 1 : i32
      %dma_wait3A_169 = arith.constant 0 : i32
      %dma_wait3A_170 = arith.constant 0 : i32
      %dma_wait3A_171 = tpu.memref_slice %arg6[%rem3A_163, %dma_wait3A_169, %dma_wait3A_170] : memref<2x128x128xf32, #tpu.memory_space<vmem>> -> memref<1x128x128xf32, #tpu.memory_space<vmem>>
      %dma_wait3A_172 = tpu.memref_squeeze %dma_wait3A_171 : memref<1x128x128xf32, #tpu.memory_space<vmem>> -> memref<128x128xf32, #tpu.memory_space<vmem>>
      %dma_wait3A_173 = arith.constant 0 : i32
      %dma_wait3A_174 = tpu.memref_slice %arg5[%rem3A_165, %dma_wait3A_168, %dma_wait3A_173] : memref<3x2x128xi32, #tpu.memory_space<vmem>> -> memref<1x1x128xi32, #tpu.memory_space<vmem>>
      %dma_wait3A_175 = tpu.memref_squeeze %dma_wait3A_174 : memref<1x1x128xi32, #tpu.memory_space<vmem>> -> memref<128xi32, #tpu.memory_space<vmem>>
      %dma_wait3A_176 = arith.constant 0 : i32
      %dma_wait3A_177 = arith.constant 0 : i32
      %dma_wait3A_178 = tpu.memref_slice %arg7[%dma_wait3A_176, %dma_wait3A_177] : memref<10000x128xf32, #tpu.memory_space<vmem_shared>> -> memref<10000x128xf32, #tpu.memory_space<vmem_shared>>
      %dma_wait3A_179 = tpu.memref_slice %arg10[%rem3A_167] : memref<2x!tpu.dma_semaphore, #tpu.memory_space<semaphore_mem>> -> memref<1x!tpu.dma_semaphore, #tpu.memory_space<semaphore_mem>>
      %dma_wait3A_180 = tpu.memref_squeeze %dma_wait3A_179 : memref<1x!tpu.dma_semaphore, #tpu.memory_space<semaphore_mem>> -> memref<!tpu.dma_semaphore, #tpu.memory_space<semaphore_mem>>
      tpu.wait_indirect_dma semaphore(%dma_wait3A_180 : memref<!tpu.dma_semaphore, #tpu.memory_space<semaphore_mem>>) src(%dma_wait3A_172 : memref<128x128xf32, #tpu.memory_space<vmem>>) dst(%dma_wait3A_178 : memref<10000x128xf32, #tpu.memory_space<vmem_shared>>)
    } else {
    }
    %barrier3A_149 = arith.constant 0 : index
    tpu.barrier barrier_id(%barrier3A_149)
    %mul3A_150 = arith.constant 624 : i32
    %mul3A_151 = arith.muli %arg1, %mul3A_150 : i32
    %mul3A_152 = arith.constant 10000 : i32
    %mul3A_153 = arith.muli %arg0, %mul3A_152 : i32
    %mul3A_154 = arith.constant 624 : i32
    %mul3A_155 = arith.muli %arg1, %mul3A_154 : i32
    %add3A_156 = arith.addi %mul3A_153, %mul3A_155 : i32
    "tpu.region"() ({
      %run_scoped3A = tpu.sem_alloc : memref<!tpu.dma_semaphore, #tpu.memory_space<semaphore_mem>>
      %dma_start3A_162 = arith.constant 0 : i32
      %dma_start3A_163 = tpu.memref_slice %arg4[%add3A_156, %dma_start3A_162] : memref<20000x128xf32, #tpu.memory_space<hbm>> -> memref<624x128xf32, #tpu.memory_space<hbm>>
      %dma_start3A_164 = arith.constant 0 : i32
      %dma_start3A_165 = tpu.memref_slice %arg7[%mul3A_151, %dma_start3A_164] : memref<10000x128xf32, #tpu.memory_space<vmem_shared>> -> memref<624x128xf32, #tpu.memory_space<vmem_shared>>
      tpu.enqueue_dma source(%dma_start3A_165 : memref<624x128xf32, #tpu.memory_space<vmem_shared>>) target(%dma_start3A_163 : memref<624x128xf32, #tpu.memory_space<hbm>>) target_semaphore(%run_scoped3A : memref<!tpu.dma_semaphore, #tpu.memory_space<semaphore_mem>>)
      %dma_wait3A_166 = arith.constant 0 : i32
      %dma_wait3A_167 = tpu.memref_slice %arg4[%add3A_156, %dma_wait3A_166] : memref<20000x128xf32, #tpu.memory_space<hbm>> -> memref<624x128xf32, #tpu.memory_space<hbm>>
      %dma_wait3A_168 = arith.constant 0 : i32
      %dma_wait3A_169 = tpu.memref_slice %arg7[%mul3A_151, %dma_wait3A_168] : memref<10000x128xf32, #tpu.memory_space<vmem_shared>> -> memref<624x128xf32, #tpu.memory_space<vmem_shared>>
      tpu.wait_dma2 semaphore(%run_scoped3A : memref<!tpu.dma_semaphore, #tpu.memory_space<semaphore_mem>>) src(%dma_wait3A_169 : memref<624x128xf32, #tpu.memory_space<vmem_shared>>) dst(%dma_wait3A_167 : memref<624x128xf32, #tpu.memory_space<hbm>>)
      tpu.yield
    }) : () -> ()
    %eq3A_157 = arith.constant 0 : i32
    %eq3A_158 = arith.cmpi eq, %arg1, %eq3A_157 : i32
    %convert_element_type3A_159 = arith.extui %eq3A_158 : i1 to i32
    %cond3A_160 = arith.constant 0 : i32
    %cond3A_161 = arith.cmpi ne, %convert_element_type3A_159, %cond3A_160 : i32
    scf.if %cond3A_161 {
      %mul3A_162 = arith.constant 10000 : i32
      %mul3A_163 = arith.muli %arg0, %mul3A_162 : i32
      %add3A_164 = arith.constant 9984 : i32
      %add3A_165 = arith.addi %mul3A_163, %add3A_164 : i32
      "tpu.region"() ({
        %run_scoped3A = tpu.sem_alloc : memref<!tpu.dma_semaphore, #tpu.memory_space<semaphore_mem>>
        %dma_start3A_166 = arith.constant 0 : i32
        %dma_start3A_167 = tpu.memref_slice %arg4[%add3A_165, %dma_start3A_166] : memref<20000x128xf32, #tpu.memory_space<hbm>> -> memref<16x128xf32, #tpu.memory_space<hbm>>
        %dma_start3A_168 = arith.constant 9984 : i32
        %dma_start3A_169 = arith.constant 0 : i32
        %dma_start3A_170 = tpu.memref_slice %arg7[%dma_start3A_168, %dma_start3A_169] : memref<10000x128xf32, #tpu.memory_space<vmem_shared>> -> memref<16x128xf32, #tpu.memory_space<vmem_shared>>
        tpu.enqueue_dma source(%dma_start3A_170 : memref<16x128xf32, #tpu.memory_space<vmem_shared>>) target(%dma_start3A_167 : memref<16x128xf32, #tpu.memory_space<hbm>>) target_semaphore(%run_scoped3A : memref<!tpu.dma_semaphore, #tpu.memory_space<semaphore_mem>>)
        %dma_wait3A_171 = arith.constant 0 : i32
        %dma_wait3A_172 = tpu.memref_slice %arg4[%add3A_165, %dma_wait3A_171] : memref<20000x128xf32, #tpu.memory_space<hbm>> -> memref<16x128xf32, #tpu.memory_space<hbm>>
        %dma_wait3A_173 = arith.constant 9984 : i32
        %dma_wait3A_174 = arith.constant 0 : i32
        %dma_wait3A_175 = tpu.memref_slice %arg7[%dma_wait3A_173, %dma_wait3A_174] : memref<10000x128xf32, #tpu.memory_space<vmem_shared>> -> memref<16x128xf32, #tpu.memory_space<vmem_shared>>
        tpu.wait_dma2 semaphore(%run_scoped3A : memref<!tpu.dma_semaphore, #tpu.memory_space<semaphore_mem>>) src(%dma_wait3A_175 : memref<16x128xf32, #tpu.memory_space<vmem_shared>>) dst(%dma_wait3A_172 : memref<16x128xf32, #tpu.memory_space<hbm>>)
        tpu.yield
      }) : () -> ()
    } else {
    }
    return
  }
}

#map = affine_map<(d0, d1) -> (0, 0)>
#map1 = affine_map<(d0, d1) -> (0, 0, 0, 0)>
module attributes {stable_mosaic.version = 14 : i64} {
  func.func @k(%arg0: i32, %arg1: i32, %arg2: memref<20000x128xf32, #tpu.memory_space<hbm>>, %arg3: memref<2x1250x2x128xi32, #tpu.memory_space<hbm>>, %arg4: memref<20000x128xf32, #tpu.memory_space<hbm>>, %arg5: memref<3x2x128xi32, #tpu.memory_space<vmem>>, %arg6: memref<2x128x128xf32, #tpu.memory_space<vmem>>, %arg7: memref<10000x128xf32, #tpu.memory_space<vmem_shared>>, %arg8: memref<3x!tpu.dma_semaphore, #tpu.memory_space<semaphore_mem>>, %arg9: memref<2x!tpu.dma_semaphore, #tpu.memory_space<semaphore_mem>>, %arg10: memref<2x!tpu.dma_semaphore, #tpu.memory_space<semaphore_mem>>) attributes {dimension_semantics = [#tpu.dimension_semantics<core_parallel>, #tpu.dimension_semantics<subcore_parallel>], iteration_bounds = array<i64: 2, 16>, scalar_prefetch = 0 : i64, scratch_operands = 6 : i64, tpu.core_type = #tpu.core_type<sc_vector_subcore>, window_params = [{transform_indices = #map}, {transform_indices = #map1}, {transform_indices = #map}]} {
    %add3A = arith.constant 0 : i32
    %add3A_0 = arith.addi %arg1, %add3A : i32
    %rem3A = arith.constant 0 : i32
    %rem3A_1 = arith.constant 3 : i32
    %rem3A_2 = arith.remsi %rem3A, %rem3A_1 : i32
    %rem3A_3 = arith.constant 0 : i32
    %rem3A_4 = arith.constant 3 : i32
    %rem3A_5 = arith.remsi %rem3A_3, %rem3A_4 : i32
    %dma_start3A = arith.constant 0 : i32
    %dma_start3A_6 = arith.constant 0 : i32
    %dma_start3A_7 = tpu.memref_slice %arg5[%rem3A_2, %dma_start3A, %dma_start3A_6] : memref<3x2x128xi32, #tpu.memory_space<vmem>> -> memref<1x2x128xi32, #tpu.memory_space<vmem>>
    %dma_start3A_8 = tpu.memref_squeeze %dma_start3A_7 : memref<1x2x128xi32, #tpu.memory_space<vmem>> -> memref<2x128xi32, #tpu.memory_space<vmem>>
    %dma_start3A_9 = arith.constant 0 : i32
    %dma_start3A_10 = arith.constant 0 : i32
    %dma_start3A_11 = tpu.memref_slice %arg3[%arg0, %add3A_0, %dma_start3A_9, %dma_start3A_10] : memref<2x1250x2x128xi32, #tpu.memory_space<hbm>> -> memref<1x1x2x128xi32, #tpu.memory_space<hbm>>
    %dma_start3A_12 = tpu.memref_squeeze %dma_start3A_11 : memref<1x1x2x128xi32, #tpu.memory_space<hbm>> -> memref<2x128xi32, #tpu.memory_space<hbm>>
    %dma_start3A_13 = tpu.memref_slice %arg8[%rem3A_5] : memref<3x!tpu.dma_semaphore, #tpu.memory_space<semaphore_mem>> -> memref<1x!tpu.dma_semaphore, #tpu.memory_space<semaphore_mem>>
    %dma_start3A_14 = tpu.memref_squeeze %dma_start3A_13 : memref<1x!tpu.dma_semaphore, #tpu.memory_space<semaphore_mem>> -> memref<!tpu.dma_semaphore, #tpu.memory_space<semaphore_mem>>
    %dma_start3A_15 = arith.constant 0 : i32
    %dma_start3A_16 = arith.constant 0 : i32
    %dma_start3A_17 = tpu.memref_slice %arg5[%rem3A_2, %dma_start3A_15, %dma_start3A_16] : memref<3x2x128xi32, #tpu.memory_space<vmem>> -> memref<1x2x128xi32, #tpu.memory_space<vmem>>
    %dma_start3A_18 = tpu.memref_squeeze %dma_start3A_17 : memref<1x2x128xi32, #tpu.memory_space<vmem>> -> memref<2x128xi32, #tpu.memory_space<vmem>>
    %dma_start3A_19 = arith.constant 0 : i32
    %dma_start3A_20 = arith.constant 0 : i32
    %dma_start3A_21 = tpu.memref_slice %arg3[%arg0, %add3A_0, %dma_start3A_19, %dma_start3A_20] : memref<2x1250x2x128xi32, #tpu.memory_space<hbm>> -> memref<1x1x2x128xi32, #tpu.memory_space<hbm>>
    %dma_start3A_22 = tpu.memref_squeeze %dma_start3A_21 : memref<1x1x2x128xi32, #tpu.memory_space<hbm>> -> memref<2x128xi32, #tpu.memory_space<hbm>>
    tpu.enqueue_dma source(%dma_start3A_22 : memref<2x128xi32, #tpu.memory_space<hbm>>) target(%dma_start3A_18 : memref<2x128xi32, #tpu.memory_space<vmem>>) target_semaphore(%dma_start3A_14 : memref<!tpu.dma_semaphore, #tpu.memory_space<semaphore_mem>>)
    %add3A_23 = arith.constant 16 : i32
    %add3A_24 = arith.addi %arg1, %add3A_23 : i32
    %rem3A_25 = arith.constant 1 : i32
    %rem3A_26 = arith.constant 3 : i32
    %rem3A_27 = arith.remsi %rem3A_25, %rem3A_26 : i32
    %rem3A_28 = arith.constant 1 : i32
    %rem3A_29 = arith.constant 3 : i32
    %rem3A_30 = arith.remsi %rem3A_28, %rem3A_29 : i32
    %dma_start3A_31 = arith.constant 0 : i32
    %dma_start3A_32 = arith.constant 0 : i32
    %dma_start3A_33 = tpu.memref_slice %arg5[%rem3A_27, %dma_start3A_31, %dma_start3A_32] : memref<3x2x128xi32, #tpu.memory_space<vmem>> -> memref<1x2x128xi32, #tpu.memory_space<vmem>>
    %dma_start3A_34 = tpu.memref_squeeze %dma_start3A_33 : memref<1x2x128xi32, #tpu.memory_space<vmem>> -> memref<2x128xi32, #tpu.memory_space<vmem>>
    %dma_start3A_35 = arith.constant 0 : i32
    %dma_start3A_36 = arith.constant 0 : i32
    %dma_start3A_37 = tpu.memref_slice %arg3[%arg0, %add3A_24, %dma_start3A_35, %dma_start3A_36] : memref<2x1250x2x128xi32, #tpu.memory_space<hbm>> -> memref<1x1x2x128xi32, #tpu.memory_space<hbm>>
    %dma_start3A_38 = tpu.memref_squeeze %dma_start3A_37 : memref<1x1x2x128xi32, #tpu.memory_space<hbm>> -> memref<2x128xi32, #tpu.memory_space<hbm>>
    %dma_start3A_39 = tpu.memref_slice %arg8[%rem3A_30] : memref<3x!tpu.dma_semaphore, #tpu.memory_space<semaphore_mem>> -> memref<1x!tpu.dma_semaphore, #tpu.memory_space<semaphore_mem>>
    %dma_start3A_40 = tpu.memref_squeeze %dma_start3A_39 : memref<1x!tpu.dma_semaphore, #tpu.memory_space<semaphore_mem>> -> memref<!tpu.dma_semaphore, #tpu.memory_space<semaphore_mem>>
    %dma_start3A_41 = arith.constant 0 : i32
    %dma_start3A_42 = arith.constant 0 : i32
    %dma_start3A_43 = tpu.memref_slice %arg5[%rem3A_27, %dma_start3A_41, %dma_start3A_42] : memref<3x2x128xi32, #tpu.memory_space<vmem>> -> memref<1x2x128xi32, #tpu.memory_space<vmem>>
    %dma_start3A_44 = tpu.memref_squeeze %dma_start3A_43 : memref<1x2x128xi32, #tpu.memory_space<vmem>> -> memref<2x128xi32, #tpu.memory_space<vmem>>
    %dma_start3A_45 = arith.constant 0 : i32
    %dma_start3A_46 = arith.constant 0 : i32
    %dma_start3A_47 = tpu.memref_slice %arg3[%arg0, %add3A_24, %dma_start3A_45, %dma_start3A_46] : memref<2x1250x2x128xi32, #tpu.memory_space<hbm>> -> memref<1x1x2x128xi32, #tpu.memory_space<hbm>>
    %dma_start3A_48 = tpu.memref_squeeze %dma_start3A_47 : memref<1x1x2x128xi32, #tpu.memory_space<hbm>> -> memref<2x128xi32, #tpu.memory_space<hbm>>
    tpu.enqueue_dma source(%dma_start3A_48 : memref<2x128xi32, #tpu.memory_space<hbm>>) target(%dma_start3A_44 : memref<2x128xi32, #tpu.memory_space<vmem>>) target_semaphore(%dma_start3A_40 : memref<!tpu.dma_semaphore, #tpu.memory_space<semaphore_mem>>)
    %mul3A = arith.constant 10000 : i32
    %mul3A_49 = arith.muli %arg0, %mul3A : i32
    %mul3A_50 = arith.constant 624 : i32
    %mul3A_51 = arith.muli %arg1, %mul3A_50 : i32
    %add3A_52 = arith.addi %mul3A_49, %mul3A_51 : i32
    %mul3A_53 = arith.constant 624 : i32
    %mul3A_54 = arith.muli %arg1, %mul3A_53 : i32
    "tpu.region"() ({
      %run_scoped3A = tpu.sem_alloc : memref<!tpu.dma_semaphore, #tpu.memory_space<semaphore_mem>>
      %dma_start3A_162 = arith.constant 0 : i32
      %dma_start3A_163 = tpu.memref_slice %arg7[%mul3A_54, %dma_start3A_162] : memref<10000x128xf32, #tpu.memory_space<vmem_shared>> -> memref<624x128xf32, #tpu.memory_space<vmem_shared>>
      %dma_start3A_164 = arith.constant 0 : i32
      %dma_start3A_165 = tpu.memref_slice %arg2[%add3A_52, %dma_start3A_164] : memref<20000x128xf32, #tpu.memory_space<hbm>> -> memref<624x128xf32, #tpu.memory_space<hbm>>
      tpu.enqueue_dma source(%dma_start3A_165 : memref<624x128xf32, #tpu.memory_space<hbm>>) target(%dma_start3A_163 : memref<624x128xf32, #tpu.memory_space<vmem_shared>>) target_semaphore(%run_scoped3A : memref<!tpu.dma_semaphore, #tpu.memory_space<semaphore_mem>>)
      %dma_wait3A_166 = arith.constant 0 : i32
      %dma_wait3A_167 = tpu.memref_slice %arg7[%mul3A_54, %dma_wait3A_166] : memref<10000x128xf32, #tpu.memory_space<vmem_shared>> -> memref<624x128xf32, #tpu.memory_space<vmem_shared>>
      %dma_wait3A_168 = arith.constant 0 : i32
      %dma_wait3A_169 = tpu.memref_slice %arg2[%add3A_52, %dma_wait3A_168] : memref<20000x128xf32, #tpu.memory_space<hbm>> -> memref<624x128xf32, #tpu.memory_space<hbm>>
      tpu.wait_dma2 semaphore(%run_scoped3A : memref<!tpu.dma_semaphore, #tpu.memory_space<semaphore_mem>>) src(%dma_wait3A_169 : memref<624x128xf32, #tpu.memory_space<hbm>>) dst(%dma_wait3A_167 : memref<624x128xf32, #tpu.memory_space<vmem_shared>>)
      tpu.yield
    }) : () -> ()
    %eq3A = arith.constant 0 : i32
    %eq3A_55 = arith.cmpi eq, %arg1, %eq3A : i32
    %convert_element_type3A = arith.extui %eq3A_55 : i1 to i32
    %cond3A = arith.constant 0 : i32
    %cond3A_56 = arith.cmpi ne, %convert_element_type3A, %cond3A : i32
    scf.if %cond3A_56 {
      %mul3A_162 = arith.constant 10000 : i32
      %mul3A_163 = arith.muli %arg0, %mul3A_162 : i32
      %add3A_164 = arith.constant 9984 : i32
      %add3A_165 = arith.addi %mul3A_163, %add3A_164 : i32
      "tpu.region"() ({
        %run_scoped3A = tpu.sem_alloc : memref<!tpu.dma_semaphore, #tpu.memory_space<semaphore_mem>>
        %dma_start3A_166 = arith.constant 9984 : i32
        %dma_start3A_167 = arith.constant 0 : i32
        %dma_start3A_168 = tpu.memref_slice %arg7[%dma_start3A_166, %dma_start3A_167] : memref<10000x128xf32, #tpu.memory_space<vmem_shared>> -> memref<16x128xf32, #tpu.memory_space<vmem_shared>>
        %dma_start3A_169 = arith.constant 0 : i32
        %dma_start3A_170 = tpu.memref_slice %arg2[%add3A_165, %dma_start3A_169] : memref<20000x128xf32, #tpu.memory_space<hbm>> -> memref<16x128xf32, #tpu.memory_space<hbm>>
        tpu.enqueue_dma source(%dma_start3A_170 : memref<16x128xf32, #tpu.memory_space<hbm>>) target(%dma_start3A_168 : memref<16x128xf32, #tpu.memory_space<vmem_shared>>) target_semaphore(%run_scoped3A : memref<!tpu.dma_semaphore, #tpu.memory_space<semaphore_mem>>)
        %dma_wait3A_171 = arith.constant 9984 : i32
        %dma_wait3A_172 = arith.constant 0 : i32
        %dma_wait3A_173 = tpu.memref_slice %arg7[%dma_wait3A_171, %dma_wait3A_172] : memref<10000x128xf32, #tpu.memory_space<vmem_shared>> -> memref<16x128xf32, #tpu.memory_space<vmem_shared>>
        %dma_wait3A_174 = arith.constant 0 : i32
        %dma_wait3A_175 = tpu.memref_slice %arg2[%add3A_165, %dma_wait3A_174] : memref<20000x128xf32, #tpu.memory_space<hbm>> -> memref<16x128xf32, #tpu.memory_space<hbm>>
        tpu.wait_dma2 semaphore(%run_scoped3A : memref<!tpu.dma_semaphore, #tpu.memory_space<semaphore_mem>>) src(%dma_wait3A_175 : memref<16x128xf32, #tpu.memory_space<hbm>>) dst(%dma_wait3A_173 : memref<16x128xf32, #tpu.memory_space<vmem_shared>>)
        tpu.yield
      }) : () -> ()
    } else {
    }
    %add3A_57 = arith.constant 0 : i32
    %add3A_58 = arith.addi %arg1, %add3A_57 : i32
    %rem3A_59 = arith.constant 0 : i32
    %rem3A_60 = arith.constant 3 : i32
    %rem3A_61 = arith.remsi %rem3A_59, %rem3A_60 : i32
    %rem3A_62 = arith.constant 0 : i32
    %rem3A_63 = arith.constant 3 : i32
    %rem3A_64 = arith.remsi %rem3A_62, %rem3A_63 : i32
    %dma_wait3A = arith.constant 0 : i32
    %dma_wait3A_65 = arith.constant 0 : i32
    %dma_wait3A_66 = tpu.memref_slice %arg5[%rem3A_61, %dma_wait3A, %dma_wait3A_65] : memref<3x2x128xi32, #tpu.memory_space<vmem>> -> memref<1x2x128xi32, #tpu.memory_space<vmem>>
    %dma_wait3A_67 = tpu.memref_squeeze %dma_wait3A_66 : memref<1x2x128xi32, #tpu.memory_space<vmem>> -> memref<2x128xi32, #tpu.memory_space<vmem>>
    %dma_wait3A_68 = arith.constant 0 : i32
    %dma_wait3A_69 = arith.constant 0 : i32
    %dma_wait3A_70 = tpu.memref_slice %arg3[%arg0, %add3A_58, %dma_wait3A_68, %dma_wait3A_69] : memref<2x1250x2x128xi32, #tpu.memory_space<hbm>> -> memref<1x1x2x128xi32, #tpu.memory_space<hbm>>
    %dma_wait3A_71 = tpu.memref_squeeze %dma_wait3A_70 : memref<1x1x2x128xi32, #tpu.memory_space<hbm>> -> memref<2x128xi32, #tpu.memory_space<hbm>>
    %dma_wait3A_72 = tpu.memref_slice %arg8[%rem3A_64] : memref<3x!tpu.dma_semaphore, #tpu.memory_space<semaphore_mem>> -> memref<1x!tpu.dma_semaphore, #tpu.memory_space<semaphore_mem>>
    %dma_wait3A_73 = tpu.memref_squeeze %dma_wait3A_72 : memref<1x!tpu.dma_semaphore, #tpu.memory_space<semaphore_mem>> -> memref<!tpu.dma_semaphore, #tpu.memory_space<semaphore_mem>>
    %dma_wait3A_74 = arith.constant 0 : i32
    %dma_wait3A_75 = arith.constant 0 : i32
    %dma_wait3A_76 = tpu.memref_slice %arg5[%rem3A_61, %dma_wait3A_74, %dma_wait3A_75] : memref<3x2x128xi32, #tpu.memory_space<vmem>> -> memref<1x2x128xi32, #tpu.memory_space<vmem>>
    %dma_wait3A_77 = tpu.memref_squeeze %dma_wait3A_76 : memref<1x2x128xi32, #tpu.memory_space<vmem>> -> memref<2x128xi32, #tpu.memory_space<vmem>>
    %dma_wait3A_78 = arith.constant 0 : i32
    %dma_wait3A_79 = arith.constant 0 : i32
    %dma_wait3A_80 = tpu.memref_slice %arg3[%arg0, %add3A_58, %dma_wait3A_78, %dma_wait3A_79] : memref<2x1250x2x128xi32, #tpu.memory_space<hbm>> -> memref<1x1x2x128xi32, #tpu.memory_space<hbm>>
    %dma_wait3A_81 = tpu.memref_squeeze %dma_wait3A_80 : memref<1x1x2x128xi32, #tpu.memory_space<hbm>> -> memref<2x128xi32, #tpu.memory_space<hbm>>
    tpu.wait_dma2 semaphore(%dma_wait3A_73 : memref<!tpu.dma_semaphore, #tpu.memory_space<semaphore_mem>>) src(%dma_wait3A_81 : memref<2x128xi32, #tpu.memory_space<hbm>>) dst(%dma_wait3A_77 : memref<2x128xi32, #tpu.memory_space<vmem>>)
    %rem3A_82 = arith.constant 0 : i32
    %rem3A_83 = arith.constant 3 : i32
    %rem3A_84 = arith.remsi %rem3A_82, %rem3A_83 : i32
    %rem3A_85 = arith.constant 0 : i32
    %rem3A_86 = arith.constant 2 : i32
    %rem3A_87 = arith.remsi %rem3A_85, %rem3A_86 : i32
    %rem3A_88 = arith.constant 0 : i32
    %rem3A_89 = arith.constant 2 : i32
    %rem3A_90 = arith.remsi %rem3A_88, %rem3A_89 : i32
    %dma_start3A_91 = arith.constant 0 : i32
    %dma_start3A_92 = arith.constant 0 : i32
    %dma_start3A_93 = arith.constant 0 : i32
    %dma_start3A_94 = tpu.memref_slice %arg6[%rem3A_87, %dma_start3A_92, %dma_start3A_93] : memref<2x128x128xf32, #tpu.memory_space<vmem>> -> memref<1x128x128xf32, #tpu.memory_space<vmem>>
    %dma_start3A_95 = tpu.memref_squeeze %dma_start3A_94 : memref<1x128x128xf32, #tpu.memory_space<vmem>> -> memref<128x128xf32, #tpu.memory_space<vmem>>
    %dma_start3A_96 = arith.constant 0 : i32
    %dma_start3A_97 = tpu.memref_slice %arg5[%rem3A_84, %dma_start3A_91, %dma_start3A_96] : memref<3x2x128xi32, #tpu.memory_space<vmem>> -> memref<1x1x128xi32, #tpu.memory_space<vmem>>
    %dma_start3A_98 = tpu.memref_squeeze %dma_start3A_97 : memref<1x1x128xi32, #tpu.memory_space<vmem>> -> memref<128xi32, #tpu.memory_space<vmem>>
    %dma_start3A_99 = arith.constant 0 : i32
    %dma_start3A_100 = arith.constant 0 : i32
    %dma_start3A_101 = tpu.memref_slice %arg2[%dma_start3A_99, %dma_start3A_100] : memref<20000x128xf32, #tpu.memory_space<hbm>> -> memref<20000x128xf32, #tpu.memory_space<hbm>>
    %dma_start3A_102 = tpu.memref_slice %arg9[%rem3A_90] : memref<2x!tpu.dma_semaphore, #tpu.memory_space<semaphore_mem>> -> memref<1x!tpu.dma_semaphore, #tpu.memory_space<semaphore_mem>>
    %dma_start3A_103 = tpu.memref_squeeze %dma_start3A_102 : memref<1x!tpu.dma_semaphore, #tpu.memory_space<semaphore_mem>> -> memref<!tpu.dma_semaphore, #tpu.memory_space<semaphore_mem>>
    tpu.enqueue_indirect_dma source(%dma_start3A_101 : memref<20000x128xf32, #tpu.memory_space<hbm>>) target(%dma_start3A_95 : memref<128x128xf32, #tpu.memory_space<vmem>>) offsets(%dma_start3A_98 : memref<128xi32, #tpu.memory_space<vmem>>) semaphore(%dma_start3A_103 : memref<!tpu.dma_semaphore, #tpu.memory_space<semaphore_mem>>)
    %barrier3A = arith.constant 0 : index
    tpu.barrier barrier_id(%barrier3A)
    %scan3A = arith.constant 0 : i32
    %scan3A_104 = arith.constant 0 : i32
    %scan3A_105 = arith.constant 79 : i32
    %scan3A_106 = arith.addi %scan3A_104, %scan3A_105 : i32
    %scan3A_107 = arith.constant 1 : i32
    scf.for %scan3A_162 = %scan3A_104 to %scan3A_106 step %scan3A_107  : i32 {
      %add3A_163 = arith.constant 2 : i32
      %add3A_164 = arith.addi %scan3A_162, %add3A_163 : i32
      %mul3A_165 = arith.constant 16 : i32
      %mul3A_166 = arith.muli %add3A_164, %mul3A_165 : i32
      %add3A_167 = arith.addi %arg1, %mul3A_166 : i32
      %lt3A = arith.constant 1250 : i32
      %lt3A_168 = arith.cmpi slt, %add3A_167, %lt3A : i32
      %convert_element_type3A_169 = arith.extui %lt3A_168 : i1 to i32
      %cond3A_170 = arith.constant 0 : i32
      %cond3A_171 = arith.cmpi ne, %convert_element_type3A_169, %cond3A_170 : i32
      scf.if %cond3A_171 {
        %add3A_190 = arith.constant 2 : i32
        %add3A_191 = arith.addi %scan3A_162, %add3A_190 : i32
        %mul3A_192 = arith.constant 16 : i32
        %mul3A_193 = arith.muli %add3A_191, %mul3A_192 : i32
        %add3A_194 = arith.addi %arg1, %mul3A_193 : i32
        %rem3A_195 = arith.constant 3 : i32
        %rem3A_196 = arith.remsi %add3A_191, %rem3A_195 : i32
        %rem3A_197 = arith.constant 3 : i32
        %rem3A_198 = arith.remsi %add3A_191, %rem3A_197 : i32
        %dma_start3A_199 = arith.constant 0 : i32
        %dma_start3A_200 = arith.constant 0 : i32
        %dma_start3A_201 = tpu.memref_slice %arg5[%rem3A_196, %dma_start3A_199, %dma_start3A_200] : memref<3x2x128xi32, #tpu.memory_space<vmem>> -> memref<1x2x128xi32, #tpu.memory_space<vmem>>
        %dma_start3A_202 = tpu.memref_squeeze %dma_start3A_201 : memref<1x2x128xi32, #tpu.memory_space<vmem>> -> memref<2x128xi32, #tpu.memory_space<vmem>>
        %dma_start3A_203 = arith.constant 0 : i32
        %dma_start3A_204 = arith.constant 0 : i32
        %dma_start3A_205 = tpu.memref_slice %arg3[%arg0, %add3A_194, %dma_start3A_203, %dma_start3A_204] : memref<2x1250x2x128xi32, #tpu.memory_space<hbm>> -> memref<1x1x2x128xi32, #tpu.memory_space<hbm>>
        %dma_start3A_206 = tpu.memref_squeeze %dma_start3A_205 : memref<1x1x2x128xi32, #tpu.memory_space<hbm>> -> memref<2x128xi32, #tpu.memory_space<hbm>>
        %dma_start3A_207 = tpu.memref_slice %arg8[%rem3A_198] : memref<3x!tpu.dma_semaphore, #tpu.memory_space<semaphore_mem>> -> memref<1x!tpu.dma_semaphore, #tpu.memory_space<semaphore_mem>>
        %dma_start3A_208 = tpu.memref_squeeze %dma_start3A_207 : memref<1x!tpu.dma_semaphore, #tpu.memory_space<semaphore_mem>> -> memref<!tpu.dma_semaphore, #tpu.memory_space<semaphore_mem>>
        %dma_start3A_209 = arith.constant 0 : i32
        %dma_start3A_210 = arith.constant 0 : i32
        %dma_start3A_211 = tpu.memref_slice %arg5[%rem3A_196, %dma_start3A_209, %dma_start3A_210] : memref<3x2x128xi32, #tpu.memory_space<vmem>> -> memref<1x2x128xi32, #tpu.memory_space<vmem>>
        %dma_start3A_212 = tpu.memref_squeeze %dma_start3A_211 : memref<1x2x128xi32, #tpu.memory_space<vmem>> -> memref<2x128xi32, #tpu.memory_space<vmem>>
        %dma_start3A_213 = arith.constant 0 : i32
        %dma_start3A_214 = arith.constant 0 : i32
        %dma_start3A_215 = tpu.memref_slice %arg3[%arg0, %add3A_194, %dma_start3A_213, %dma_start3A_214] : memref<2x1250x2x128xi32, #tpu.memory_space<hbm>> -> memref<1x1x2x128xi32, #tpu.memory_space<hbm>>
        %dma_start3A_216 = tpu.memref_squeeze %dma_start3A_215 : memref<1x1x2x128xi32, #tpu.memory_space<hbm>> -> memref<2x128xi32, #tpu.memory_space<hbm>>
        tpu.enqueue_dma source(%dma_start3A_216 : memref<2x128xi32, #tpu.memory_space<hbm>>) target(%dma_start3A_212 : memref<2x128xi32, #tpu.memory_space<vmem>>) target_semaphore(%dma_start3A_208 : memref<!tpu.dma_semaphore, #tpu.memory_space<semaphore_mem>>)
      } else {
      }
      %add3A_172 = arith.constant 1 : i32
      %add3A_173 = arith.addi %scan3A_162, %add3A_172 : i32
      %mul3A_174 = arith.constant 16 : i32
      %mul3A_175 = arith.muli %add3A_173, %mul3A_174 : i32
      %add3A_176 = arith.addi %arg1, %mul3A_175 : i32
      %lt3A_177 = arith.constant 1250 : i32
      %lt3A_178 = arith.cmpi slt, %add3A_176, %lt3A_177 : i32
      %convert_element_type3A_179 = arith.extui %lt3A_178 : i1 to i32
      %cond3A_180 = arith.constant 0 : i32
      %cond3A_181 = arith.cmpi ne, %convert_element_type3A_179, %cond3A_180 : i32
      scf.if %cond3A_181 {
        %add3A_190 = arith.constant 1 : i32
        %add3A_191 = arith.addi %scan3A_162, %add3A_190 : i32
        %ge3A_192 = arith.constant 2 : i32
        %ge3A_193 = arith.cmpi sge, %add3A_191, %ge3A_192 : i32
        %convert_element_type3A_194 = arith.extui %ge3A_193 : i1 to i32
        %cond3A_195 = arith.constant 0 : i32
        %cond3A_196 = arith.cmpi ne, %convert_element_type3A_194, %cond3A_195 : i32
        scf.if %cond3A_196 {
          %add3A_245 = arith.constant 1 : i32
          %add3A_246 = arith.addi %scan3A_162, %add3A_245 : i32
          %sub3A_247 = arith.constant 2 : i32
          %sub3A_248 = arith.subi %add3A_246, %sub3A_247 : i32
          %rem3A_249 = arith.constant 2 : i32
          %rem3A_250 = arith.remsi %sub3A_248, %rem3A_249 : i32
          %rem3A_251 = arith.constant 3 : i32
          %rem3A_252 = arith.remsi %sub3A_248, %rem3A_251 : i32
          %rem3A_253 = arith.constant 2 : i32
          %rem3A_254 = arith.remsi %sub3A_248, %rem3A_253 : i32
          %dma_wait3A_255 = arith.constant 1 : i32
          %dma_wait3A_256 = arith.constant 0 : i32
          %dma_wait3A_257 = arith.constant 0 : i32
          %dma_wait3A_258 = tpu.memref_slice %arg6[%rem3A_250, %dma_wait3A_256, %dma_wait3A_257] : memref<2x128x128xf32, #tpu.memory_space<vmem>> -> memref<1x128x128xf32, #tpu.memory_space<vmem>>
          %dma_wait3A_259 = tpu.memref_squeeze %dma_wait3A_258 : memref<1x128x128xf32, #tpu.memory_space<vmem>> -> memref<128x128xf32, #tpu.memory_space<vmem>>
          %dma_wait3A_260 = arith.constant 0 : i32
          %dma_wait3A_261 = tpu.memref_slice %arg5[%rem3A_252, %dma_wait3A_255, %dma_wait3A_260] : memref<3x2x128xi32, #tpu.memory_space<vmem>> -> memref<1x1x128xi32, #tpu.memory_space<vmem>>
          %dma_wait3A_262 = tpu.memref_squeeze %dma_wait3A_261 : memref<1x1x128xi32, #tpu.memory_space<vmem>> -> memref<128xi32, #tpu.memory_space<vmem>>
          %dma_wait3A_263 = arith.constant 0 : i32
          %dma_wait3A_264 = arith.constant 0 : i32
          %dma_wait3A_265 = tpu.memref_slice %arg7[%dma_wait3A_263, %dma_wait3A_264] : memref<10000x128xf32, #tpu.memory_space<vmem_shared>> -> memref<10000x128xf32, #tpu.memory_space<vmem_shared>>
          %dma_wait3A_266 = tpu.memref_slice %arg10[%rem3A_254] : memref<2x!tpu.dma_semaphore, #tpu.memory_space<semaphore_mem>> -> memref<1x!tpu.dma_semaphore, #tpu.memory_space<semaphore_mem>>
          %dma_wait3A_267 = tpu.memref_squeeze %dma_wait3A_266 : memref<1x!tpu.dma_semaphore, #tpu.memory_space<semaphore_mem>> -> memref<!tpu.dma_semaphore, #tpu.memory_space<semaphore_mem>>
          tpu.wait_indirect_dma semaphore(%dma_wait3A_267 : memref<!tpu.dma_semaphore, #tpu.memory_space<semaphore_mem>>) src(%dma_wait3A_259 : memref<128x128xf32, #tpu.memory_space<vmem>>) dst(%dma_wait3A_265 : memref<10000x128xf32, #tpu.memory_space<vmem_shared>>)
        } else {
        }
        %add3A_197 = arith.constant 1 : i32
        %add3A_198 = arith.addi %scan3A_162, %add3A_197 : i32
        %mul3A_199 = arith.constant 16 : i32
        %mul3A_200 = arith.muli %add3A_198, %mul3A_199 : i32
        %add3A_201 = arith.addi %arg1, %mul3A_200 : i32
        %rem3A_202 = arith.constant 3 : i32
        %rem3A_203 = arith.remsi %add3A_198, %rem3A_202 : i32
        %rem3A_204 = arith.constant 3 : i32
        %rem3A_205 = arith.remsi %add3A_198, %rem3A_204 : i32
        %dma_wait3A_206 = arith.constant 0 : i32
        %dma_wait3A_207 = arith.constant 0 : i32
        %dma_wait3A_208 = tpu.memref_slice %arg5[%rem3A_203, %dma_wait3A_206, %dma_wait3A_207] : memref<3x2x128xi32, #tpu.memory_space<vmem>> -> memref<1x2x128xi32, #tpu.memory_space<vmem>>
        %dma_wait3A_209 = tpu.memref_squeeze %dma_wait3A_208 : memref<1x2x128xi32, #tpu.memory_space<vmem>> -> memref<2x128xi32, #tpu.memory_space<vmem>>
        %dma_wait3A_210 = arith.constant 0 : i32
        %dma_wait3A_211 = arith.constant 0 : i32
        %dma_wait3A_212 = tpu.memref_slice %arg3[%arg0, %add3A_201, %dma_wait3A_210, %dma_wait3A_211] : memref<2x1250x2x128xi32, #tpu.memory_space<hbm>> -> memref<1x1x2x128xi32, #tpu.memory_space<hbm>>
        %dma_wait3A_213 = tpu.memref_squeeze %dma_wait3A_212 : memref<1x1x2x128xi32, #tpu.memory_space<hbm>> -> memref<2x128xi32, #tpu.memory_space<hbm>>
        %dma_wait3A_214 = tpu.memref_slice %arg8[%rem3A_205] : memref<3x!tpu.dma_semaphore, #tpu.memory_space<semaphore_mem>> -> memref<1x!tpu.dma_semaphore, #tpu.memory_space<semaphore_mem>>
        %dma_wait3A_215 = tpu.memref_squeeze %dma_wait3A_214 : memref<1x!tpu.dma_semaphore, #tpu.memory_space<semaphore_mem>> -> memref<!tpu.dma_semaphore, #tpu.memory_space<semaphore_mem>>
        %dma_wait3A_216 = arith.constant 0 : i32
        %dma_wait3A_217 = arith.constant 0 : i32
        %dma_wait3A_218 = tpu.memref_slice %arg5[%rem3A_203, %dma_wait3A_216, %dma_wait3A_217] : memref<3x2x128xi32, #tpu.memory_space<vmem>> -> memref<1x2x128xi32, #tpu.memory_space<vmem>>
        %dma_wait3A_219 = tpu.memref_squeeze %dma_wait3A_218 : memref<1x2x128xi32, #tpu.memory_space<vmem>> -> memref<2x128xi32, #tpu.memory_space<vmem>>
        %dma_wait3A_220 = arith.constant 0 : i32
        %dma_wait3A_221 = arith.constant 0 : i32
        %dma_wait3A_222 = tpu.memref_slice %arg3[%arg0, %add3A_201, %dma_wait3A_220, %dma_wait3A_221] : memref<2x1250x2x128xi32, #tpu.memory_space<hbm>> -> memref<1x1x2x128xi32, #tpu.memory_space<hbm>>
        %dma_wait3A_223 = tpu.memref_squeeze %dma_wait3A_222 : memref<1x1x2x128xi32, #tpu.memory_space<hbm>> -> memref<2x128xi32, #tpu.memory_space<hbm>>
        tpu.wait_dma2 semaphore(%dma_wait3A_215 : memref<!tpu.dma_semaphore, #tpu.memory_space<semaphore_mem>>) src(%dma_wait3A_223 : memref<2x128xi32, #tpu.memory_space<hbm>>) dst(%dma_wait3A_219 : memref<2x128xi32, #tpu.memory_space<vmem>>)
        %add3A_224 = arith.constant 1 : i32
        %add3A_225 = arith.addi %scan3A_162, %add3A_224 : i32
        %rem3A_226 = arith.constant 3 : i32
        %rem3A_227 = arith.remsi %add3A_225, %rem3A_226 : i32
        %rem3A_228 = arith.constant 2 : i32
        %rem3A_229 = arith.remsi %add3A_225, %rem3A_228 : i32
        %rem3A_230 = arith.constant 2 : i32
        %rem3A_231 = arith.remsi %add3A_225, %rem3A_230 : i32
        %dma_start3A_232 = arith.constant 0 : i32
        %dma_start3A_233 = arith.constant 0 : i32
        %dma_start3A_234 = arith.constant 0 : i32
        %dma_start3A_235 = tpu.memref_slice %arg6[%rem3A_229, %dma_start3A_233, %dma_start3A_234] : memref<2x128x128xf32, #tpu.memory_space<vmem>> -> memref<1x128x128xf32, #tpu.memory_space<vmem>>
        %dma_start3A_236 = tpu.memref_squeeze %dma_start3A_235 : memref<1x128x128xf32, #tpu.memory_space<vmem>> -> memref<128x128xf32, #tpu.memory_space<vmem>>
        %dma_start3A_237 = arith.constant 0 : i32
        %dma_start3A_238 = tpu.memref_slice %arg5[%rem3A_227, %dma_start3A_232, %dma_start3A_237] : memref<3x2x128xi32, #tpu.memory_space<vmem>> -> memref<1x1x128xi32, #tpu.memory_space<vmem>>
        %dma_start3A_239 = tpu.memref_squeeze %dma_start3A_238 : memref<1x1x128xi32, #tpu.memory_space<vmem>> -> memref<128xi32, #tpu.memory_space<vmem>>
        %dma_start3A_240 = arith.constant 0 : i32
        %dma_start3A_241 = arith.constant 0 : i32
        %dma_start3A_242 = tpu.memref_slice %arg2[%dma_start3A_240, %dma_start3A_241] : memref<20000x128xf32, #tpu.memory_space<hbm>> -> memref<20000x128xf32, #tpu.memory_space<hbm>>
        %dma_start3A_243 = tpu.memref_slice %arg9[%rem3A_231] : memref<2x!tpu.dma_semaphore, #tpu.memory_space<semaphore_mem>> -> memref<1x!tpu.dma_semaphore, #tpu.memory_space<semaphore_mem>>
        %dma_start3A_244 = tpu.memref_squeeze %dma_start3A_243 : memref<1x!tpu.dma_semaphore, #tpu.memory_space<semaphore_mem>> -> memref<!tpu.dma_semaphore, #tpu.memory_space<semaphore_mem>>
        tpu.enqueue_indirect_dma source(%dma_start3A_242 : memref<20000x128xf32, #tpu.memory_space<hbm>>) target(%dma_start3A_236 : memref<128x128xf32, #tpu.memory_space<vmem>>) offsets(%dma_start3A_239 : memref<128xi32, #tpu.memory_space<vmem>>) semaphore(%dma_start3A_244 : memref<!tpu.dma_semaphore, #tpu.memory_space<semaphore_mem>>)
      } else {
      }
      %mul3A_182 = arith.constant 16 : i32
      %mul3A_183 = arith.muli %scan3A_162, %mul3A_182 : i32
      %add3A_184 = arith.addi %arg1, %mul3A_183 : i32
      %lt3A_185 = arith.constant 1250 : i32
      %lt3A_186 = arith.cmpi slt, %add3A_184, %lt3A_185 : i32
      %convert_element_type3A_187 = arith.extui %lt3A_186 : i1 to i32
      %cond3A_188 = arith.constant 0 : i32
      %cond3A_189 = arith.cmpi ne, %convert_element_type3A_187, %cond3A_188 : i32
      scf.if %cond3A_189 {
        %rem3A_190 = arith.constant 3 : i32
        %rem3A_191 = arith.remsi %scan3A_162, %rem3A_190 : i32
        %rem3A_192 = arith.constant 2 : i32
        %rem3A_193 = arith.remsi %scan3A_162, %rem3A_192 : i32
        %rem3A_194 = arith.constant 2 : i32
        %rem3A_195 = arith.remsi %scan3A_162, %rem3A_194 : i32
        %dma_wait3A_196 = arith.constant 0 : i32
        %dma_wait3A_197 = arith.constant 0 : i32
        %dma_wait3A_198 = arith.constant 0 : i32
        %dma_wait3A_199 = tpu.memref_slice %arg6[%rem3A_193, %dma_wait3A_197, %dma_wait3A_198] : memref<2x128x128xf32, #tpu.memory_space<vmem>> -> memref<1x128x128xf32, #tpu.memory_space<vmem>>
        %dma_wait3A_200 = tpu.memref_squeeze %dma_wait3A_199 : memref<1x128x128xf32, #tpu.memory_space<vmem>> -> memref<128x128xf32, #tpu.memory_space<vmem>>
        %dma_wait3A_201 = arith.constant 0 : i32
        %dma_wait3A_202 = tpu.memref_slice %arg5[%rem3A_191, %dma_wait3A_196, %dma_wait3A_201] : memref<3x2x128xi32, #tpu.memory_space<vmem>> -> memref<1x1x128xi32, #tpu.memory_space<vmem>>
        %dma_wait3A_203 = tpu.memref_squeeze %dma_wait3A_202 : memref<1x1x128xi32, #tpu.memory_space<vmem>> -> memref<128xi32, #tpu.memory_space<vmem>>
        %dma_wait3A_204 = arith.constant 0 : i32
        %dma_wait3A_205 = arith.constant 0 : i32
        %dma_wait3A_206 = tpu.memref_slice %arg2[%dma_wait3A_204, %dma_wait3A_205] : memref<20000x128xf32, #tpu.memory_space<hbm>> -> memref<20000x128xf32, #tpu.memory_space<hbm>>
        %dma_wait3A_207 = tpu.memref_slice %arg9[%rem3A_195] : memref<2x!tpu.dma_semaphore, #tpu.memory_space<semaphore_mem>> -> memref<1x!tpu.dma_semaphore, #tpu.memory_space<semaphore_mem>>
        %dma_wait3A_208 = tpu.memref_squeeze %dma_wait3A_207 : memref<1x!tpu.dma_semaphore, #tpu.memory_space<semaphore_mem>> -> memref<!tpu.dma_semaphore, #tpu.memory_space<semaphore_mem>>
        tpu.wait_indirect_dma semaphore(%dma_wait3A_208 : memref<!tpu.dma_semaphore, #tpu.memory_space<semaphore_mem>>) src(%dma_wait3A_206 : memref<20000x128xf32, #tpu.memory_space<hbm>>) dst(%dma_wait3A_200 : memref<128x128xf32, #tpu.memory_space<vmem>>)
        %rem3A_209 = arith.constant 2 : i32
        %rem3A_210 = arith.remsi %scan3A_162, %rem3A_209 : i32
        %rem3A_211 = arith.constant 3 : i32
        %rem3A_212 = arith.remsi %scan3A_162, %rem3A_211 : i32
        %rem3A_213 = arith.constant 2 : i32
        %rem3A_214 = arith.remsi %scan3A_162, %rem3A_213 : i32
        %dma_start3A_215 = arith.constant 1 : i32
        %dma_start3A_216 = arith.constant 0 : i32
        %dma_start3A_217 = arith.constant 0 : i32
        %dma_start3A_218 = tpu.memref_slice %arg6[%rem3A_210, %dma_start3A_216, %dma_start3A_217] : memref<2x128x128xf32, #tpu.memory_space<vmem>> -> memref<1x128x128xf32, #tpu.memory_space<vmem>>
        %dma_start3A_219 = tpu.memref_squeeze %dma_start3A_218 : memref<1x128x128xf32, #tpu.memory_space<vmem>> -> memref<128x128xf32, #tpu.memory_space<vmem>>
        %dma_start3A_220 = arith.constant 0 : i32
        %dma_start3A_221 = tpu.memref_slice %arg5[%rem3A_212, %dma_start3A_215, %dma_start3A_220] : memref<3x2x128xi32, #tpu.memory_space<vmem>> -> memref<1x1x128xi32, #tpu.memory_space<vmem>>
        %dma_start3A_222 = tpu.memref_squeeze %dma_start3A_221 : memref<1x1x128xi32, #tpu.memory_space<vmem>> -> memref<128xi32, #tpu.memory_space<vmem>>
        %dma_start3A_223 = arith.constant 0 : i32
        %dma_start3A_224 = arith.constant 0 : i32
        %dma_start3A_225 = tpu.memref_slice %arg7[%dma_start3A_223, %dma_start3A_224] : memref<10000x128xf32, #tpu.memory_space<vmem_shared>> -> memref<10000x128xf32, #tpu.memory_space<vmem_shared>>
        %dma_start3A_226 = tpu.memref_slice %arg10[%rem3A_214] : memref<2x!tpu.dma_semaphore, #tpu.memory_space<semaphore_mem>> -> memref<1x!tpu.dma_semaphore, #tpu.memory_space<semaphore_mem>>
        %dma_start3A_227 = tpu.memref_squeeze %dma_start3A_226 : memref<1x!tpu.dma_semaphore, #tpu.memory_space<semaphore_mem>> -> memref<!tpu.dma_semaphore, #tpu.memory_space<semaphore_mem>>
        tpu.enqueue_indirect_dma source(%dma_start3A_219 : memref<128x128xf32, #tpu.memory_space<vmem>>) target(%dma_start3A_225 : memref<10000x128xf32, #tpu.memory_space<vmem_shared>>) offsets(%dma_start3A_222 : memref<128xi32, #tpu.memory_space<vmem>>) semaphore(%dma_start3A_227 : memref<!tpu.dma_semaphore, #tpu.memory_space<semaphore_mem>>) {add = true}
      } else {
      }
    }
    %scan3A_108 = arith.constant 79 : i32
    %sub3A = arith.constant 1250 : i32
    %sub3A_109 = arith.subi %sub3A, %arg1 : i32
    %add3A_110 = arith.constant 16 : i32
    %add3A_111 = arith.addi %sub3A_109, %add3A_110 : i32
    %sub3A_112 = arith.constant 1 : i32
    %sub3A_113 = arith.subi %add3A_111, %sub3A_112 : i32
    %jit3A = arith.constant 16 : i32
    %div3A = arith.divsi %sub3A_113, %jit3A : i32
    %sign3A = arith.constant 0 : i32
    %sign3A_114 = arith.cmpi sgt, %sub3A_113, %sign3A : i32
    %sign3A_115 = arith.extui %sign3A_114 : i1 to i32
    %sign3A_116 = arith.constant 0 : i32
    %sign3A_117 = arith.cmpi slt, %sub3A_113, %sign3A_116 : i32
    %sign3A_118 = arith.extui %sign3A_117 : i1 to i32
    %sign3A_119 = arith.subi %sign3A_115, %sign3A_118 : i32
    %sign3A_120 = arith.constant 0 : i32
    %sign3A_121 = arith.cmpi sgt, %jit3A, %sign3A_120 : i32
    %sign3A_122 = arith.extui %sign3A_121 : i1 to i32
    %sign3A_123 = arith.constant 0 : i32
    %sign3A_124 = arith.cmpi slt, %jit3A, %sign3A_123 : i32
    %sign3A_125 = arith.extui %sign3A_124 : i1 to i32
    %sign3A_126 = arith.subi %sign3A_122, %sign3A_125 : i32
    %ne3A = arith.cmpi ne, %sign3A_119, %sign3A_126 : i32
    %rem3A_127 = arith.remsi %sub3A_113, %jit3A : i32
    %ne3A_128 = arith.constant 0 : i32
    %ne3A_129 = arith.cmpi ne, %rem3A_127, %ne3A_128 : i32
    %and3A = arith.andi %ne3A, %ne3A_129 : i1
    %sub3A_130 = arith.constant 1 : i32
    %sub3A_131 = arith.subi %div3A, %sub3A_130 : i32
    %select_n3A = arith.select %and3A, %sub3A_131, %div3A : i32
    %sub3A_132 = arith.constant 2 : i32
    %sub3A_133 = arith.subi %select_n3A, %sub3A_132 : i32
    %add3A_134 = arith.constant 0 : i32
    %add3A_135 = arith.addi %sub3A_133, %add3A_134 : i32
    %ge3A = arith.constant 0 : i32
    %ge3A_136 = arith.cmpi sge, %add3A_135, %ge3A : i32
    %convert_element_type3A_137 = arith.extui %ge3A_136 : i1 to i32
    %cond3A_138 = arith.constant 0 : i32
    %cond3A_139 = arith.cmpi ne, %convert_element_type3A_137, %cond3A_138 : i32
    scf.if %cond3A_139 {
      %rem3A_162 = arith.constant 2 : i32
      %rem3A_163 = arith.remsi %add3A_135, %rem3A_162 : i32
      %rem3A_164 = arith.constant 3 : i32
      %rem3A_165 = arith.remsi %add3A_135, %rem3A_164 : i32
      %rem3A_166 = arith.constant 2 : i32
      %rem3A_167 = arith.remsi %add3A_135, %rem3A_166 : i32
      %dma_wait3A_168 = arith.constant 1 : i32
      %dma_wait3A_169 = arith.constant 0 : i32
      %dma_wait3A_170 = arith.constant 0 : i32
      %dma_wait3A_171 = tpu.memref_slice %arg6[%rem3A_163, %dma_wait3A_169, %dma_wait3A_170] : memref<2x128x128xf32, #tpu.memory_space<vmem>> -> memref<1x128x128xf32, #tpu.memory_space<vmem>>
      %dma_wait3A_172 = tpu.memref_squeeze %dma_wait3A_171 : memref<1x128x128xf32, #tpu.memory_space<vmem>> -> memref<128x128xf32, #tpu.memory_space<vmem>>
      %dma_wait3A_173 = arith.constant 0 : i32
      %dma_wait3A_174 = tpu.memref_slice %arg5[%rem3A_165, %dma_wait3A_168, %dma_wait3A_173] : memref<3x2x128xi32, #tpu.memory_space<vmem>> -> memref<1x1x128xi32, #tpu.memory_space<vmem>>
      %dma_wait3A_175 = tpu.memref_squeeze %dma_wait3A_174 : memref<1x1x128xi32, #tpu.memory_space<vmem>> -> memref<128xi32, #tpu.memory_space<vmem>>
      %dma_wait3A_176 = arith.constant 0 : i32
      %dma_wait3A_177 = arith.constant 0 : i32
      %dma_wait3A_178 = tpu.memref_slice %arg7[%dma_wait3A_176, %dma_wait3A_177] : memref<10000x128xf32, #tpu.memory_space<vmem_shared>> -> memref<10000x128xf32, #tpu.memory_space<vmem_shared>>
      %dma_wait3A_179 = tpu.memref_slice %arg10[%rem3A_167] : memref<2x!tpu.dma_semaphore, #tpu.memory_space<semaphore_mem>> -> memref<1x!tpu.dma_semaphore, #tpu.memory_space<semaphore_mem>>
      %dma_wait3A_180 = tpu.memref_squeeze %dma_wait3A_179 : memref<1x!tpu.dma_semaphore, #tpu.memory_space<semaphore_mem>> -> memref<!tpu.dma_semaphore, #tpu.memory_space<semaphore_mem>>
      tpu.wait_indirect_dma semaphore(%dma_wait3A_180 : memref<!tpu.dma_semaphore, #tpu.memory_space<semaphore_mem>>) src(%dma_wait3A_172 : memref<128x128xf32, #tpu.memory_space<vmem>>) dst(%dma_wait3A_178 : memref<10000x128xf32, #tpu.memory_space<vmem_shared>>)
    } else {
    }
    %sub3A_140 = arith.constant 2 : i32
    %sub3A_141 = arith.subi %select_n3A, %sub3A_140 : i32
    %add3A_142 = arith.constant 1 : i32
    %add3A_143 = arith.addi %sub3A_141, %add3A_142 : i32
    %ge3A_144 = arith.constant 0 : i32
    %ge3A_145 = arith.cmpi sge, %add3A_143, %ge3A_144 : i32
    %convert_element_type3A_146 = arith.extui %ge3A_145 : i1 to i32
    %cond3A_147 = arith.constant 0 : i32
    %cond3A_148 = arith.cmpi ne, %convert_element_type3A_146, %cond3A_147 : i32
    scf.if %cond3A_148 {
      %rem3A_162 = arith.constant 2 : i32
      %rem3A_163 = arith.remsi %add3A_143, %rem3A_162 : i32
      %rem3A_164 = arith.constant 3 : i32
      %rem3A_165 = arith.remsi %add3A_143, %rem3A_164 : i32
      %rem3A_166 = arith.constant 2 : i32
      %rem3A_167 = arith.remsi %add3A_143, %rem3A_166 : i32
      %dma_wait3A_168 = arith.constant 1 : i32
      %dma_wait3A_169 = arith.constant 0 : i32
      %dma_wait3A_170 = arith.constant 0 : i32
      %dma_wait3A_171 = tpu.memref_slice %arg6[%rem3A_163, %dma_wait3A_169, %dma_wait3A_170] : memref<2x128x128xf32, #tpu.memory_space<vmem>> -> memref<1x128x128xf32, #tpu.memory_space<vmem>>
      %dma_wait3A_172 = tpu.memref_squeeze %dma_wait3A_171 : memref<1x128x128xf32, #tpu.memory_space<vmem>> -> memref<128x128xf32, #tpu.memory_space<vmem>>
      %dma_wait3A_173 = arith.constant 0 : i32
      %dma_wait3A_174 = tpu.memref_slice %arg5[%rem3A_165, %dma_wait3A_168, %dma_wait3A_173] : memref<3x2x128xi32, #tpu.memory_space<vmem>> -> memref<1x1x128xi32, #tpu.memory_space<vmem>>
      %dma_wait3A_175 = tpu.memref_squeeze %dma_wait3A_174 : memref<1x1x128xi32, #tpu.memory_space<vmem>> -> memref<128xi32, #tpu.memory_space<vmem>>
      %dma_wait3A_176 = arith.constant 0 : i32
      %dma_wait3A_177 = arith.constant 0 : i32
      %dma_wait3A_178 = tpu.memref_slice %arg7[%dma_wait3A_176, %dma_wait3A_177] : memref<10000x128xf32, #tpu.memory_space<vmem_shared>> -> memref<10000x128xf32, #tpu.memory_space<vmem_shared>>
      %dma_wait3A_179 = tpu.memref_slice %arg10[%rem3A_167] : memref<2x!tpu.dma_semaphore, #tpu.memory_space<semaphore_mem>> -> memref<1x!tpu.dma_semaphore, #tpu.memory_space<semaphore_mem>>
      %dma_wait3A_180 = tpu.memref_squeeze %dma_wait3A_179 : memref<1x!tpu.dma_semaphore, #tpu.memory_space<semaphore_mem>> -> memref<!tpu.dma_semaphore, #tpu.memory_space<semaphore_mem>>
      tpu.wait_indirect_dma semaphore(%dma_wait3A_180 : memref<!tpu.dma_semaphore, #tpu.memory_space<semaphore_mem>>) src(%dma_wait3A_172 : memref<128x128xf32, #tpu.memory_space<vmem>>) dst(%dma_wait3A_178 : memref<10000x128xf32, #tpu.memory_space<vmem_shared>>)
    } else {
    }
    %barrier3A_149 = arith.constant 0 : index
    tpu.barrier barrier_id(%barrier3A_149)
    %mul3A_150 = arith.constant 624 : i32
    %mul3A_151 = arith.muli %arg1, %mul3A_150 : i32
    %mul3A_152 = arith.constant 10000 : i32
    %mul3A_153 = arith.muli %arg0, %mul3A_152 : i32
    %mul3A_154 = arith.constant 624 : i32
    %mul3A_155 = arith.muli %arg1, %mul3A_154 : i32
    %add3A_156 = arith.addi %mul3A_153, %mul3A_155 : i32
    "tpu.region"() ({
      %run_scoped3A = tpu.sem_alloc : memref<!tpu.dma_semaphore, #tpu.memory_space<semaphore_mem>>
      %dma_start3A_162 = arith.constant 0 : i32
      %dma_start3A_163 = tpu.memref_slice %arg4[%add3A_156, %dma_start3A_162] : memref<20000x128xf32, #tpu.memory_space<hbm>> -> memref<624x128xf32, #tpu.memory_space<hbm>>
      %dma_start3A_164 = arith.constant 0 : i32
      %dma_start3A_165 = tpu.memref_slice %arg7[%mul3A_151, %dma_start3A_164] : memref<10000x128xf32, #tpu.memory_space<vmem_shared>> -> memref<624x128xf32, #tpu.memory_space<vmem_shared>>
      tpu.enqueue_dma source(%dma_start3A_165 : memref<624x128xf32, #tpu.memory_space<vmem_shared>>) target(%dma_start3A_163 : memref<624x128xf32, #tpu.memory_space<hbm>>) target_semaphore(%run_scoped3A : memref<!tpu.dma_semaphore, #tpu.memory_space<semaphore_mem>>)
      %dma_wait3A_166 = arith.constant 0 : i32
      %dma_wait3A_167 = tpu.memref_slice %arg4[%add3A_156, %dma_wait3A_166] : memref<20000x128xf32, #tpu.memory_space<hbm>> -> memref<624x128xf32, #tpu.memory_space<hbm>>
      %dma_wait3A_168 = arith.constant 0 : i32
      %dma_wait3A_169 = tpu.memref_slice %arg7[%mul3A_151, %dma_wait3A_168] : memref<10000x128xf32, #tpu.memory_space<vmem_shared>> -> memref<624x128xf32, #tpu.memory_space<vmem_shared>>
      tpu.wait_dma2 semaphore(%run_scoped3A : memref<!tpu.dma_semaphore, #tpu.memory_space<semaphore_mem>>) src(%dma_wait3A_169 : memref<624x128xf32, #tpu.memory_space<vmem_shared>>) dst(%dma_wait3A_167 : memref<624x128xf32, #tpu.memory_space<hbm>>)
      tpu.yield
    }) : () -> ()
    %eq3A_157 = arith.constant 0 : i32
    %eq3A_158 = arith.cmpi eq, %arg1, %eq3A_157 : i32
    %convert_element_type3A_159 = arith.extui %eq3A_158 : i1 to i32
    %cond3A_160 = arith.constant 0 : i32
    %cond3A_161 = arith.cmpi ne, %convert_element_type3A_159, %cond3A_160 : i32
    scf.if %cond3A_161 {
      %mul3A_162 = arith.constant 10000 : i32
      %mul3A_163 = arith.muli %arg0, %mul3A_162 : i32
      %add3A_164 = arith.constant 9984 : i32
      %add3A_165 = arith.addi %mul3A_163, %add3A_164 : i32
      "tpu.region"() ({
        %run_scoped3A = tpu.sem_alloc : memref<!tpu.dma_semaphore, #tpu.memory_space<semaphore_mem>>
        %dma_start3A_166 = arith.constant 0 : i32
        %dma_start3A_167 = tpu.memref_slice %arg4[%add3A_165, %dma_start3A_166] : memref<20000x128xf32, #tpu.memory_space<hbm>> -> memref<16x128xf32, #tpu.memory_space<hbm>>
        %dma_start3A_168 = arith.constant 9984 : i32
        %dma_start3A_169 = arith.constant 0 : i32
        %dma_start3A_170 = tpu.memref_slice %arg7[%dma_start3A_168, %dma_start3A_169] : memref<10000x128xf32, #tpu.memory_space<vmem_shared>> -> memref<16x128xf32, #tpu.memory_space<vmem_shared>>
        tpu.enqueue_dma source(%dma_start3A_170 : memref<16x128xf32, #tpu.memory_space<vmem_shared>>) target(%dma_start3A_167 : memref<16x128xf32, #tpu.memory_space<hbm>>) target_semaphore(%run_scoped3A : memref<!tpu.dma_semaphore, #tpu.memory_space<semaphore_mem>>)
        %dma_wait3A_171 = arith.constant 0 : i32
        %dma_wait3A_172 = tpu.memref_slice %arg4[%add3A_165, %dma_wait3A_171] : memref<20000x128xf32, #tpu.memory_space<hbm>> -> memref<16x128xf32, #tpu.memory_space<hbm>>
        %dma_wait3A_173 = arith.constant 9984 : i32
        %dma_wait3A_174 = arith.constant 0 : i32
        %dma_wait3A_175 = tpu.memref_slice %arg7[%dma_wait3A_173, %dma_wait3A_174] : memref<10000x128xf32, #tpu.memory_space<vmem_shared>> -> memref<16x128xf32, #tpu.memory_space<vmem_shared>>
        tpu.wait_dma2 semaphore(%run_scoped3A : memref<!tpu.dma_semaphore, #tpu.memory_space<semaphore_mem>>) src(%dma_wait3A_175 : memref<16x128xf32, #tpu.memory_space<vmem_shared>>) dst(%dma_wait3A_172 : memref<16x128xf32, #tpu.memory_space<hbm>>)
        tpu.yield
      }) : () -> ()
    } else {
    }
    return
  }
}

#map = affine_map<(d0, d1) -> (0, 0)>
#map1 = affine_map<(d0, d1) -> (0, 0, 0, 0)>
module attributes {stable_mosaic.version = 14 : i64} {
  func.func @k(%arg0: i32, %arg1: i32, %arg2: memref<20000x128xf32, #tpu.memory_space<hbm>>, %arg3: memref<2x1250x2x128xi32, #tpu.memory_space<hbm>>, %arg4: memref<20000x128xf32, #tpu.memory_space<hbm>>, %arg5: memref<3x2x128xi32, #tpu.memory_space<vmem>>, %arg6: memref<2x128x128xf32, #tpu.memory_space<vmem>>, %arg7: memref<10000x128xf32, #tpu.memory_space<vmem_shared>>, %arg8: memref<3x!tpu.dma_semaphore, #tpu.memory_space<semaphore_mem>>, %arg9: memref<2x!tpu.dma_semaphore, #tpu.memory_space<semaphore_mem>>, %arg10: memref<2x!tpu.dma_semaphore, #tpu.memory_space<semaphore_mem>>) attributes {dimension_semantics = [#tpu.dimension_semantics<core_parallel>, #tpu.dimension_semantics<subcore_parallel>], iteration_bounds = array<i64: 2, 16>, scalar_prefetch = 0 : i64, scratch_operands = 6 : i64, tpu.core_type = #tpu.core_type<sc_vector_subcore>, window_params = [{transform_indices = #map}, {transform_indices = #map1}, {transform_indices = #map}]} {
    %add3A = arith.constant 0 : i32
    %add3A_0 = arith.addi %arg1, %add3A : i32
    %rem3A = arith.constant 0 : i32
    %rem3A_1 = arith.constant 3 : i32
    %rem3A_2 = arith.remsi %rem3A, %rem3A_1 : i32
    %rem3A_3 = arith.constant 0 : i32
    %rem3A_4 = arith.constant 3 : i32
    %rem3A_5 = arith.remsi %rem3A_3, %rem3A_4 : i32
    %dma_start3A = arith.constant 0 : i32
    %dma_start3A_6 = arith.constant 0 : i32
    %dma_start3A_7 = tpu.memref_slice %arg5[%rem3A_2, %dma_start3A, %dma_start3A_6] : memref<3x2x128xi32, #tpu.memory_space<vmem>> -> memref<1x2x128xi32, #tpu.memory_space<vmem>>
    %dma_start3A_8 = tpu.memref_squeeze %dma_start3A_7 : memref<1x2x128xi32, #tpu.memory_space<vmem>> -> memref<2x128xi32, #tpu.memory_space<vmem>>
    %dma_start3A_9 = arith.constant 0 : i32
    %dma_start3A_10 = arith.constant 0 : i32
    %dma_start3A_11 = tpu.memref_slice %arg3[%arg0, %add3A_0, %dma_start3A_9, %dma_start3A_10] : memref<2x1250x2x128xi32, #tpu.memory_space<hbm>> -> memref<1x1x2x128xi32, #tpu.memory_space<hbm>>
    %dma_start3A_12 = tpu.memref_squeeze %dma_start3A_11 : memref<1x1x2x128xi32, #tpu.memory_space<hbm>> -> memref<2x128xi32, #tpu.memory_space<hbm>>
    %dma_start3A_13 = tpu.memref_slice %arg8[%rem3A_5] : memref<3x!tpu.dma_semaphore, #tpu.memory_space<semaphore_mem>> -> memref<1x!tpu.dma_semaphore, #tpu.memory_space<semaphore_mem>>
    %dma_start3A_14 = tpu.memref_squeeze %dma_start3A_13 : memref<1x!tpu.dma_semaphore, #tpu.memory_space<semaphore_mem>> -> memref<!tpu.dma_semaphore, #tpu.memory_space<semaphore_mem>>
    %dma_start3A_15 = arith.constant 0 : i32
    %dma_start3A_16 = arith.constant 0 : i32
    %dma_start3A_17 = tpu.memref_slice %arg5[%rem3A_2, %dma_start3A_15, %dma_start3A_16] : memref<3x2x128xi32, #tpu.memory_space<vmem>> -> memref<1x2x128xi32, #tpu.memory_space<vmem>>
    %dma_start3A_18 = tpu.memref_squeeze %dma_start3A_17 : memref<1x2x128xi32, #tpu.memory_space<vmem>> -> memref<2x128xi32, #tpu.memory_space<vmem>>
    %dma_start3A_19 = arith.constant 0 : i32
    %dma_start3A_20 = arith.constant 0 : i32
    %dma_start3A_21 = tpu.memref_slice %arg3[%arg0, %add3A_0, %dma_start3A_19, %dma_start3A_20] : memref<2x1250x2x128xi32, #tpu.memory_space<hbm>> -> memref<1x1x2x128xi32, #tpu.memory_space<hbm>>
    %dma_start3A_22 = tpu.memref_squeeze %dma_start3A_21 : memref<1x1x2x128xi32, #tpu.memory_space<hbm>> -> memref<2x128xi32, #tpu.memory_space<hbm>>
    tpu.enqueue_dma source(%dma_start3A_22 : memref<2x128xi32, #tpu.memory_space<hbm>>) target(%dma_start3A_18 : memref<2x128xi32, #tpu.memory_space<vmem>>) target_semaphore(%dma_start3A_14 : memref<!tpu.dma_semaphore, #tpu.memory_space<semaphore_mem>>)
    %add3A_23 = arith.constant 16 : i32
    %add3A_24 = arith.addi %arg1, %add3A_23 : i32
    %rem3A_25 = arith.constant 1 : i32
    %rem3A_26 = arith.constant 3 : i32
    %rem3A_27 = arith.remsi %rem3A_25, %rem3A_26 : i32
    %rem3A_28 = arith.constant 1 : i32
    %rem3A_29 = arith.constant 3 : i32
    %rem3A_30 = arith.remsi %rem3A_28, %rem3A_29 : i32
    %dma_start3A_31 = arith.constant 0 : i32
    %dma_start3A_32 = arith.constant 0 : i32
    %dma_start3A_33 = tpu.memref_slice %arg5[%rem3A_27, %dma_start3A_31, %dma_start3A_32] : memref<3x2x128xi32, #tpu.memory_space<vmem>> -> memref<1x2x128xi32, #tpu.memory_space<vmem>>
    %dma_start3A_34 = tpu.memref_squeeze %dma_start3A_33 : memref<1x2x128xi32, #tpu.memory_space<vmem>> -> memref<2x128xi32, #tpu.memory_space<vmem>>
    %dma_start3A_35 = arith.constant 0 : i32
    %dma_start3A_36 = arith.constant 0 : i32
    %dma_start3A_37 = tpu.memref_slice %arg3[%arg0, %add3A_24, %dma_start3A_35, %dma_start3A_36] : memref<2x1250x2x128xi32, #tpu.memory_space<hbm>> -> memref<1x1x2x128xi32, #tpu.memory_space<hbm>>
    %dma_start3A_38 = tpu.memref_squeeze %dma_start3A_37 : memref<1x1x2x128xi32, #tpu.memory_space<hbm>> -> memref<2x128xi32, #tpu.memory_space<hbm>>
    %dma_start3A_39 = tpu.memref_slice %arg8[%rem3A_30] : memref<3x!tpu.dma_semaphore, #tpu.memory_space<semaphore_mem>> -> memref<1x!tpu.dma_semaphore, #tpu.memory_space<semaphore_mem>>
    %dma_start3A_40 = tpu.memref_squeeze %dma_start3A_39 : memref<1x!tpu.dma_semaphore, #tpu.memory_space<semaphore_mem>> -> memref<!tpu.dma_semaphore, #tpu.memory_space<semaphore_mem>>
    %dma_start3A_41 = arith.constant 0 : i32
    %dma_start3A_42 = arith.constant 0 : i32
    %dma_start3A_43 = tpu.memref_slice %arg5[%rem3A_27, %dma_start3A_41, %dma_start3A_42] : memref<3x2x128xi32, #tpu.memory_space<vmem>> -> memref<1x2x128xi32, #tpu.memory_space<vmem>>
    %dma_start3A_44 = tpu.memref_squeeze %dma_start3A_43 : memref<1x2x128xi32, #tpu.memory_space<vmem>> -> memref<2x128xi32, #tpu.memory_space<vmem>>
    %dma_start3A_45 = arith.constant 0 : i32
    %dma_start3A_46 = arith.constant 0 : i32
    %dma_start3A_47 = tpu.memref_slice %arg3[%arg0, %add3A_24, %dma_start3A_45, %dma_start3A_46] : memref<2x1250x2x128xi32, #tpu.memory_space<hbm>> -> memref<1x1x2x128xi32, #tpu.memory_space<hbm>>
    %dma_start3A_48 = tpu.memref_squeeze %dma_start3A_47 : memref<1x1x2x128xi32, #tpu.memory_space<hbm>> -> memref<2x128xi32, #tpu.memory_space<hbm>>
    tpu.enqueue_dma source(%dma_start3A_48 : memref<2x128xi32, #tpu.memory_space<hbm>>) target(%dma_start3A_44 : memref<2x128xi32, #tpu.memory_space<vmem>>) target_semaphore(%dma_start3A_40 : memref<!tpu.dma_semaphore, #tpu.memory_space<semaphore_mem>>)
    %mul3A = arith.constant 10000 : i32
    %mul3A_49 = arith.muli %arg0, %mul3A : i32
    %mul3A_50 = arith.constant 624 : i32
    %mul3A_51 = arith.muli %arg1, %mul3A_50 : i32
    %add3A_52 = arith.addi %mul3A_49, %mul3A_51 : i32
    %mul3A_53 = arith.constant 624 : i32
    %mul3A_54 = arith.muli %arg1, %mul3A_53 : i32
    "tpu.region"() ({
      %run_scoped3A = tpu.sem_alloc : memref<!tpu.dma_semaphore, #tpu.memory_space<semaphore_mem>>
      %dma_start3A_162 = arith.constant 0 : i32
      %dma_start3A_163 = tpu.memref_slice %arg7[%mul3A_54, %dma_start3A_162] : memref<10000x128xf32, #tpu.memory_space<vmem_shared>> -> memref<624x128xf32, #tpu.memory_space<vmem_shared>>
      %dma_start3A_164 = arith.constant 0 : i32
      %dma_start3A_165 = tpu.memref_slice %arg2[%add3A_52, %dma_start3A_164] : memref<20000x128xf32, #tpu.memory_space<hbm>> -> memref<624x128xf32, #tpu.memory_space<hbm>>
      tpu.enqueue_dma source(%dma_start3A_165 : memref<624x128xf32, #tpu.memory_space<hbm>>) target(%dma_start3A_163 : memref<624x128xf32, #tpu.memory_space<vmem_shared>>) target_semaphore(%run_scoped3A : memref<!tpu.dma_semaphore, #tpu.memory_space<semaphore_mem>>)
      %dma_wait3A_166 = arith.constant 0 : i32
      %dma_wait3A_167 = tpu.memref_slice %arg7[%mul3A_54, %dma_wait3A_166] : memref<10000x128xf32, #tpu.memory_space<vmem_shared>> -> memref<624x128xf32, #tpu.memory_space<vmem_shared>>
      %dma_wait3A_168 = arith.constant 0 : i32
      %dma_wait3A_169 = tpu.memref_slice %arg2[%add3A_52, %dma_wait3A_168] : memref<20000x128xf32, #tpu.memory_space<hbm>> -> memref<624x128xf32, #tpu.memory_space<hbm>>
      tpu.wait_dma2 semaphore(%run_scoped3A : memref<!tpu.dma_semaphore, #tpu.memory_space<semaphore_mem>>) src(%dma_wait3A_169 : memref<624x128xf32, #tpu.memory_space<hbm>>) dst(%dma_wait3A_167 : memref<624x128xf32, #tpu.memory_space<vmem_shared>>)
      tpu.yield
    }) : () -> ()
    %eq3A = arith.constant 0 : i32
    %eq3A_55 = arith.cmpi eq, %arg1, %eq3A : i32
    %convert_element_type3A = arith.extui %eq3A_55 : i1 to i32
    %cond3A = arith.constant 0 : i32
    %cond3A_56 = arith.cmpi ne, %convert_element_type3A, %cond3A : i32
    scf.if %cond3A_56 {
      %mul3A_162 = arith.constant 10000 : i32
      %mul3A_163 = arith.muli %arg0, %mul3A_162 : i32
      %add3A_164 = arith.constant 9984 : i32
      %add3A_165 = arith.addi %mul3A_163, %add3A_164 : i32
      "tpu.region"() ({
        %run_scoped3A = tpu.sem_alloc : memref<!tpu.dma_semaphore, #tpu.memory_space<semaphore_mem>>
        %dma_start3A_166 = arith.constant 9984 : i32
        %dma_start3A_167 = arith.constant 0 : i32
        %dma_start3A_168 = tpu.memref_slice %arg7[%dma_start3A_166, %dma_start3A_167] : memref<10000x128xf32, #tpu.memory_space<vmem_shared>> -> memref<16x128xf32, #tpu.memory_space<vmem_shared>>
        %dma_start3A_169 = arith.constant 0 : i32
        %dma_start3A_170 = tpu.memref_slice %arg2[%add3A_165, %dma_start3A_169] : memref<20000x128xf32, #tpu.memory_space<hbm>> -> memref<16x128xf32, #tpu.memory_space<hbm>>
        tpu.enqueue_dma source(%dma_start3A_170 : memref<16x128xf32, #tpu.memory_space<hbm>>) target(%dma_start3A_168 : memref<16x128xf32, #tpu.memory_space<vmem_shared>>) target_semaphore(%run_scoped3A : memref<!tpu.dma_semaphore, #tpu.memory_space<semaphore_mem>>)
        %dma_wait3A_171 = arith.constant 9984 : i32
        %dma_wait3A_172 = arith.constant 0 : i32
        %dma_wait3A_173 = tpu.memref_slice %arg7[%dma_wait3A_171, %dma_wait3A_172] : memref<10000x128xf32, #tpu.memory_space<vmem_shared>> -> memref<16x128xf32, #tpu.memory_space<vmem_shared>>
        %dma_wait3A_174 = arith.constant 0 : i32
        %dma_wait3A_175 = tpu.memref_slice %arg2[%add3A_165, %dma_wait3A_174] : memref<20000x128xf32, #tpu.memory_space<hbm>> -> memref<16x128xf32, #tpu.memory_space<hbm>>
        tpu.wait_dma2 semaphore(%run_scoped3A : memref<!tpu.dma_semaphore, #tpu.memory_space<semaphore_mem>>) src(%dma_wait3A_175 : memref<16x128xf32, #tpu.memory_space<hbm>>) dst(%dma_wait3A_173 : memref<16x128xf32, #tpu.memory_space<vmem_shared>>)
        tpu.yield
      }) : () -> ()
    } else {
    }
    %add3A_57 = arith.constant 0 : i32
    %add3A_58 = arith.addi %arg1, %add3A_57 : i32
    %rem3A_59 = arith.constant 0 : i32
    %rem3A_60 = arith.constant 3 : i32
    %rem3A_61 = arith.remsi %rem3A_59, %rem3A_60 : i32
    %rem3A_62 = arith.constant 0 : i32
    %rem3A_63 = arith.constant 3 : i32
    %rem3A_64 = arith.remsi %rem3A_62, %rem3A_63 : i32
    %dma_wait3A = arith.constant 0 : i32
    %dma_wait3A_65 = arith.constant 0 : i32
    %dma_wait3A_66 = tpu.memref_slice %arg5[%rem3A_61, %dma_wait3A, %dma_wait3A_65] : memref<3x2x128xi32, #tpu.memory_space<vmem>> -> memref<1x2x128xi32, #tpu.memory_space<vmem>>
    %dma_wait3A_67 = tpu.memref_squeeze %dma_wait3A_66 : memref<1x2x128xi32, #tpu.memory_space<vmem>> -> memref<2x128xi32, #tpu.memory_space<vmem>>
    %dma_wait3A_68 = arith.constant 0 : i32
    %dma_wait3A_69 = arith.constant 0 : i32
    %dma_wait3A_70 = tpu.memref_slice %arg3[%arg0, %add3A_58, %dma_wait3A_68, %dma_wait3A_69] : memref<2x1250x2x128xi32, #tpu.memory_space<hbm>> -> memref<1x1x2x128xi32, #tpu.memory_space<hbm>>
    %dma_wait3A_71 = tpu.memref_squeeze %dma_wait3A_70 : memref<1x1x2x128xi32, #tpu.memory_space<hbm>> -> memref<2x128xi32, #tpu.memory_space<hbm>>
    %dma_wait3A_72 = tpu.memref_slice %arg8[%rem3A_64] : memref<3x!tpu.dma_semaphore, #tpu.memory_space<semaphore_mem>> -> memref<1x!tpu.dma_semaphore, #tpu.memory_space<semaphore_mem>>
    %dma_wait3A_73 = tpu.memref_squeeze %dma_wait3A_72 : memref<1x!tpu.dma_semaphore, #tpu.memory_space<semaphore_mem>> -> memref<!tpu.dma_semaphore, #tpu.memory_space<semaphore_mem>>
    %dma_wait3A_74 = arith.constant 0 : i32
    %dma_wait3A_75 = arith.constant 0 : i32
    %dma_wait3A_76 = tpu.memref_slice %arg5[%rem3A_61, %dma_wait3A_74, %dma_wait3A_75] : memref<3x2x128xi32, #tpu.memory_space<vmem>> -> memref<1x2x128xi32, #tpu.memory_space<vmem>>
    %dma_wait3A_77 = tpu.memref_squeeze %dma_wait3A_76 : memref<1x2x128xi32, #tpu.memory_space<vmem>> -> memref<2x128xi32, #tpu.memory_space<vmem>>
    %dma_wait3A_78 = arith.constant 0 : i32
    %dma_wait3A_79 = arith.constant 0 : i32
    %dma_wait3A_80 = tpu.memref_slice %arg3[%arg0, %add3A_58, %dma_wait3A_78, %dma_wait3A_79] : memref<2x1250x2x128xi32, #tpu.memory_space<hbm>> -> memref<1x1x2x128xi32, #tpu.memory_space<hbm>>
    %dma_wait3A_81 = tpu.memref_squeeze %dma_wait3A_80 : memref<1x1x2x128xi32, #tpu.memory_space<hbm>> -> memref<2x128xi32, #tpu.memory_space<hbm>>
    tpu.wait_dma2 semaphore(%dma_wait3A_73 : memref<!tpu.dma_semaphore, #tpu.memory_space<semaphore_mem>>) src(%dma_wait3A_81 : memref<2x128xi32, #tpu.memory_space<hbm>>) dst(%dma_wait3A_77 : memref<2x128xi32, #tpu.memory_space<vmem>>)
    %rem3A_82 = arith.constant 0 : i32
    %rem3A_83 = arith.constant 3 : i32
    %rem3A_84 = arith.remsi %rem3A_82, %rem3A_83 : i32
    %rem3A_85 = arith.constant 0 : i32
    %rem3A_86 = arith.constant 2 : i32
    %rem3A_87 = arith.remsi %rem3A_85, %rem3A_86 : i32
    %rem3A_88 = arith.constant 0 : i32
    %rem3A_89 = arith.constant 2 : i32
    %rem3A_90 = arith.remsi %rem3A_88, %rem3A_89 : i32
    %dma_start3A_91 = arith.constant 0 : i32
    %dma_start3A_92 = arith.constant 0 : i32
    %dma_start3A_93 = arith.constant 0 : i32
    %dma_start3A_94 = tpu.memref_slice %arg6[%rem3A_87, %dma_start3A_92, %dma_start3A_93] : memref<2x128x128xf32, #tpu.memory_space<vmem>> -> memref<1x128x128xf32, #tpu.memory_space<vmem>>
    %dma_start3A_95 = tpu.memref_squeeze %dma_start3A_94 : memref<1x128x128xf32, #tpu.memory_space<vmem>> -> memref<128x128xf32, #tpu.memory_space<vmem>>
    %dma_start3A_96 = arith.constant 0 : i32
    %dma_start3A_97 = tpu.memref_slice %arg5[%rem3A_84, %dma_start3A_91, %dma_start3A_96] : memref<3x2x128xi32, #tpu.memory_space<vmem>> -> memref<1x1x128xi32, #tpu.memory_space<vmem>>
    %dma_start3A_98 = tpu.memref_squeeze %dma_start3A_97 : memref<1x1x128xi32, #tpu.memory_space<vmem>> -> memref<128xi32, #tpu.memory_space<vmem>>
    %dma_start3A_99 = arith.constant 0 : i32
    %dma_start3A_100 = arith.constant 0 : i32
    %dma_start3A_101 = tpu.memref_slice %arg2[%dma_start3A_99, %dma_start3A_100] : memref<20000x128xf32, #tpu.memory_space<hbm>> -> memref<20000x128xf32, #tpu.memory_space<hbm>>
    %dma_start3A_102 = tpu.memref_slice %arg9[%rem3A_90] : memref<2x!tpu.dma_semaphore, #tpu.memory_space<semaphore_mem>> -> memref<1x!tpu.dma_semaphore, #tpu.memory_space<semaphore_mem>>
    %dma_start3A_103 = tpu.memref_squeeze %dma_start3A_102 : memref<1x!tpu.dma_semaphore, #tpu.memory_space<semaphore_mem>> -> memref<!tpu.dma_semaphore, #tpu.memory_space<semaphore_mem>>
    tpu.enqueue_indirect_dma source(%dma_start3A_101 : memref<20000x128xf32, #tpu.memory_space<hbm>>) target(%dma_start3A_95 : memref<128x128xf32, #tpu.memory_space<vmem>>) offsets(%dma_start3A_98 : memref<128xi32, #tpu.memory_space<vmem>>) semaphore(%dma_start3A_103 : memref<!tpu.dma_semaphore, #tpu.memory_space<semaphore_mem>>)
    %barrier3A = arith.constant 0 : index
    tpu.barrier barrier_id(%barrier3A)
    %scan3A = arith.constant 0 : i32
    %scan3A_104 = arith.constant 0 : i32
    %scan3A_105 = arith.constant 79 : i32
    %scan3A_106 = arith.addi %scan3A_104, %scan3A_105 : i32
    %scan3A_107 = arith.constant 1 : i32
    scf.for %scan3A_162 = %scan3A_104 to %scan3A_106 step %scan3A_107  : i32 {
      %add3A_163 = arith.constant 2 : i32
      %add3A_164 = arith.addi %scan3A_162, %add3A_163 : i32
      %mul3A_165 = arith.constant 16 : i32
      %mul3A_166 = arith.muli %add3A_164, %mul3A_165 : i32
      %add3A_167 = arith.addi %arg1, %mul3A_166 : i32
      %lt3A = arith.constant 1250 : i32
      %lt3A_168 = arith.cmpi slt, %add3A_167, %lt3A : i32
      %convert_element_type3A_169 = arith.extui %lt3A_168 : i1 to i32
      %cond3A_170 = arith.constant 0 : i32
      %cond3A_171 = arith.cmpi ne, %convert_element_type3A_169, %cond3A_170 : i32
      scf.if %cond3A_171 {
        %add3A_190 = arith.constant 2 : i32
        %add3A_191 = arith.addi %scan3A_162, %add3A_190 : i32
        %mul3A_192 = arith.constant 16 : i32
        %mul3A_193 = arith.muli %add3A_191, %mul3A_192 : i32
        %add3A_194 = arith.addi %arg1, %mul3A_193 : i32
        %rem3A_195 = arith.constant 3 : i32
        %rem3A_196 = arith.remsi %add3A_191, %rem3A_195 : i32
        %rem3A_197 = arith.constant 3 : i32
        %rem3A_198 = arith.remsi %add3A_191, %rem3A_197 : i32
        %dma_start3A_199 = arith.constant 0 : i32
        %dma_start3A_200 = arith.constant 0 : i32
        %dma_start3A_201 = tpu.memref_slice %arg5[%rem3A_196, %dma_start3A_199, %dma_start3A_200] : memref<3x2x128xi32, #tpu.memory_space<vmem>> -> memref<1x2x128xi32, #tpu.memory_space<vmem>>
        %dma_start3A_202 = tpu.memref_squeeze %dma_start3A_201 : memref<1x2x128xi32, #tpu.memory_space<vmem>> -> memref<2x128xi32, #tpu.memory_space<vmem>>
        %dma_start3A_203 = arith.constant 0 : i32
        %dma_start3A_204 = arith.constant 0 : i32
        %dma_start3A_205 = tpu.memref_slice %arg3[%arg0, %add3A_194, %dma_start3A_203, %dma_start3A_204] : memref<2x1250x2x128xi32, #tpu.memory_space<hbm>> -> memref<1x1x2x128xi32, #tpu.memory_space<hbm>>
        %dma_start3A_206 = tpu.memref_squeeze %dma_start3A_205 : memref<1x1x2x128xi32, #tpu.memory_space<hbm>> -> memref<2x128xi32, #tpu.memory_space<hbm>>
        %dma_start3A_207 = tpu.memref_slice %arg8[%rem3A_198] : memref<3x!tpu.dma_semaphore, #tpu.memory_space<semaphore_mem>> -> memref<1x!tpu.dma_semaphore, #tpu.memory_space<semaphore_mem>>
        %dma_start3A_208 = tpu.memref_squeeze %dma_start3A_207 : memref<1x!tpu.dma_semaphore, #tpu.memory_space<semaphore_mem>> -> memref<!tpu.dma_semaphore, #tpu.memory_space<semaphore_mem>>
        %dma_start3A_209 = arith.constant 0 : i32
        %dma_start3A_210 = arith.constant 0 : i32
        %dma_start3A_211 = tpu.memref_slice %arg5[%rem3A_196, %dma_start3A_209, %dma_start3A_210] : memref<3x2x128xi32, #tpu.memory_space<vmem>> -> memref<1x2x128xi32, #tpu.memory_space<vmem>>
        %dma_start3A_212 = tpu.memref_squeeze %dma_start3A_211 : memref<1x2x128xi32, #tpu.memory_space<vmem>> -> memref<2x128xi32, #tpu.memory_space<vmem>>
        %dma_start3A_213 = arith.constant 0 : i32
        %dma_start3A_214 = arith.constant 0 : i32
        %dma_start3A_215 = tpu.memref_slice %arg3[%arg0, %add3A_194, %dma_start3A_213, %dma_start3A_214] : memref<2x1250x2x128xi32, #tpu.memory_space<hbm>> -> memref<1x1x2x128xi32, #tpu.memory_space<hbm>>
        %dma_start3A_216 = tpu.memref_squeeze %dma_start3A_215 : memref<1x1x2x128xi32, #tpu.memory_space<hbm>> -> memref<2x128xi32, #tpu.memory_space<hbm>>
        tpu.enqueue_dma source(%dma_start3A_216 : memref<2x128xi32, #tpu.memory_space<hbm>>) target(%dma_start3A_212 : memref<2x128xi32, #tpu.memory_space<vmem>>) target_semaphore(%dma_start3A_208 : memref<!tpu.dma_semaphore, #tpu.memory_space<semaphore_mem>>)
      } else {
      }
      %add3A_172 = arith.constant 1 : i32
      %add3A_173 = arith.addi %scan3A_162, %add3A_172 : i32
      %mul3A_174 = arith.constant 16 : i32
      %mul3A_175 = arith.muli %add3A_173, %mul3A_174 : i32
      %add3A_176 = arith.addi %arg1, %mul3A_175 : i32
      %lt3A_177 = arith.constant 1250 : i32
      %lt3A_178 = arith.cmpi slt, %add3A_176, %lt3A_177 : i32
      %convert_element_type3A_179 = arith.extui %lt3A_178 : i1 to i32
      %cond3A_180 = arith.constant 0 : i32
      %cond3A_181 = arith.cmpi ne, %convert_element_type3A_179, %cond3A_180 : i32
      scf.if %cond3A_181 {
        %add3A_190 = arith.constant 1 : i32
        %add3A_191 = arith.addi %scan3A_162, %add3A_190 : i32
        %ge3A_192 = arith.constant 2 : i32
        %ge3A_193 = arith.cmpi sge, %add3A_191, %ge3A_192 : i32
        %convert_element_type3A_194 = arith.extui %ge3A_193 : i1 to i32
        %cond3A_195 = arith.constant 0 : i32
        %cond3A_196 = arith.cmpi ne, %convert_element_type3A_194, %cond3A_195 : i32
        scf.if %cond3A_196 {
          %add3A_245 = arith.constant 1 : i32
          %add3A_246 = arith.addi %scan3A_162, %add3A_245 : i32
          %sub3A_247 = arith.constant 2 : i32
          %sub3A_248 = arith.subi %add3A_246, %sub3A_247 : i32
          %rem3A_249 = arith.constant 2 : i32
          %rem3A_250 = arith.remsi %sub3A_248, %rem3A_249 : i32
          %rem3A_251 = arith.constant 3 : i32
          %rem3A_252 = arith.remsi %sub3A_248, %rem3A_251 : i32
          %rem3A_253 = arith.constant 2 : i32
          %rem3A_254 = arith.remsi %sub3A_248, %rem3A_253 : i32
          %dma_wait3A_255 = arith.constant 1 : i32
          %dma_wait3A_256 = arith.constant 0 : i32
          %dma_wait3A_257 = arith.constant 0 : i32
          %dma_wait3A_258 = tpu.memref_slice %arg6[%rem3A_250, %dma_wait3A_256, %dma_wait3A_257] : memref<2x128x128xf32, #tpu.memory_space<vmem>> -> memref<1x128x128xf32, #tpu.memory_space<vmem>>
          %dma_wait3A_259 = tpu.memref_squeeze %dma_wait3A_258 : memref<1x128x128xf32, #tpu.memory_space<vmem>> -> memref<128x128xf32, #tpu.memory_space<vmem>>
          %dma_wait3A_260 = arith.constant 0 : i32
          %dma_wait3A_261 = tpu.memref_slice %arg5[%rem3A_252, %dma_wait3A_255, %dma_wait3A_260] : memref<3x2x128xi32, #tpu.memory_space<vmem>> -> memref<1x1x128xi32, #tpu.memory_space<vmem>>
          %dma_wait3A_262 = tpu.memref_squeeze %dma_wait3A_261 : memref<1x1x128xi32, #tpu.memory_space<vmem>> -> memref<128xi32, #tpu.memory_space<vmem>>
          %dma_wait3A_263 = arith.constant 0 : i32
          %dma_wait3A_264 = arith.constant 0 : i32
          %dma_wait3A_265 = tpu.memref_slice %arg7[%dma_wait3A_263, %dma_wait3A_264] : memref<10000x128xf32, #tpu.memory_space<vmem_shared>> -> memref<10000x128xf32, #tpu.memory_space<vmem_shared>>
          %dma_wait3A_266 = tpu.memref_slice %arg10[%rem3A_254] : memref<2x!tpu.dma_semaphore, #tpu.memory_space<semaphore_mem>> -> memref<1x!tpu.dma_semaphore, #tpu.memory_space<semaphore_mem>>
          %dma_wait3A_267 = tpu.memref_squeeze %dma_wait3A_266 : memref<1x!tpu.dma_semaphore, #tpu.memory_space<semaphore_mem>> -> memref<!tpu.dma_semaphore, #tpu.memory_space<semaphore_mem>>
          tpu.wait_indirect_dma semaphore(%dma_wait3A_267 : memref<!tpu.dma_semaphore, #tpu.memory_space<semaphore_mem>>) src(%dma_wait3A_259 : memref<128x128xf32, #tpu.memory_space<vmem>>) dst(%dma_wait3A_265 : memref<10000x128xf32, #tpu.memory_space<vmem_shared>>)
        } else {
        }
        %add3A_197 = arith.constant 1 : i32
        %add3A_198 = arith.addi %scan3A_162, %add3A_197 : i32
        %mul3A_199 = arith.constant 16 : i32
        %mul3A_200 = arith.muli %add3A_198, %mul3A_199 : i32
        %add3A_201 = arith.addi %arg1, %mul3A_200 : i32
        %rem3A_202 = arith.constant 3 : i32
        %rem3A_203 = arith.remsi %add3A_198, %rem3A_202 : i32
        %rem3A_204 = arith.constant 3 : i32
        %rem3A_205 = arith.remsi %add3A_198, %rem3A_204 : i32
        %dma_wait3A_206 = arith.constant 0 : i32
        %dma_wait3A_207 = arith.constant 0 : i32
        %dma_wait3A_208 = tpu.memref_slice %arg5[%rem3A_203, %dma_wait3A_206, %dma_wait3A_207] : memref<3x2x128xi32, #tpu.memory_space<vmem>> -> memref<1x2x128xi32, #tpu.memory_space<vmem>>
        %dma_wait3A_209 = tpu.memref_squeeze %dma_wait3A_208 : memref<1x2x128xi32, #tpu.memory_space<vmem>> -> memref<2x128xi32, #tpu.memory_space<vmem>>
        %dma_wait3A_210 = arith.constant 0 : i32
        %dma_wait3A_211 = arith.constant 0 : i32
        %dma_wait3A_212 = tpu.memref_slice %arg3[%arg0, %add3A_201, %dma_wait3A_210, %dma_wait3A_211] : memref<2x1250x2x128xi32, #tpu.memory_space<hbm>> -> memref<1x1x2x128xi32, #tpu.memory_space<hbm>>
        %dma_wait3A_213 = tpu.memref_squeeze %dma_wait3A_212 : memref<1x1x2x128xi32, #tpu.memory_space<hbm>> -> memref<2x128xi32, #tpu.memory_space<hbm>>
        %dma_wait3A_214 = tpu.memref_slice %arg8[%rem3A_205] : memref<3x!tpu.dma_semaphore, #tpu.memory_space<semaphore_mem>> -> memref<1x!tpu.dma_semaphore, #tpu.memory_space<semaphore_mem>>
        %dma_wait3A_215 = tpu.memref_squeeze %dma_wait3A_214 : memref<1x!tpu.dma_semaphore, #tpu.memory_space<semaphore_mem>> -> memref<!tpu.dma_semaphore, #tpu.memory_space<semaphore_mem>>
        %dma_wait3A_216 = arith.constant 0 : i32
        %dma_wait3A_217 = arith.constant 0 : i32
        %dma_wait3A_218 = tpu.memref_slice %arg5[%rem3A_203, %dma_wait3A_216, %dma_wait3A_217] : memref<3x2x128xi32, #tpu.memory_space<vmem>> -> memref<1x2x128xi32, #tpu.memory_space<vmem>>
        %dma_wait3A_219 = tpu.memref_squeeze %dma_wait3A_218 : memref<1x2x128xi32, #tpu.memory_space<vmem>> -> memref<2x128xi32, #tpu.memory_space<vmem>>
        %dma_wait3A_220 = arith.constant 0 : i32
        %dma_wait3A_221 = arith.constant 0 : i32
        %dma_wait3A_222 = tpu.memref_slice %arg3[%arg0, %add3A_201, %dma_wait3A_220, %dma_wait3A_221] : memref<2x1250x2x128xi32, #tpu.memory_space<hbm>> -> memref<1x1x2x128xi32, #tpu.memory_space<hbm>>
        %dma_wait3A_223 = tpu.memref_squeeze %dma_wait3A_222 : memref<1x1x2x128xi32, #tpu.memory_space<hbm>> -> memref<2x128xi32, #tpu.memory_space<hbm>>
        tpu.wait_dma2 semaphore(%dma_wait3A_215 : memref<!tpu.dma_semaphore, #tpu.memory_space<semaphore_mem>>) src(%dma_wait3A_223 : memref<2x128xi32, #tpu.memory_space<hbm>>) dst(%dma_wait3A_219 : memref<2x128xi32, #tpu.memory_space<vmem>>)
        %add3A_224 = arith.constant 1 : i32
        %add3A_225 = arith.addi %scan3A_162, %add3A_224 : i32
        %rem3A_226 = arith.constant 3 : i32
        %rem3A_227 = arith.remsi %add3A_225, %rem3A_226 : i32
        %rem3A_228 = arith.constant 2 : i32
        %rem3A_229 = arith.remsi %add3A_225, %rem3A_228 : i32
        %rem3A_230 = arith.constant 2 : i32
        %rem3A_231 = arith.remsi %add3A_225, %rem3A_230 : i32
        %dma_start3A_232 = arith.constant 0 : i32
        %dma_start3A_233 = arith.constant 0 : i32
        %dma_start3A_234 = arith.constant 0 : i32
        %dma_start3A_235 = tpu.memref_slice %arg6[%rem3A_229, %dma_start3A_233, %dma_start3A_234] : memref<2x128x128xf32, #tpu.memory_space<vmem>> -> memref<1x128x128xf32, #tpu.memory_space<vmem>>
        %dma_start3A_236 = tpu.memref_squeeze %dma_start3A_235 : memref<1x128x128xf32, #tpu.memory_space<vmem>> -> memref<128x128xf32, #tpu.memory_space<vmem>>
        %dma_start3A_237 = arith.constant 0 : i32
        %dma_start3A_238 = tpu.memref_slice %arg5[%rem3A_227, %dma_start3A_232, %dma_start3A_237] : memref<3x2x128xi32, #tpu.memory_space<vmem>> -> memref<1x1x128xi32, #tpu.memory_space<vmem>>
        %dma_start3A_239 = tpu.memref_squeeze %dma_start3A_238 : memref<1x1x128xi32, #tpu.memory_space<vmem>> -> memref<128xi32, #tpu.memory_space<vmem>>
        %dma_start3A_240 = arith.constant 0 : i32
        %dma_start3A_241 = arith.constant 0 : i32
        %dma_start3A_242 = tpu.memref_slice %arg2[%dma_start3A_240, %dma_start3A_241] : memref<20000x128xf32, #tpu.memory_space<hbm>> -> memref<20000x128xf32, #tpu.memory_space<hbm>>
        %dma_start3A_243 = tpu.memref_slice %arg9[%rem3A_231] : memref<2x!tpu.dma_semaphore, #tpu.memory_space<semaphore_mem>> -> memref<1x!tpu.dma_semaphore, #tpu.memory_space<semaphore_mem>>
        %dma_start3A_244 = tpu.memref_squeeze %dma_start3A_243 : memref<1x!tpu.dma_semaphore, #tpu.memory_space<semaphore_mem>> -> memref<!tpu.dma_semaphore, #tpu.memory_space<semaphore_mem>>
        tpu.enqueue_indirect_dma source(%dma_start3A_242 : memref<20000x128xf32, #tpu.memory_space<hbm>>) target(%dma_start3A_236 : memref<128x128xf32, #tpu.memory_space<vmem>>) offsets(%dma_start3A_239 : memref<128xi32, #tpu.memory_space<vmem>>) semaphore(%dma_start3A_244 : memref<!tpu.dma_semaphore, #tpu.memory_space<semaphore_mem>>)
      } else {
      }
      %mul3A_182 = arith.constant 16 : i32
      %mul3A_183 = arith.muli %scan3A_162, %mul3A_182 : i32
      %add3A_184 = arith.addi %arg1, %mul3A_183 : i32
      %lt3A_185 = arith.constant 1250 : i32
      %lt3A_186 = arith.cmpi slt, %add3A_184, %lt3A_185 : i32
      %convert_element_type3A_187 = arith.extui %lt3A_186 : i1 to i32
      %cond3A_188 = arith.constant 0 : i32
      %cond3A_189 = arith.cmpi ne, %convert_element_type3A_187, %cond3A_188 : i32
      scf.if %cond3A_189 {
        %rem3A_190 = arith.constant 3 : i32
        %rem3A_191 = arith.remsi %scan3A_162, %rem3A_190 : i32
        %rem3A_192 = arith.constant 2 : i32
        %rem3A_193 = arith.remsi %scan3A_162, %rem3A_192 : i32
        %rem3A_194 = arith.constant 2 : i32
        %rem3A_195 = arith.remsi %scan3A_162, %rem3A_194 : i32
        %dma_wait3A_196 = arith.constant 0 : i32
        %dma_wait3A_197 = arith.constant 0 : i32
        %dma_wait3A_198 = arith.constant 0 : i32
        %dma_wait3A_199 = tpu.memref_slice %arg6[%rem3A_193, %dma_wait3A_197, %dma_wait3A_198] : memref<2x128x128xf32, #tpu.memory_space<vmem>> -> memref<1x128x128xf32, #tpu.memory_space<vmem>>
        %dma_wait3A_200 = tpu.memref_squeeze %dma_wait3A_199 : memref<1x128x128xf32, #tpu.memory_space<vmem>> -> memref<128x128xf32, #tpu.memory_space<vmem>>
        %dma_wait3A_201 = arith.constant 0 : i32
        %dma_wait3A_202 = tpu.memref_slice %arg5[%rem3A_191, %dma_wait3A_196, %dma_wait3A_201] : memref<3x2x128xi32, #tpu.memory_space<vmem>> -> memref<1x1x128xi32, #tpu.memory_space<vmem>>
        %dma_wait3A_203 = tpu.memref_squeeze %dma_wait3A_202 : memref<1x1x128xi32, #tpu.memory_space<vmem>> -> memref<128xi32, #tpu.memory_space<vmem>>
        %dma_wait3A_204 = arith.constant 0 : i32
        %dma_wait3A_205 = arith.constant 0 : i32
        %dma_wait3A_206 = tpu.memref_slice %arg2[%dma_wait3A_204, %dma_wait3A_205] : memref<20000x128xf32, #tpu.memory_space<hbm>> -> memref<20000x128xf32, #tpu.memory_space<hbm>>
        %dma_wait3A_207 = tpu.memref_slice %arg9[%rem3A_195] : memref<2x!tpu.dma_semaphore, #tpu.memory_space<semaphore_mem>> -> memref<1x!tpu.dma_semaphore, #tpu.memory_space<semaphore_mem>>
        %dma_wait3A_208 = tpu.memref_squeeze %dma_wait3A_207 : memref<1x!tpu.dma_semaphore, #tpu.memory_space<semaphore_mem>> -> memref<!tpu.dma_semaphore, #tpu.memory_space<semaphore_mem>>
        tpu.wait_indirect_dma semaphore(%dma_wait3A_208 : memref<!tpu.dma_semaphore, #tpu.memory_space<semaphore_mem>>) src(%dma_wait3A_206 : memref<20000x128xf32, #tpu.memory_space<hbm>>) dst(%dma_wait3A_200 : memref<128x128xf32, #tpu.memory_space<vmem>>)
        %rem3A_209 = arith.constant 2 : i32
        %rem3A_210 = arith.remsi %scan3A_162, %rem3A_209 : i32
        %rem3A_211 = arith.constant 3 : i32
        %rem3A_212 = arith.remsi %scan3A_162, %rem3A_211 : i32
        %rem3A_213 = arith.constant 2 : i32
        %rem3A_214 = arith.remsi %scan3A_162, %rem3A_213 : i32
        %dma_start3A_215 = arith.constant 1 : i32
        %dma_start3A_216 = arith.constant 0 : i32
        %dma_start3A_217 = arith.constant 0 : i32
        %dma_start3A_218 = tpu.memref_slice %arg6[%rem3A_210, %dma_start3A_216, %dma_start3A_217] : memref<2x128x128xf32, #tpu.memory_space<vmem>> -> memref<1x128x128xf32, #tpu.memory_space<vmem>>
        %dma_start3A_219 = tpu.memref_squeeze %dma_start3A_218 : memref<1x128x128xf32, #tpu.memory_space<vmem>> -> memref<128x128xf32, #tpu.memory_space<vmem>>
        %dma_start3A_220 = arith.constant 0 : i32
        %dma_start3A_221 = tpu.memref_slice %arg5[%rem3A_212, %dma_start3A_215, %dma_start3A_220] : memref<3x2x128xi32, #tpu.memory_space<vmem>> -> memref<1x1x128xi32, #tpu.memory_space<vmem>>
        %dma_start3A_222 = tpu.memref_squeeze %dma_start3A_221 : memref<1x1x128xi32, #tpu.memory_space<vmem>> -> memref<128xi32, #tpu.memory_space<vmem>>
        %dma_start3A_223 = arith.constant 0 : i32
        %dma_start3A_224 = arith.constant 0 : i32
        %dma_start3A_225 = tpu.memref_slice %arg7[%dma_start3A_223, %dma_start3A_224] : memref<10000x128xf32, #tpu.memory_space<vmem_shared>> -> memref<10000x128xf32, #tpu.memory_space<vmem_shared>>
        %dma_start3A_226 = tpu.memref_slice %arg10[%rem3A_214] : memref<2x!tpu.dma_semaphore, #tpu.memory_space<semaphore_mem>> -> memref<1x!tpu.dma_semaphore, #tpu.memory_space<semaphore_mem>>
        %dma_start3A_227 = tpu.memref_squeeze %dma_start3A_226 : memref<1x!tpu.dma_semaphore, #tpu.memory_space<semaphore_mem>> -> memref<!tpu.dma_semaphore, #tpu.memory_space<semaphore_mem>>
        tpu.enqueue_indirect_dma source(%dma_start3A_219 : memref<128x128xf32, #tpu.memory_space<vmem>>) target(%dma_start3A_225 : memref<10000x128xf32, #tpu.memory_space<vmem_shared>>) offsets(%dma_start3A_222 : memref<128xi32, #tpu.memory_space<vmem>>) semaphore(%dma_start3A_227 : memref<!tpu.dma_semaphore, #tpu.memory_space<semaphore_mem>>) {add = true}
      } else {
      }
    }
    %scan3A_108 = arith.constant 79 : i32
    %sub3A = arith.constant 1250 : i32
    %sub3A_109 = arith.subi %sub3A, %arg1 : i32
    %add3A_110 = arith.constant 16 : i32
    %add3A_111 = arith.addi %sub3A_109, %add3A_110 : i32
    %sub3A_112 = arith.constant 1 : i32
    %sub3A_113 = arith.subi %add3A_111, %sub3A_112 : i32
    %jit3A = arith.constant 16 : i32
    %div3A = arith.divsi %sub3A_113, %jit3A : i32
    %sign3A = arith.constant 0 : i32
    %sign3A_114 = arith.cmpi sgt, %sub3A_113, %sign3A : i32
    %sign3A_115 = arith.extui %sign3A_114 : i1 to i32
    %sign3A_116 = arith.constant 0 : i32
    %sign3A_117 = arith.cmpi slt, %sub3A_113, %sign3A_116 : i32
    %sign3A_118 = arith.extui %sign3A_117 : i1 to i32
    %sign3A_119 = arith.subi %sign3A_115, %sign3A_118 : i32
    %sign3A_120 = arith.constant 0 : i32
    %sign3A_121 = arith.cmpi sgt, %jit3A, %sign3A_120 : i32
    %sign3A_122 = arith.extui %sign3A_121 : i1 to i32
    %sign3A_123 = arith.constant 0 : i32
    %sign3A_124 = arith.cmpi slt, %jit3A, %sign3A_123 : i32
    %sign3A_125 = arith.extui %sign3A_124 : i1 to i32
    %sign3A_126 = arith.subi %sign3A_122, %sign3A_125 : i32
    %ne3A = arith.cmpi ne, %sign3A_119, %sign3A_126 : i32
    %rem3A_127 = arith.remsi %sub3A_113, %jit3A : i32
    %ne3A_128 = arith.constant 0 : i32
    %ne3A_129 = arith.cmpi ne, %rem3A_127, %ne3A_128 : i32
    %and3A = arith.andi %ne3A, %ne3A_129 : i1
    %sub3A_130 = arith.constant 1 : i32
    %sub3A_131 = arith.subi %div3A, %sub3A_130 : i32
    %select_n3A = arith.select %and3A, %sub3A_131, %div3A : i32
    %sub3A_132 = arith.constant 2 : i32
    %sub3A_133 = arith.subi %select_n3A, %sub3A_132 : i32
    %add3A_134 = arith.constant 0 : i32
    %add3A_135 = arith.addi %sub3A_133, %add3A_134 : i32
    %ge3A = arith.constant 0 : i32
    %ge3A_136 = arith.cmpi sge, %add3A_135, %ge3A : i32
    %convert_element_type3A_137 = arith.extui %ge3A_136 : i1 to i32
    %cond3A_138 = arith.constant 0 : i32
    %cond3A_139 = arith.cmpi ne, %convert_element_type3A_137, %cond3A_138 : i32
    scf.if %cond3A_139 {
      %rem3A_162 = arith.constant 2 : i32
      %rem3A_163 = arith.remsi %add3A_135, %rem3A_162 : i32
      %rem3A_164 = arith.constant 3 : i32
      %rem3A_165 = arith.remsi %add3A_135, %rem3A_164 : i32
      %rem3A_166 = arith.constant 2 : i32
      %rem3A_167 = arith.remsi %add3A_135, %rem3A_166 : i32
      %dma_wait3A_168 = arith.constant 1 : i32
      %dma_wait3A_169 = arith.constant 0 : i32
      %dma_wait3A_170 = arith.constant 0 : i32
      %dma_wait3A_171 = tpu.memref_slice %arg6[%rem3A_163, %dma_wait3A_169, %dma_wait3A_170] : memref<2x128x128xf32, #tpu.memory_space<vmem>> -> memref<1x128x128xf32, #tpu.memory_space<vmem>>
      %dma_wait3A_172 = tpu.memref_squeeze %dma_wait3A_171 : memref<1x128x128xf32, #tpu.memory_space<vmem>> -> memref<128x128xf32, #tpu.memory_space<vmem>>
      %dma_wait3A_173 = arith.constant 0 : i32
      %dma_wait3A_174 = tpu.memref_slice %arg5[%rem3A_165, %dma_wait3A_168, %dma_wait3A_173] : memref<3x2x128xi32, #tpu.memory_space<vmem>> -> memref<1x1x128xi32, #tpu.memory_space<vmem>>
      %dma_wait3A_175 = tpu.memref_squeeze %dma_wait3A_174 : memref<1x1x128xi32, #tpu.memory_space<vmem>> -> memref<128xi32, #tpu.memory_space<vmem>>
      %dma_wait3A_176 = arith.constant 0 : i32
      %dma_wait3A_177 = arith.constant 0 : i32
      %dma_wait3A_178 = tpu.memref_slice %arg7[%dma_wait3A_176, %dma_wait3A_177] : memref<10000x128xf32, #tpu.memory_space<vmem_shared>> -> memref<10000x128xf32, #tpu.memory_space<vmem_shared>>
      %dma_wait3A_179 = tpu.memref_slice %arg10[%rem3A_167] : memref<2x!tpu.dma_semaphore, #tpu.memory_space<semaphore_mem>> -> memref<1x!tpu.dma_semaphore, #tpu.memory_space<semaphore_mem>>
      %dma_wait3A_180 = tpu.memref_squeeze %dma_wait3A_179 : memref<1x!tpu.dma_semaphore, #tpu.memory_space<semaphore_mem>> -> memref<!tpu.dma_semaphore, #tpu.memory_space<semaphore_mem>>
      tpu.wait_indirect_dma semaphore(%dma_wait3A_180 : memref<!tpu.dma_semaphore, #tpu.memory_space<semaphore_mem>>) src(%dma_wait3A_172 : memref<128x128xf32, #tpu.memory_space<vmem>>) dst(%dma_wait3A_178 : memref<10000x128xf32, #tpu.memory_space<vmem_shared>>)
    } else {
    }
    %sub3A_140 = arith.constant 2 : i32
    %sub3A_141 = arith.subi %select_n3A, %sub3A_140 : i32
    %add3A_142 = arith.constant 1 : i32
    %add3A_143 = arith.addi %sub3A_141, %add3A_142 : i32
    %ge3A_144 = arith.constant 0 : i32
    %ge3A_145 = arith.cmpi sge, %add3A_143, %ge3A_144 : i32
    %convert_element_type3A_146 = arith.extui %ge3A_145 : i1 to i32
    %cond3A_147 = arith.constant 0 : i32
    %cond3A_148 = arith.cmpi ne, %convert_element_type3A_146, %cond3A_147 : i32
    scf.if %cond3A_148 {
      %rem3A_162 = arith.constant 2 : i32
      %rem3A_163 = arith.remsi %add3A_143, %rem3A_162 : i32
      %rem3A_164 = arith.constant 3 : i32
      %rem3A_165 = arith.remsi %add3A_143, %rem3A_164 : i32
      %rem3A_166 = arith.constant 2 : i32
      %rem3A_167 = arith.remsi %add3A_143, %rem3A_166 : i32
      %dma_wait3A_168 = arith.constant 1 : i32
      %dma_wait3A_169 = arith.constant 0 : i32
      %dma_wait3A_170 = arith.constant 0 : i32
      %dma_wait3A_171 = tpu.memref_slice %arg6[%rem3A_163, %dma_wait3A_169, %dma_wait3A_170] : memref<2x128x128xf32, #tpu.memory_space<vmem>> -> memref<1x128x128xf32, #tpu.memory_space<vmem>>
      %dma_wait3A_172 = tpu.memref_squeeze %dma_wait3A_171 : memref<1x128x128xf32, #tpu.memory_space<vmem>> -> memref<128x128xf32, #tpu.memory_space<vmem>>
      %dma_wait3A_173 = arith.constant 0 : i32
      %dma_wait3A_174 = tpu.memref_slice %arg5[%rem3A_165, %dma_wait3A_168, %dma_wait3A_173] : memref<3x2x128xi32, #tpu.memory_space<vmem>> -> memref<1x1x128xi32, #tpu.memory_space<vmem>>
      %dma_wait3A_175 = tpu.memref_squeeze %dma_wait3A_174 : memref<1x1x128xi32, #tpu.memory_space<vmem>> -> memref<128xi32, #tpu.memory_space<vmem>>
      %dma_wait3A_176 = arith.constant 0 : i32
      %dma_wait3A_177 = arith.constant 0 : i32
      %dma_wait3A_178 = tpu.memref_slice %arg7[%dma_wait3A_176, %dma_wait3A_177] : memref<10000x128xf32, #tpu.memory_space<vmem_shared>> -> memref<10000x128xf32, #tpu.memory_space<vmem_shared>>
      %dma_wait3A_179 = tpu.memref_slice %arg10[%rem3A_167] : memref<2x!tpu.dma_semaphore, #tpu.memory_space<semaphore_mem>> -> memref<1x!tpu.dma_semaphore, #tpu.memory_space<semaphore_mem>>
      %dma_wait3A_180 = tpu.memref_squeeze %dma_wait3A_179 : memref<1x!tpu.dma_semaphore, #tpu.memory_space<semaphore_mem>> -> memref<!tpu.dma_semaphore, #tpu.memory_space<semaphore_mem>>
      tpu.wait_indirect_dma semaphore(%dma_wait3A_180 : memref<!tpu.dma_semaphore, #tpu.memory_space<semaphore_mem>>) src(%dma_wait3A_172 : memref<128x128xf32, #tpu.memory_space<vmem>>) dst(%dma_wait3A_178 : memref<10000x128xf32, #tpu.memory_space<vmem_shared>>)
    } else {
    }
    %barrier3A_149 = arith.constant 0 : index
    tpu.barrier barrier_id(%barrier3A_149)
    %mul3A_150 = arith.constant 624 : i32
    %mul3A_151 = arith.muli %arg1, %mul3A_150 : i32
    %mul3A_152 = arith.constant 10000 : i32
    %mul3A_153 = arith.muli %arg0, %mul3A_152 : i32
    %mul3A_154 = arith.constant 624 : i32
    %mul3A_155 = arith.muli %arg1, %mul3A_154 : i32
    %add3A_156 = arith.addi %mul3A_153, %mul3A_155 : i32
    "tpu.region"() ({
      %run_scoped3A = tpu.sem_alloc : memref<!tpu.dma_semaphore, #tpu.memory_space<semaphore_mem>>
      %dma_start3A_162 = arith.constant 0 : i32
      %dma_start3A_163 = tpu.memref_slice %arg4[%add3A_156, %dma_start3A_162] : memref<20000x128xf32, #tpu.memory_space<hbm>> -> memref<624x128xf32, #tpu.memory_space<hbm>>
      %dma_start3A_164 = arith.constant 0 : i32
      %dma_start3A_165 = tpu.memref_slice %arg7[%mul3A_151, %dma_start3A_164] : memref<10000x128xf32, #tpu.memory_space<vmem_shared>> -> memref<624x128xf32, #tpu.memory_space<vmem_shared>>
      tpu.enqueue_dma source(%dma_start3A_165 : memref<624x128xf32, #tpu.memory_space<vmem_shared>>) target(%dma_start3A_163 : memref<624x128xf32, #tpu.memory_space<hbm>>) target_semaphore(%run_scoped3A : memref<!tpu.dma_semaphore, #tpu.memory_space<semaphore_mem>>)
      %dma_wait3A_166 = arith.constant 0 : i32
      %dma_wait3A_167 = tpu.memref_slice %arg4[%add3A_156, %dma_wait3A_166] : memref<20000x128xf32, #tpu.memory_space<hbm>> -> memref<624x128xf32, #tpu.memory_space<hbm>>
      %dma_wait3A_168 = arith.constant 0 : i32
      %dma_wait3A_169 = tpu.memref_slice %arg7[%mul3A_151, %dma_wait3A_168] : memref<10000x128xf32, #tpu.memory_space<vmem_shared>> -> memref<624x128xf32, #tpu.memory_space<vmem_shared>>
      tpu.wait_dma2 semaphore(%run_scoped3A : memref<!tpu.dma_semaphore, #tpu.memory_space<semaphore_mem>>) src(%dma_wait3A_169 : memref<624x128xf32, #tpu.memory_space<vmem_shared>>) dst(%dma_wait3A_167 : memref<624x128xf32, #tpu.memory_space<hbm>>)
      tpu.yield
    }) : () -> ()
    %eq3A_157 = arith.constant 0 : i32
    %eq3A_158 = arith.cmpi eq, %arg1, %eq3A_157 : i32
    %convert_element_type3A_159 = arith.extui %eq3A_158 : i1 to i32
    %cond3A_160 = arith.constant 0 : i32
    %cond3A_161 = arith.cmpi ne, %convert_element_type3A_159, %cond3A_160 : i32
    scf.if %cond3A_161 {
      %mul3A_162 = arith.constant 10000 : i32
      %mul3A_163 = arith.muli %arg0, %mul3A_162 : i32
      %add3A_164 = arith.constant 9984 : i32
      %add3A_165 = arith.addi %mul3A_163, %add3A_164 : i32
      "tpu.region"() ({
        %run_scoped3A = tpu.sem_alloc : memref<!tpu.dma_semaphore, #tpu.memory_space<semaphore_mem>>
        %dma_start3A_166 = arith.constant 0 : i32
        %dma_start3A_167 = tpu.memref_slice %arg4[%add3A_165, %dma_start3A_166] : memref<20000x128xf32, #tpu.memory_space<hbm>> -> memref<16x128xf32, #tpu.memory_space<hbm>>
        %dma_start3A_168 = arith.constant 9984 : i32
        %dma_start3A_169 = arith.constant 0 : i32
        %dma_start3A_170 = tpu.memref_slice %arg7[%dma_start3A_168, %dma_start3A_169] : memref<10000x128xf32, #tpu.memory_space<vmem_shared>> -> memref<16x128xf32, #tpu.memory_space<vmem_shared>>
        tpu.enqueue_dma source(%dma_start3A_170 : memref<16x128xf32, #tpu.memory_space<vmem_shared>>) target(%dma_start3A_167 : memref<16x128xf32, #tpu.memory_space<hbm>>) target_semaphore(%run_scoped3A : memref<!tpu.dma_semaphore, #tpu.memory_space<semaphore_mem>>)
        %dma_wait3A_171 = arith.constant 0 : i32
        %dma_wait3A_172 = tpu.memref_slice %arg4[%add3A_165, %dma_wait3A_171] : memref<20000x128xf32, #tpu.memory_space<hbm>> -> memref<16x128xf32, #tpu.memory_space<hbm>>
        %dma_wait3A_173 = arith.constant 9984 : i32
        %dma_wait3A_174 = arith.constant 0 : i32
        %dma_wait3A_175 = tpu.memref_slice %arg7[%dma_wait3A_173, %dma_wait3A_174] : memref<10000x128xf32, #tpu.memory_space<vmem_shared>> -> memref<16x128xf32, #tpu.memory_space<vmem_shared>>
        tpu.wait_dma2 semaphore(%run_scoped3A : memref<!tpu.dma_semaphore, #tpu.memory_space<semaphore_mem>>) src(%dma_wait3A_175 : memref<16x128xf32, #tpu.memory_space<vmem_shared>>) dst(%dma_wait3A_172 : memref<16x128xf32, #tpu.memory_space<hbm>>)
        tpu.yield
      }) : () -> ()
    } else {
    }
    return
  }
}

module attributes {stable_mosaic.version = 14 : i64} {
  func.func @body(%arg0: i32, %arg1: i32, %arg2: memref<2000x128xf32, #tpu.memory_space<vmem>>, %arg3: memref<2000x128xf32, #tpu.memory_space<vmem>>) attributes {dimension_semantics = [#tpu.dimension_semantics<arbitrary>, #tpu.dimension_semantics<arbitrary>], iteration_bounds = array<i64: 2, 5>, scalar_prefetch = 0 : i64, scratch_operands = 0 : i64, tpu.core_type = #tpu.core_type<tc>, window_params = [{transform_indices = @transform_0, window_bounds = array<i64: 2000, 128>}, {transform_indices = @transform_1, window_bounds = array<i64: 2000, 128>}]} {
    %get3A = arith.constant 0 : index
    %get3A_0 = arith.constant 0 : index
    %get3A_1 = vector.load %arg2[%get3A, %get3A_0] : memref<2000x128xf32, #tpu.memory_space<vmem>>, vector<2000x128xf32>
    %mul3A = arith.constant 1.000000e+02 : f32
    %mul3A_2 = vector.broadcast %mul3A : f32 to vector<2000x128xf32>
    %mul3A_3 = arith.mulf %get3A_1, %mul3A_2 : vector<2000x128xf32>
    %round3A = math.roundeven %mul3A_3 : vector<2000x128xf32>
    %div3A = arith.constant 1.000000e+02 : f32
    %div3A_4 = vector.broadcast %div3A : f32 to vector<2000x128xf32>
    %div3A_5 = arith.divf %round3A, %div3A_4 : vector<2000x128xf32>
    %swap3A = arith.constant 0 : index
    %swap3A_6 = arith.constant 0 : index
    %swap3A_7 = vector.load %arg3[%swap3A, %swap3A_6] : memref<2000x128xf32, #tpu.memory_space<vmem>>, vector<2000x128xf32>
    tpu.vector_store %arg3[%swap3A, %swap3A_6], %div3A_5 {strides = array<i32>} : memref<2000x128xf32, #tpu.memory_space<vmem>>, vector<2000x128xf32>,
    return
  }
  func.func @transform_0(%arg0: i32, %arg1: i32) -> (i32, i32) {
    %c0_i32 = arith.constant 0 : i32
    return %arg1, %arg0 : i32, i32
  }
  func.func @transform_1(%arg0: i32, %arg1: i32) -> (i32, i32) {
    %mul3A = arith.constant 5 : i32
    %mul3A_0 = arith.muli %arg0, %mul3A : i32
    %add3A = arith.addi %mul3A_0, %arg1 : i32
    %c0_i32 = arith.constant 0 : i32
    %c0_i32_1 = arith.constant 0 : i32
    return %add3A, %c0_i32 : i32, i32
  }
}

module attributes {stable_mosaic.version = 14 : i64} {
  func.func @body(%arg0: i32, %arg1: memref<2000x128xf32, #tpu.memory_space<vmem>>, %arg2: memref<2000x128xf32, #tpu.memory_space<vmem>>, %arg3: memref<256x256xf32, #tpu.memory_space<vmem>>, %arg4: memref<256xf32, #tpu.memory_space<vmem>>, %arg5: memref<256x256xf32, #tpu.memory_space<vmem>>, %arg6: memref<256xf32, #tpu.memory_space<vmem>>, %arg7: memref<2000x256xbf16, #tpu.memory_space<vmem>>, %arg8: memref<1x256xf32, #tpu.memory_space<vmem>>, %arg9: memref<1x256xf32, #tpu.memory_space<vmem>>) attributes {dimension_semantics = [#tpu.dimension_semantics<arbitrary>], iteration_bounds = array<i64: 5>, scalar_prefetch = 0 : i64, scratch_operands = 0 : i64, tpu.core_type = #tpu.core_type<tc>, window_params = [{transform_indices = @transform_0, window_bounds = array<i64: 2000, 128>}, {transform_indices = @transform_1, window_bounds = array<i64: 2000, 128>}, {pipeline_mode = #tpu.pipeline_mode<synchronous>, transform_indices = @transform_2, window_bounds = array<i64: 256, 256>}, {pipeline_mode = #tpu.pipeline_mode<synchronous>, transform_indices = @transform_3, window_bounds = array<i64: 256>}, {pipeline_mode = #tpu.pipeline_mode<synchronous>, transform_indices = @transform_4, window_bounds = array<i64: 256, 256>}, {pipeline_mode = #tpu.pipeline_mode<synchronous>, transform_indices = @transform_5, window_bounds = array<i64: 256>}, {transform_indices = @transform_6, window_bounds = array<i64: 2000, 256>}, {pipeline_mode = #tpu.pipeline_mode<synchronous>, transform_indices = @transform_7, window_bounds = array<i64: 1, 256>}, {pipeline_mode = #tpu.pipeline_mode<synchronous>, transform_indices = @transform_8, window_bounds = array<i64: 1, 256>}]} {
    %get3A = arith.constant 0 : index
    %get3A_0 = arith.constant 0 : index
    %get3A_1 = vector.load %arg1[%get3A, %get3A_0] : memref<2000x128xf32, #tpu.memory_space<vmem>>, vector<2000x128xf32>
    %get3A_2 = arith.constant 0 : index
    %get3A_3 = arith.constant 0 : index
    %get3A_4 = vector.load %arg3[%get3A_2, %get3A_3] : memref<256x256xf32, #tpu.memory_space<vmem>>, vector<128x256xf32>
    %dot_general3A = arith.constant dense<0.000000e+00> : vector<2000x256xf32>
    %dot_general3A_5 = tpu.matmul %get3A_1, %get3A_4, %dot_general3A {dimension_numbers = #tpu.dot_dimension_numbers<[1], [0], [0], [1], [0, 0, 1, 1], [], []>, transpose_lhs_hint = false} : vector<2000x128xf32>, vector<128x256xf32>, vector<2000x256xf32> -> vector<2000x256xf32>
    %get3A_6 = arith.constant 0 : index
    %get3A_7 = arith.constant 0 : index
    %get3A_8 = vector.load %arg2[%get3A_6, %get3A_7] : memref<2000x128xf32, #tpu.memory_space<vmem>>, vector<2000x128xf32>
    %get3A_9 = arith.constant 128 : index
    %get3A_10 = arith.constant 0 : index
    %get3A_11 = vector.load %arg3[%get3A_9, %get3A_10] : memref<256x256xf32, #tpu.memory_space<vmem>>, vector<128x256xf32>
    %dot_general3A_12 = arith.constant dense<0.000000e+00> : vector<2000x256xf32>
    %dot_general3A_13 = tpu.matmul %get3A_8, %get3A_11, %dot_general3A_12 {dimension_numbers = #tpu.dot_dimension_numbers<[1], [0], [0], [1], [0, 0, 1, 1], [], []>, transpose_lhs_hint = false} : vector<2000x128xf32>, vector<128x256xf32>, vector<2000x256xf32> -> vector<2000x256xf32>
    %add3A = arith.addf %dot_general3A_5, %dot_general3A_13 : vector<2000x256xf32>
    %get3A_14 = arith.constant 0 : index
    %get3A_15 = vector.load %arg4[%get3A_14] : memref<256xf32, #tpu.memory_space<vmem>>, vector<256xf32>
    %broadcast_in_dim3A = vector.shape_cast %get3A_15 : vector<256xf32> to vector<1x256xf32>
    %add3A_16 = vector.broadcast %broadcast_in_dim3A : vector<1x256xf32> to vector<2000x256xf32>
    %add3A_17 = arith.addf %add3A, %add3A_16 : vector<2000x256xf32>
    %max3A = arith.constant 0.000000e+00 : f32
    %max3A_18 = vector.broadcast %max3A : f32 to vector<2000x256xf32>
    %max3A_19 = arith.maximumf %add3A_17, %max3A_18 : vector<2000x256xf32>
    %get3A_20 = arith.constant 0 : index
    %get3A_21 = arith.constant 0 : index
    %get3A_22 = vector.load %arg5[%get3A_20, %get3A_21] : memref<256x256xf32, #tpu.memory_space<vmem>>, vector<256x256xf32>
    %dot_general3A_23 = arith.constant dense<0.000000e+00> : vector<2000x256xf32>
    %dot_general3A_24 = tpu.matmul %max3A_19, %get3A_22, %dot_general3A_23 {dimension_numbers = #tpu.dot_dimension_numbers<[1], [0], [0], [1], [0, 0, 1, 1], [], []>, transpose_lhs_hint = false} : vector<2000x256xf32>, vector<256x256xf32>, vector<2000x256xf32> -> vector<2000x256xf32>
    %get3A_25 = arith.constant 0 : index
    %get3A_26 = vector.load %arg6[%get3A_25] : memref<256xf32, #tpu.memory_space<vmem>>, vector<256xf32>
    %broadcast_in_dim3A_27 = vector.shape_cast %get3A_26 : vector<256xf32> to vector<1x256xf32>
    %add3A_28 = vector.broadcast %broadcast_in_dim3A_27 : vector<1x256xf32> to vector<2000x256xf32>
    %add3A_29 = arith.addf %dot_general3A_24, %add3A_28 : vector<2000x256xf32>
    %convert_element_type3A = arith.truncf %add3A_29 : vector<2000x256xf32> to vector<2000x256xbf16>
    %swap3A = arith.constant 0 : index
    %swap3A_30 = arith.constant 0 : index
    %swap3A_31 = vector.load %arg7[%swap3A, %swap3A_30] : memref<2000x256xbf16, #tpu.memory_space<vmem>>, vector<2000x256xbf16>
    tpu.vector_store %arg7[%swap3A, %swap3A_30], %convert_element_type3A {strides = array<i32>} : memref<2000x256xbf16, #tpu.memory_space<vmem>>, vector<2000x256xbf16>,
    %reduce_sum3A = arith.constant dense<0.000000e+00> : vector<256xf32>
    %reduce_sum3A_32 = vector.multi_reduction <add>, %add3A_29, %reduce_sum3A [0] : vector<2000x256xf32> to vector<256xf32>
    %broadcast_in_dim3A_33 = vector.shape_cast %reduce_sum3A_32 : vector<256xf32> to vector<1x256xf32>
    %mul3A = arith.mulf %add3A_29, %add3A_29 : vector<2000x256xf32>
    %reduce_sum3A_34 = arith.constant dense<0.000000e+00> : vector<256xf32>
    %reduce_sum3A_35 = vector.multi_reduction <add>, %mul3A, %reduce_sum3A_34 [0] : vector<2000x256xf32> to vector<256xf32>
    %broadcast_in_dim3A_36 = vector.shape_cast %reduce_sum3A_35 : vector<256xf32> to vector<1x256xf32>
    %eq3A = arith.constant 0 : i32
    %eq3A_37 = arith.cmpi eq, %arg0, %eq3A : i32
    %convert_element_type3A_38 = arith.extui %eq3A_37 : i1 to i32
    %cond3A = arith.constant 0 : i32
    %cond3A_39 = arith.cmpi ne, %convert_element_type3A_38, %cond3A : i32
    scf.if %cond3A_39 {
      %swap3A_44 = arith.constant 0 : index
      %swap3A_45 = arith.constant 0 : index
      %swap3A_46 = vector.load %arg8[%swap3A_44, %swap3A_45] : memref<1x256xf32, #tpu.memory_space<vmem>>, vector<1x256xf32>
      tpu.vector_store %arg8[%swap3A_44, %swap3A_45], %broadcast_in_dim3A_33 {strides = array<i32>} : memref<1x256xf32, #tpu.memory_space<vmem>>, vector<1x256xf32>,
      %swap3A_47 = arith.constant 0 : index
      %swap3A_48 = arith.constant 0 : index
      %swap3A_49 = vector.load %arg9[%swap3A_47, %swap3A_48] : memref<1x256xf32, #tpu.memory_space<vmem>>, vector<1x256xf32>
      tpu.vector_store %arg9[%swap3A_47, %swap3A_48], %broadcast_in_dim3A_36 {strides = array<i32>} : memref<1x256xf32, #tpu.memory_space<vmem>>, vector<1x256xf32>,
    } else {
    }
    %gt3A = arith.constant 0 : i32
    %gt3A_40 = arith.cmpi sgt, %arg0, %gt3A : i32
    %convert_element_type3A_41 = arith.extui %gt3A_40 : i1 to i32
    %cond3A_42 = arith.constant 0 : i32
    %cond3A_43 = arith.cmpi ne, %convert_element_type3A_41, %cond3A_42 : i32
    scf.if %cond3A_43 {
      %get3A_44 = arith.constant 0 : index
      %get3A_45 = arith.constant 0 : index
      %get3A_46 = vector.load %arg8[%get3A_44, %get3A_45] : memref<1x256xf32, #tpu.memory_space<vmem>>, vector<1x256xf32>
      %add3A_47 = arith.addf %get3A_46, %broadcast_in_dim3A_33 : vector<1x256xf32>
      %swap3A_48 = arith.constant 0 : index
      %swap3A_49 = arith.constant 0 : index
      %swap3A_50 = vector.load %arg8[%swap3A_48, %swap3A_49] : memref<1x256xf32, #tpu.memory_space<vmem>>, vector<1x256xf32>
      tpu.vector_store %arg8[%swap3A_48, %swap3A_49], %add3A_47 {strides = array<i32>} : memref<1x256xf32, #tpu.memory_space<vmem>>, vector<1x256xf32>,
      %get3A_51 = arith.constant 0 : index
      %get3A_52 = arith.constant 0 : index
      %get3A_53 = vector.load %arg9[%get3A_51, %get3A_52] : memref<1x256xf32, #tpu.memory_space<vmem>>, vector<1x256xf32>
      %add3A_54 = arith.addf %get3A_53, %broadcast_in_dim3A_36 : vector<1x256xf32>
      %swap3A_55 = arith.constant 0 : index
      %swap3A_56 = arith.constant 0 : index
      %swap3A_57 = vector.load %arg9[%swap3A_55, %swap3A_56] : memref<1x256xf32, #tpu.memory_space<vmem>>, vector<1x256xf32>
      tpu.vector_store %arg9[%swap3A_55, %swap3A_56], %add3A_54 {strides = array<i32>} : memref<1x256xf32, #tpu.memory_space<vmem>>, vector<1x256xf32>,
    } else {
    }
    return
  }
  func.func @transform_0(%arg0: i32) -> (i32, i32) {
    %c0_i32 = arith.constant 0 : i32
    %c0_i32_0 = arith.constant 0 : i32
    return %arg0, %c0_i32 : i32, i32
  }
  func.func @transform_1(%arg0: i32) -> (i32, i32) {
    %add3A = arith.constant 5 : i32
    %add3A_0 = arith.addi %add3A, %arg0 : i32
    %c0_i32 = arith.constant 0 : i32
    %c0_i32_1 = arith.constant 0 : i32
    return %add3A_0, %c0_i32 : i32, i32
  }
  func.func @transform_2(%arg0: i32) -> (i32, i32) {
    %c0_i32 = arith.constant 0 : i32
    %c0_i32_0 = arith.constant 0 : i32
    %c0_i32_1 = arith.constant 0 : i32
    return %c0_i32, %c0_i32_0 : i32, i32
  }
  func.func @transform_3(%arg0: i32) -> i32 {
    %c0_i32 = arith.constant 0 : i32
    %c0_i32_0 = arith.constant 0 : i32
    return %c0_i32 : i32
  }
  func.func @transform_4(%arg0: i32) -> (i32, i32) {
    %c0_i32 = arith.constant 0 : i32
    %c0_i32_0 = arith.constant 0 : i32
    %c0_i32_1 = arith.constant 0 : i32
    return %c0_i32, %c0_i32_0 : i32, i32
  }
  func.func @transform_5(%arg0: i32) -> i32 {
    %c0_i32 = arith.constant 0 : i32
    %c0_i32_0 = arith.constant 0 : i32
    return %c0_i32 : i32
  }
  func.func @transform_6(%arg0: i32) -> (i32, i32) {
    %c0_i32 = arith.constant 0 : i32
    %c0_i32_0 = arith.constant 0 : i32
    return %arg0, %c0_i32 : i32, i32
  }
  func.func @transform_7(%arg0: i32) -> (i32, i32) {
    %c0_i32 = arith.constant 0 : i32
    %c0_i32_0 = arith.constant 0 : i32
    %c0_i32_1 = arith.constant 0 : i32
    return %c0_i32, %c0_i32_0 : i32, i32
  }
  func.func @transform_8(%arg0: i32) -> (i32, i32) {
    %c0_i32 = arith.constant 0 : i32
    %c0_i32_0 = arith.constant 0 : i32
    %c0_i32_1 = arith.constant 0 : i32
    return %c0_i32, %c0_i32_0 : i32, i32
  }
}

module attributes {stable_mosaic.version = 14 : i64} {
  func.func @body(%arg0: i32, %arg1: i32, %arg2: memref<2000x128xbf16, #tpu.memory_space<vmem>>, %arg3: memref<1x128xf32, #tpu.memory_space<vmem>>, %arg4: memref<1x128xf32, #tpu.memory_space<vmem>>, %arg5: memref<128xf32, #tpu.memory_space<vmem>>, %arg6: memref<128xf32, #tpu.memory_space<vmem>>, %arg7: memref<2000x128xf32, #tpu.memory_space<vmem>>) attributes {dimension_semantics = [#tpu.dimension_semantics<arbitrary>, #tpu.dimension_semantics<arbitrary>], iteration_bounds = array<i64: 2, 5>, scalar_prefetch = 0 : i64, scratch_operands = 0 : i64, tpu.core_type = #tpu.core_type<tc>, window_params = [{transform_indices = @transform_0, window_bounds = array<i64: 2000, 128>}, {transform_indices = @transform_1, window_bounds = array<i64: 1, 128>}, {transform_indices = @transform_2, window_bounds = array<i64: 1, 128>}, {transform_indices = @transform_3, window_bounds = array<i64: 128>}, {transform_indices = @transform_4, window_bounds = array<i64: 128>}, {transform_indices = @transform_5, window_bounds = array<i64: 2000, 128>}]} {
    %get3A = arith.constant 0 : index
    %get3A_0 = arith.constant 0 : index
    %get3A_1 = vector.load %arg3[%get3A, %get3A_0] : memref<1x128xf32, #tpu.memory_space<vmem>>, vector<1x128xf32>
    %div3A = arith.constant 1.000000e+04 : f32
    %div3A_2 = vector.broadcast %div3A : f32 to vector<1x128xf32>
    %div3A_3 = arith.divf %get3A_1, %div3A_2 : vector<1x128xf32>
    %get3A_4 = arith.constant 0 : index
    %get3A_5 = arith.constant 0 : index
    %get3A_6 = vector.load %arg4[%get3A_4, %get3A_5] : memref<1x128xf32, #tpu.memory_space<vmem>>, vector<1x128xf32>
    %div3A_7 = arith.constant 1.000000e+04 : f32
    %div3A_8 = vector.broadcast %div3A_7 : f32 to vector<1x128xf32>
    %div3A_9 = arith.divf %get3A_6, %div3A_8 : vector<1x128xf32>
    %mul3A = arith.mulf %div3A_3, %div3A_3 : vector<1x128xf32>
    %sub3A = arith.subf %div3A_9, %mul3A : vector<1x128xf32>
    %add3A = arith.constant 9.99999974E-6 : f32
    %add3A_10 = vector.broadcast %add3A : f32 to vector<1x128xf32>
    %add3A_11 = arith.addf %sub3A, %add3A_10 : vector<1x128xf32>
    %rsqrt3A = math.rsqrt %add3A_11 : vector<1x128xf32>
    %get3A_12 = arith.constant 0 : index
    %get3A_13 = arith.constant 0 : index
    %get3A_14 = vector.load %arg2[%get3A_12, %get3A_13] : memref<2000x128xbf16, #tpu.memory_space<vmem>>, vector<2000x128xbf16>
    %convert_element_type3A = arith.extf %get3A_14 : vector<2000x128xbf16> to vector<2000x128xf32>
    %sub3A_15 = vector.broadcast %div3A_3 : vector<1x128xf32> to vector<2000x128xf32>
    %sub3A_16 = arith.subf %convert_element_type3A, %sub3A_15 : vector<2000x128xf32>
    %mul3A_17 = vector.broadcast %rsqrt3A : vector<1x128xf32> to vector<2000x128xf32>
    %mul3A_18 = arith.mulf %sub3A_16, %mul3A_17 : vector<2000x128xf32>
    %get3A_19 = arith.constant 0 : index
    %get3A_20 = vector.load %arg5[%get3A_19] : memref<128xf32, #tpu.memory_space<vmem>>, vector<128xf32>
    %broadcast_in_dim3A = vector.shape_cast %get3A_20 : vector<128xf32> to vector<1x128xf32>
    %mul3A_21 = vector.broadcast %broadcast_in_dim3A : vector<1x128xf32> to vector<2000x128xf32>
    %mul3A_22 = arith.mulf %mul3A_18, %mul3A_21 : vector<2000x128xf32>
    %get3A_23 = arith.constant 0 : index
    %get3A_24 = vector.load %arg6[%get3A_23] : memref<128xf32, #tpu.memory_space<vmem>>, vector<128xf32>
    %broadcast_in_dim3A_25 = vector.shape_cast %get3A_24 : vector<128xf32> to vector<1x128xf32>
    %add3A_26 = vector.broadcast %broadcast_in_dim3A_25 : vector<1x128xf32> to vector<2000x128xf32>
    %add3A_27 = arith.addf %mul3A_22, %add3A_26 : vector<2000x128xf32>
    %max3A = arith.constant 0.000000e+00 : f32
    %max3A_28 = vector.broadcast %max3A : f32 to vector<2000x128xf32>
    %max3A_29 = arith.maximumf %add3A_27, %max3A_28 : vector<2000x128xf32>
    %swap3A = arith.constant 0 : index
    %swap3A_30 = arith.constant 0 : index
    %swap3A_31 = vector.load %arg7[%swap3A, %swap3A_30] : memref<2000x128xf32, #tpu.memory_space<vmem>>, vector<2000x128xf32>
    tpu.vector_store %arg7[%swap3A, %swap3A_30], %max3A_29 {strides = array<i32>} : memref<2000x128xf32, #tpu.memory_space<vmem>>, vector<2000x128xf32>,
    return
  }
  func.func @transform_0(%arg0: i32, %arg1: i32) -> (i32, i32) {
    %c0_i32 = arith.constant 0 : i32
    return %arg1, %arg0 : i32, i32
  }
  func.func @transform_1(%arg0: i32, %arg1: i32) -> (i32, i32) {
    %c0_i32 = arith.constant 0 : i32
    %c0_i32_0 = arith.constant 0 : i32
    return %c0_i32, %arg0 : i32, i32
  }
  func.func @transform_2(%arg0: i32, %arg1: i32) -> (i32, i32) {
    %c0_i32 = arith.constant 0 : i32
    %c0_i32_0 = arith.constant 0 : i32
    return %c0_i32, %arg0 : i32, i32
  }
  func.func @transform_3(%arg0: i32, %arg1: i32) -> i32 {
    %c0_i32 = arith.constant 0 : i32
    return %arg0 : i32
  }
  func.func @transform_4(%arg0: i32, %arg1: i32) -> i32 {
    %c0_i32 = arith.constant 0 : i32
    return %arg0 : i32
  }
  func.func @transform_5(%arg0: i32, %arg1: i32) -> (i32, i32) {
    %mul3A = arith.constant 5 : i32
    %mul3A_0 = arith.muli %arg0, %mul3A : i32
    %add3A = arith.addi %mul3A_0, %arg1 : i32
    %c0_i32 = arith.constant 0 : i32
    %c0_i32_1 = arith.constant 0 : i32
    return %add3A, %c0_i32 : i32, i32
  }
}

module attributes {stable_mosaic.version = 14 : i64} {
  func.func @body(%arg0: i32, %arg1: memref<2000x256xbf16, #tpu.memory_space<vmem>>, %arg2: memref<1x256xf32, #tpu.memory_space<vmem>>, %arg3: memref<1x256xf32, #tpu.memory_space<vmem>>, %arg4: memref<256xf32, #tpu.memory_space<vmem>>, %arg5: memref<256xf32, #tpu.memory_space<vmem>>, %arg6: memref<1x256xf32, #tpu.memory_space<vmem>>) attributes {dimension_semantics = [#tpu.dimension_semantics<arbitrary>], iteration_bounds = array<i64: 5>, scalar_prefetch = 0 : i64, scratch_operands = 0 : i64, tpu.core_type = #tpu.core_type<tc>, window_params = [{transform_indices = @transform_0, window_bounds = array<i64: 2000, 256>}, {pipeline_mode = #tpu.pipeline_mode<synchronous>, transform_indices = @transform_1, window_bounds = array<i64: 1, 256>}, {pipeline_mode = #tpu.pipeline_mode<synchronous>, transform_indices = @transform_2, window_bounds = array<i64: 1, 256>}, {pipeline_mode = #tpu.pipeline_mode<synchronous>, transform_indices = @transform_3, window_bounds = array<i64: 256>}, {pipeline_mode = #tpu.pipeline_mode<synchronous>, transform_indices = @transform_4, window_bounds = array<i64: 256>}, {pipeline_mode = #tpu.pipeline_mode<synchronous>, transform_indices = @transform_5, window_bounds = array<i64: 1, 256>}]} {
    %get3A = arith.constant 0 : index
    %get3A_0 = arith.constant 0 : index
    %get3A_1 = vector.load %arg2[%get3A, %get3A_0] : memref<1x256xf32, #tpu.memory_space<vmem>>, vector<1x256xf32>
    %div3A = arith.constant 1.000000e+04 : f32
    %div3A_2 = vector.broadcast %div3A : f32 to vector<1x256xf32>
    %div3A_3 = arith.divf %get3A_1, %div3A_2 : vector<1x256xf32>
    %get3A_4 = arith.constant 0 : index
    %get3A_5 = arith.constant 0 : index
    %get3A_6 = vector.load %arg3[%get3A_4, %get3A_5] : memref<1x256xf32, #tpu.memory_space<vmem>>, vector<1x256xf32>
    %div3A_7 = arith.constant 1.000000e+04 : f32
    %div3A_8 = vector.broadcast %div3A_7 : f32 to vector<1x256xf32>
    %div3A_9 = arith.divf %get3A_6, %div3A_8 : vector<1x256xf32>
    %mul3A = arith.mulf %div3A_3, %div3A_3 : vector<1x256xf32>
    %sub3A = arith.subf %div3A_9, %mul3A : vector<1x256xf32>
    %add3A = arith.constant 9.99999974E-6 : f32
    %add3A_10 = vector.broadcast %add3A : f32 to vector<1x256xf32>
    %add3A_11 = arith.addf %sub3A, %add3A_10 : vector<1x256xf32>
    %rsqrt3A = math.rsqrt %add3A_11 : vector<1x256xf32>
    %get3A_12 = arith.constant 0 : index
    %get3A_13 = arith.constant 0 : index
    %get3A_14 = vector.load %arg1[%get3A_12, %get3A_13] : memref<2000x256xbf16, #tpu.memory_space<vmem>>, vector<2000x256xbf16>
    %convert_element_type3A = arith.extf %get3A_14 : vector<2000x256xbf16> to vector<2000x256xf32>
    %sub3A_15 = vector.broadcast %div3A_3 : vector<1x256xf32> to vector<2000x256xf32>
    %sub3A_16 = arith.subf %convert_element_type3A, %sub3A_15 : vector<2000x256xf32>
    %mul3A_17 = vector.broadcast %rsqrt3A : vector<1x256xf32> to vector<2000x256xf32>
    %mul3A_18 = arith.mulf %sub3A_16, %mul3A_17 : vector<2000x256xf32>
    %get3A_19 = arith.constant 0 : index
    %get3A_20 = vector.load %arg4[%get3A_19] : memref<256xf32, #tpu.memory_space<vmem>>, vector<256xf32>
    %broadcast_in_dim3A = vector.shape_cast %get3A_20 : vector<256xf32> to vector<1x256xf32>
    %mul3A_21 = vector.broadcast %broadcast_in_dim3A : vector<1x256xf32> to vector<2000x256xf32>
    %mul3A_22 = arith.mulf %mul3A_18, %mul3A_21 : vector<2000x256xf32>
    %get3A_23 = arith.constant 0 : index
    %get3A_24 = vector.load %arg5[%get3A_23] : memref<256xf32, #tpu.memory_space<vmem>>, vector<256xf32>
    %broadcast_in_dim3A_25 = vector.shape_cast %get3A_24 : vector<256xf32> to vector<1x256xf32>
    %add3A_26 = vector.broadcast %broadcast_in_dim3A_25 : vector<1x256xf32> to vector<2000x256xf32>
    %add3A_27 = arith.addf %mul3A_22, %add3A_26 : vector<2000x256xf32>
    %max3A = arith.constant 0.000000e+00 : f32
    %max3A_28 = vector.broadcast %max3A : f32 to vector<2000x256xf32>
    %max3A_29 = arith.maximumf %add3A_27, %max3A_28 : vector<2000x256xf32>
    %reduce_sum3A = arith.constant dense<0.000000e+00> : vector<256xf32>
    %reduce_sum3A_30 = vector.multi_reduction <add>, %max3A_29, %reduce_sum3A [0] : vector<2000x256xf32> to vector<256xf32>
    %broadcast_in_dim3A_31 = vector.shape_cast %reduce_sum3A_30 : vector<256xf32> to vector<1x256xf32>
    %eq3A = arith.constant 0 : i32
    %eq3A_32 = arith.cmpi eq, %arg0, %eq3A : i32
    %convert_element_type3A_33 = arith.extui %eq3A_32 : i1 to i32
    %cond3A = arith.constant 0 : i32
    %cond3A_34 = arith.cmpi ne, %convert_element_type3A_33, %cond3A : i32
    scf.if %cond3A_34 {
      %swap3A = arith.constant 0 : index
      %swap3A_39 = arith.constant 0 : index
      %swap3A_40 = vector.load %arg6[%swap3A, %swap3A_39] : memref<1x256xf32, #tpu.memory_space<vmem>>, vector<1x256xf32>
      tpu.vector_store %arg6[%swap3A, %swap3A_39], %broadcast_in_dim3A_31 {strides = array<i32>} : memref<1x256xf32, #tpu.memory_space<vmem>>, vector<1x256xf32>,
    } else {
    }
    %gt3A = arith.constant 0 : i32
    %gt3A_35 = arith.cmpi sgt, %arg0, %gt3A : i32
    %convert_element_type3A_36 = arith.extui %gt3A_35 : i1 to i32
    %cond3A_37 = arith.constant 0 : i32
    %cond3A_38 = arith.cmpi ne, %convert_element_type3A_36, %cond3A_37 : i32
    scf.if %cond3A_38 {
      %get3A_39 = arith.constant 0 : index
      %get3A_40 = arith.constant 0 : index
      %get3A_41 = vector.load %arg6[%get3A_39, %get3A_40] : memref<1x256xf32, #tpu.memory_space<vmem>>, vector<1x256xf32>
      %add3A_42 = arith.addf %get3A_41, %broadcast_in_dim3A_31 : vector<1x256xf32>
      %swap3A = arith.constant 0 : index
      %swap3A_43 = arith.constant 0 : index
      %swap3A_44 = vector.load %arg6[%swap3A, %swap3A_43] : memref<1x256xf32, #tpu.memory_space<vmem>>, vector<1x256xf32>
      tpu.vector_store %arg6[%swap3A, %swap3A_43], %add3A_42 {strides = array<i32>} : memref<1x256xf32, #tpu.memory_space<vmem>>, vector<1x256xf32>,
    } else {
    }
    return
  }
  func.func @transform_0(%arg0: i32) -> (i32, i32) {
    %c0_i32 = arith.constant 0 : i32
    %c0_i32_0 = arith.constant 0 : i32
    return %arg0, %c0_i32 : i32, i32
  }
  func.func @transform_1(%arg0: i32) -> (i32, i32) {
    %c0_i32 = arith.constant 0 : i32
    %c0_i32_0 = arith.constant 0 : i32
    %c0_i32_1 = arith.constant 0 : i32
    return %c0_i32, %c0_i32_0 : i32, i32
  }
  func.func @transform_2(%arg0: i32) -> (i32, i32) {
    %c0_i32 = arith.constant 0 : i32
    %c0_i32_0 = arith.constant 0 : i32
    %c0_i32_1 = arith.constant 0 : i32
    return %c0_i32, %c0_i32_0 : i32, i32
  }
  func.func @transform_3(%arg0: i32) -> i32 {
    %c0_i32 = arith.constant 0 : i32
    %c0_i32_0 = arith.constant 0 : i32
    return %c0_i32 : i32
  }
  func.func @transform_4(%arg0: i32) -> i32 {
    %c0_i32 = arith.constant 0 : i32
    %c0_i32_0 = arith.constant 0 : i32
    return %c0_i32 : i32
  }
  func.func @transform_5(%arg0: i32) -> (i32, i32) {
    %c0_i32 = arith.constant 0 : i32
    %c0_i32_0 = arith.constant 0 : i32
    %c0_i32_1 = arith.constant 0 : i32
    return %c0_i32, %c0_i32_0 : i32, i32
  }
}

</mosaic_0001>

<sc_bundles>
// kernel: kernel.12.cloned.1.call-start
scs
__scs_entry_jumppad:
0x0: {  	(pc) =	sbr.rel $0x88, $3  }
0x1: {  	(tag) =	ssettag $0x0;
	lr =	simm.s32 $0x1  }
0x2: {  	[smem:$0x3F8D] =	sst lr;
	_ =	strace $0xD0000000  }
0x3: {  	_ = 	snop  }
0x4: {  	_ = 	snop  }
0x5: {  	_ = 	snop  }
0x6: {  	_ = 	snop  }
0x7: {  	_ = 	snop  }
__scs_overlays_trampoline_lowered:
0x8: {  	[smem:$0x3F9C] =	sst s0  }
0x9: {  	[smem:$0x3F9D] =	sst s1  }
0xa: {  	[smem:$0x3F9E] =	sst s2  }
0xb: {  	[smem:$0x3F9F] =	sst s3  }
0xc: {  	[smem:$0x3FA0] =	sst s4  }
0xd: {  	[smem:$0x3FA1] =	sst s5  }
0xe: {  	[smem:$0x3FA2] =	sst s6  }
0xf: {  	[smem:$0x3FA3] =	sst s7  }
0x10: {  	[smem:$0x3FA4] =	sst s8  }
0x11: {  	[smem:$0x3FA5] =	sst s9;
	s0 =	simm.s32 @!p0 $0x0  }
0x12: {  	s1 =	sld [smem:$0x3F8B];
	s0 =	simm.s32 @p0 $0x1  }
0x13: {  	[smem:$0x3FA6] =	sst s0;
	s0 =	simm.s32 @!p1 $0x0  }
0x14: {  	s2 =	sld [smem:$0x3F8A];
	s0 =	simm.s32 @p1 $0x1  }
0x15: {  	[smem:$0x3FA7] =	sst s0;
	s0 =	simm.s32 @!p2 $0x0  }
0x16: {  	s3 =	sld [smem:$0x3FDB];
	s0 =	simm.s32 @p2 $0x1  }
0x17: {  	s4 =	simm.s32 $0x1BF5;
	[smem:$0x3FA9] =	sst s0  }
0x18: {  	s0 =	sld [smem:$0x3F8C];
	_ =	swait.ge [sflag:s4], $0x0  }
0x19: {  	s7 =	sld [smem:$0x3F8D]  }
0x1a: {  	s8 =	sadd.s32 $0xFFFFE003, lr  }
0x1b: {  	s9 =	sadd.s32 $0xFFFFFEF7, lr;
	s5 =	simm.s32 $0xFFFFFFFF;
	p2 =	slt.u32 s8, $0xFFFFF086  }
0x1c: {  	p1 =	slt.u32 s9, $0xF7A;
	s5 =	simm.s32 @!p2 $0x0  }
0x1d: {  	s5 =	simm.s32 @p1 $0x1;
	p0 =	seq.s32 s7, s2  }
0x1e: {  	s7 =	smul.u32 @!p0 $0xF7A, s2;
	p2 =	seq.s32 @!p0 s5, $0x0  }
0x1f: {  	s9 =	smul.u32 $0xF7A, s1;
	s8 =	simm.s32 @!p0 $0x1BF5;
	p2 =	por !p2, p0  }
0x20: {  	[sflag:s8] =	ssyncset.s32 @!p0 $0xFFFFF086;
	s6 =	sadd.s32 @!p0 s3, s7;
	s7 =	simm.s32 @!p0 $0x108  }
0x21: {  	s3 =	sadd.s32 s3, s9;
	s6 =	sadd.s32 @!p0 $0x88, s6;
	s7 =	simm.s32 @p2 $0x1082  }
0x22: {  	[simem:s7], [sflag:s8] =	dma.local @!p0 [hbm:s6], $0xF7A  }
0x23: {  	s9 =	sor.u32 $0xD0000000, s2;
	s6 =	simm.s32 $0x108;
	_ =	swait.ge @!p0 [sflag:s8], $0x0  }
0x24: {  	s3 =	sadd.s32 $0x88, s3;
	s6 =	simm.s32 @!p1 $0x1082;
	[sflag:s4] =	ssyncset.s32 $0xFFFFF086  }
0x25: {  	[simem:s6], [sflag:s4] =	dma.local [hbm:s3], $0xF7A  }
0x26: {  	[smem:$0x3F8D] =	sst s1;
	(tag) =	ssettag s2;
	_ =	strace s9  }
0x27: {  	s1 =	sld [smem:$0x3F9D]  }
0x28: {  	s2 =	sld [smem:$0x3F9E]  }
0x29: {  	s4 =	sld [smem:$0x3FA0]  }
0x2a: {  	p0 =	seq.s32 s5, $0x0;
	s5 =	sld [smem:$0x3FA1]  }
0x2b: {  	s6 =	sld [smem:$0x3FA2]  }
0x2c: {  	s7 =	sld [smem:$0x3FA3]  }
0x2d: {  	s3 =	simm.s32 $0x108;
	s8 =	sld [smem:$0x3FA4]  }
0x2e: {  	s3 =	simm.s32 @!p0 $0x1082;
	s9 =	sld [smem:$0x3FA5]  }
0x2f: {  	lr =	sadd.s32 s0, s3;
	s0 =	sld [smem:$0x3F9C]  }
0x30: {  	s3 =	sld [smem:$0x3F9F]  }
0x31: {  	[smem:$0x3FA8] =	sst s10  }
0x32: {  	s10 =	sld [smem:$0x3FA6];
	_ =	sdelay $0x3  }
0x33: {  	p0 =	seq.s32 s10, $0x1;
	s10 =	sld [smem:$0x3FA8];
	_ =	sdelay $0x3  }
0x34: {  	[smem:$0x3FA8] =	sst s10  }
0x35: {  	s10 =	sld [smem:$0x3FA7];
	_ =	sdelay $0x3  }
0x36: {  	p1 =	seq.s32 s10, $0x1;
	s10 =	sld [smem:$0x3FA8];
	_ =	sdelay $0x3  }
0x37: {  	[smem:$0x3FA8] =	sst s10  }
0x38: {  	s10 =	sld [smem:$0x3FA9]  }
0x39: {  	_ = 	snop;
	(pc) =	sbr.ind lr, $3  }
0x3a: {  	_ = 	snop  }
0x3b: {  	_ = 	snop  }
0x3c: {  	p2 =	seq.s32 s10, $0x1;
	s10 =	sld [smem:$0x3FA8]  }
0x3d: {  	_ =	shalt  }
0x3e: {  	_ =	shalt  }
0x3f: {  	_ =	shalt  }
0x40: {  	_ =	shalt  }
0x41: {  	_ =	shalt  }
0x42: {  	_ =	shalt  }
0x43: {  	_ =	shalt  }
0x44: {  	_ =	shalt  }
0x45: {  	_ =	shalt  }
0x46: {  	_ =	shalt  }
0x47: {  	_ =	shalt  }
0x48: {  	_ =	shalt  }
0x49: {  	_ =	shalt  }
0x4a: {  	_ =	shalt  }
0x4b: {  	_ =	shalt  }
0x4c: {  	_ =	shalt  }
0x4d: {  	_ =	shalt  }
0x4e: {  	_ =	shalt  }
0x4f: {  	_ =	shalt  }
0x50: {  	_ =	shalt  }
0x51: {  	_ =	shalt  }
0x52: {  	_ =	shalt  }
0x53: {  	_ =	shalt  }
0x54: {  	_ =	shalt  }
0x55: {  	_ =	shalt  }
0x56: {  	_ =	shalt  }
0x57: {  	_ =	shalt  }
0x58: {  	_ =	shalt  }
0x59: {  	_ =	shalt  }
0x5a: {  	_ =	shalt  }
0x5b: {  	_ =	shalt  }
0x5c: {  	_ =	shalt  }
0x5d: {  	_ =	shalt  }
0x5e: {  	_ =	shalt  }
0x5f: {  	_ =	shalt  }
0x60: {  	_ =	shalt  }
0x61: {  	_ =	shalt  }
0x62: {  	_ =	shalt  }
0x63: {  	_ =	shalt  }
0x64: {  	_ =	shalt  }
0x65: {  	_ =	shalt  }
0x66: {  	_ =	shalt  }
0x67: {  	_ =	shalt  }
0x68: {  	_ =	shalt  }
0x69: {  	_ =	shalt  }
0x6a: {  	_ =	shalt  }
0x6b: {  	_ =	shalt  }
0x6c: {  	_ =	shalt  }
0x6d: {  	_ =	shalt  }
0x6e: {  	_ =	shalt  }
0x6f: {  	_ =	shalt  }
0x70: {  	_ =	shalt  }
0x71: {  	_ =	shalt  }
0x72: {  	_ =	shalt  }
0x73: {  	_ =	shalt  }
0x74: {  	_ =	shalt  }
0x75: {  	_ =	shalt  }
0x76: {  	_ =	shalt  }
0x77: {  	_ =	shalt  }
0x78: {  	_ =	shalt  }
0x79: {  	_ =	shalt  }
0x7a: {  	_ =	shalt  }
0x7b: {  	_ =	shalt  }
0x7c: {  	_ =	shalt  }
0x7d: {  	_ =	shalt  }
0x7e: {  	_ =	shalt  }
0x7f: {  	_ =	shalt  }
0x80: {  	_ =	shalt  }
0x81: {  	_ =	shalt  }
0x82: {  	_ =	shalt  }
0x83: {  	_ =	shalt  }
0x84: {  	_ =	shalt  }
0x85: {  	_ =	shalt  }
0x86: {  	_ =	shalt  }
0x87: {  	_ =	shalt  }
.Lfunc_end0:
.L_simem_size_0:
called_computation_lowered:
.L_overlay_start_0:
0x88: {  	s2 =	sld [smem:$0x3FD9]  }
0x89: {  	s3 =	sld [smem:$0x3FFE];
	_ =	sdelay $0x1  }
0x8a: {  	s1 =	srdreg.scid  }
0x8b: {  	s0 =	sand.u32 $0x1, s1  }
0x8c: {  	s16 =	sshll.u32 s0, $0xA;
	s2 =	sadd.s32 s3, s2  }
0x8d: {  	s2 =	sadd.s32 s2, s16  }
0x8e: {  	[smem:$0x3FB4] =	sst s2  }
0x8f: {  	_ = 	snop  }
0x90: {  	(tm) =	ssettm $0x1  }
0x91: {  	s17 =	sld [smem:$0x3FFB];
	_ =	sdelay $0x3  }
0x92: {  	_ =	strace s17  }
0x93: {  	s2 =	sld [smem:$0x3FFC];
	_ =	sdelay $0x3  }
0x94: {  	_ =	strace s2  }
0x95: {  	s2 =	sld [smem:$0x3FFD];
	_ =	sdelay $0x3  }
0x96: {  	_ =	strace s2  }
0x97: {  	_ =	strace $0x8FFFFFFF  }
0x98: {  	s18 =	sld [smem:$0x3FDB];
	_ =	sdelay $0x1  }
0x99: {  	s19 =	simm.s32 $_scs_section_size  }
0x9a: {  	s4 =	simm.s32 $_size__tile_overlayer_lowered;
	s5 =	simm.s32 $_tile_overlayer_lowered  }
0x9b: {  	s22 =	simm.s32 $0x1BFF;
	s21 =	sshll.u32 s5, $0x1;
	s2 =	sadd.s32 s19, s18  }
0x9c: {  	s6 =	simm.s32 $0x0;
	s20 =	sshll.u32 s4, $0x1;
	s4 =	sadd.s32 s21, s2  }
0x9d: {  	[timem:s6], [sflag:s22] =	dma.local [hbm:s4], s20  }
0x9e: {  	_ =	swait.ge [sflag:s22], s20  }
0x9f: {  	s3 =	ssub.s32 $0x0, s20;
	[sflag:s22] =	ssyncset.done $0x0  }
0xa0: {  	[sflag:s22] =	ssyncadd.s32 s3;
	_ =	sdelay $0x1  }
0xa1: {  	s23 =	simm.s32 $0x1B8B  }
0xa2: {  	_ =	swait.ge [sflag:s23], $0x1  }
0xa3: {  	[sflag:s23] =	ssyncset.done $0x0  }
0xa4: {  	s25 =	simm.s32 $0x1B8E;
	s24 =	sld [smem:$0x3FFE];
	[sflag:s23] =	ssyncadd.s32 $0xFFFFFFFF  }
0xa5: {  	s26 =	simm.s32 $execute0_lowered;
	[smem:$0x3FD2] =	sst s25  }
0xa6: {  	s4 =	sshll.u32 s26, $0x1;
	_ =	strace $0x80000046;
	[dreg:$0x1] =	wrdreg $0xFFFFFFFF  }
0xa7: {  	s28 =	simm.s32 $_size_execute0_lowered;
	s2 =	sadd.s32 s2, s4;
	[dreg:$0x0] =	wrdreg $0x0  }
0xa8: {  	s4 =	sshll.u32 s28, $0x1;
	[dreg:$0x2] =	wrdreg s2  }
0xa9: {  	[dreg:$0x3] =	wrdreg s4  }
0xaa: {  	[dreg:$0x4] =	wrdreg $0xC0  }
0xab: {  	_ =	task [dreg:s6], $0x5FFFF  }
0xac: {  	[dreg:$0x1] =	wrdreg $0xFFFFFFFF  }
0xad: {  	[dreg:$0x0] =	wrdreg $0x60  }
0xae: {  	[dreg:$0x2] =	wrdreg s24  }
0xaf: {  	[dreg:$0x3] =	wrdreg $0x83000  }
0xb0: {  	[dreg:$0x4] =	wrdreg $0x9  }
0xb1: {  	_ =	task.clear_ibuf [dreg:s6], $0x5FFFF;
	_ =	strace $0x90000046  }
0xb2: {  	s29 =	simm.s32 $0x9;
	_ =	strace $0x80000048  }
0xb3: {  	_ =	swait.ge [sflag:s29], $0x1  }
0xb4: {  	[sflag:s29] =	ssyncadd.s32 $0xFFFFFFFF  }
0xb5: {  	_ =	strace $0x90000048  }
0xb6: {  	_ =	sfence  }
0xb7: {  	s30 =	sld [smem:$0x0];
	_ =	sdelay $0x2  }
0xb8: {  	s31 =	sshll.u32 s1, $0xD;
	s1 =	sshrl.u32 s1, $0x2  }
0xb9: {  	s3 =	sand.u32 $0x4000, s31;
	s1 =	sadd.s32 s1, s30  }
0xba: {  	s0 =	sor.u32 s3, s0;
	s1 =	sshll.u32 s1, $0x11  }
0xbb: {  	s0 =	sor.u32 s1, s0  }
0xbc: {  	s0 =	sadd.s32 $0x8F2B, s0  }
0xbd: {  	[sflag:s0] =	ssyncadd.remote.s32 $0x1  }
0xbe: {  	_ =	sfence.sel $0xFFFF  }
0xbf: {  	[dreg:$0x0] =	wrdreg $0xFFFFFFFF;
	(pc) =	sbr.abs _section_cstart, $3  }
0xc0: {  	[dreg:$0x1] =	wrdreg $0xFFFFFFFF  }
0xc1: {  	_ =	task.clear_ibuf [dreg:s6], $0x2FFFF;
	_ =	strace $0x9FFFFFFF  }
0xc2: {  	(tm) =	ssettm $0x7FFFFFFF  }
0xc3: {  	_ =	shalt  }
tec
execute0_lowered:
.L_overlay_start_1:
0x0: {  	(tag) =	ssettag $0x1  }
0x1: {  	s0 =	rddreg [dreg:$0x0]  }
0x2: {  	s1 =	rddreg [dreg:$0x1];
	s2 =	simm.s32 $0x0;
	s4 =	srdreg.scid  }
0x3: {  	s6 =	stileid.u32;
	[smem:$0x7FF] =	sst s2  }
0x4: {  	s3 =	sadd.s32 $0x4800, s0;
	s4 =	sand.u32 $0x1, s4;
	s5 =	sadd.s32 $0x52A00, s0  }
0x5: {  	s0 =	sadd.s32 $0x66400, s0;
	s9 =	sshll.u32 s6, $0x8;
	s11 =	smul.u32 $0x270, s6  }
0x6: {  	s13 =	smul.u32 $0x4E000, s6;
	s23 =	sshll.u32 s6, $0x6;
	s24 =	ssub.s32 $0x11, s6  }
0x7: {  	s25 =	sadd.s32 $0x138000, s1;
	s31 =	sor.u32 $0x20, s6;
	s7 =	smul.u32 $0x4E200, s4  }
0x8: {  	p0 =	sne.s32 s6, $0x0;
	_ =	strace $0x80000047;
	s19 =	smul.u32 $0x2710, s4  }
0x9: {  	s8 =	ssub.s32 $0x2, s4;
	s4 =	smul.u32 $0x138800, s4;
	[dreg:$0x7] =	wrdreg s25  }
0xa: {  	s26 =	sshrl.u32 s24, $0x4;
	[dreg:$0x3] =	wrdreg s31;
	s10 =	sshrl.u32 s8, $0x1  }
0xb: {  	s21 =	sshrl.u32 s13, $0x2;
	s29 =	sxor.u32 $0x1, s26;
	s9 =	sadd.s32 s9, s7  }
0xc: {  	s8 =	ssub.s32 s8, s10;
	s7 =	sadd.s32 s11, s19;
	s17 =	sadd.s32 s21, s1  }
0xd: {  	s4 =	sshrl.u32 s4, $0x3;
	s11 =	sor.u32 $0x6, s26;
	s19 =	simm.s32 $0x8  }
0xe: {  	s20 =	sadd.s32 $0x1000, s9;
	s12 =	sshrl.u32 s9, $0x3;
	s22 =	sshll.u32 s7, $0x4  }
0xf: {  	s4 =	sadd.s32 $0x27000, s4;
	s9 =	sadd.s32 $0x2000, s9;
	s15 =	smax.u32 s8, $0x1  }
0x10: {  	s18 =	sshrl.u32 s17, $0x3;
	s10 =	sshrl.u32 s20, $0x3;
	s12 =	sadd.s32 s5, s12  }
0x11: {  	s7 =	sadd.s32 s3, s22;
	s28 =	sadd.s32 s3, s4;
	[dreg:$0x4] =	wrdreg s12  }
0x12: {  	s13 =	sadd.s32 s0, s22;
	s0 =	sadd.s32 s0, s4;
	[dreg:$0x6] =	wrdreg s7  }
0x13: {  	s30 =	sshrl.u32 s9, $0x3;
	s20 =	simm.s32 $0x1;
	[dreg:$0x8] =	wrdreg s28  }
0x14: {  	s10 =	sadd.s32 s5, s10;
	s7 =	sor.u32 $0x1C08, s23;
	[dreg:$0x9] =	wrdreg s13  }
0x15: {  	s12 =	sor.u32 $0x6, s29;
	[dreg:$0xa] =	wrdreg s0;
	s16 =	sadd.s32 s30, s5  }
0x16: {  	s23 =	simm.s32 $0x0;
	[dreg:$0x5] =	wrdreg s10;
	s10 =	ssub.s32 $0x4E2, s6  }
.LBB2_1:
0x17: {  	s0 =	rddreg [dreg:$0x4]  }
0x18: {  	s13 =	rddreg [dreg:$0x5]  }
0x19: {  	[tilespmem:s2], [sflag:$0x1] =	stream.linear.gather [hbm4b:s0+s2], $0x100, $0x38;
	[tilespmem:$0x1BB80] =	vst v63  }
0x1a: {  	s4 =	simm.s32 $0x100;
	s14 =	rddreg [dreg:$0x6]  }
0x1b: {  	[tilespmem:s4], [sflag:$0x2] =	stream.linear.gather [hbm4b:s13+s2], $0x100, $0x38;
	[tilespmem:$0x1BB80] =	vst v63  }
0x1c: {  	[spmem:s18], [sflag:s7] =	dma.local [hbm:s14], $0x2700  }
0x1d: {  	_ =	swait.ge [sflag:s19], $0x2700  }
0x1e: {  	[sflag:s19] =	ssyncset.done $0x0;
	s0 =	rddreg [dreg:$0x7]  }
0x1f: {  	[sflag:s19] =	ssyncadd.s32 $0xFFFFD900;
	s24 =	sshrl.u32 @!p0 s0, $0x3;
	s0 =	rddreg [dreg:$0x8]  }
0x20: {  	[spmem:s24], [sflag:s7] =	dma.local @!p0 [hbm:s0], $0x100  }
0x21: {  	s0 =	simm.s32 @!p0 $0x8  }
0x22: {  	_ =	swait.ge @!p0 [sflag:s0], $0x100  }
0x23: {  	[sflag:s0] =	ssyncset.done @!p0 $0x0  }
0x24: {  	[sflag:s0] =	ssyncadd.s32 @!p0 $0xFFFFFF00  }
0x25: {  	_ =	swait.ge [sflag:s20], $0x100  }
0x26: {  	[sflag:s20] =	ssyncset.done $0x0  }
0x27: {  	s17 =	simm.s32 $0x80;
	s21 =	simm.s32 $0x300;
	[sflag:s20] =	ssyncadd.s32 $0xFFFFFF00  }
0x28: {  	[tilespmem:s21], [sflag:$0x4] =	stream.indirect.gather [hbm4b:s3+s17], $0x80, s2, s17, $0xb8;
	[tilespmem:$0x1BB80] =	vst v63  }
0x29: {  	s25 =	simm.s32 $0x1;
	s26 =	simm.s32 $0x2;
	[bflag:$0x0] =	sbarrier.arrive $0xFFFF  }
0x2a: {  	s28 =	simm.s32 $0x10;
	p2 =	sle.u32 s10, $0x10;
	s22 =	rddreg [dreg:$0x3]  }
0x2b: {  	p1 =	sle.u32 s10, $0x0;
	s29 =	sadd.s32 $0x200, s16;
	s0 =	sadd.s32 $0x0, s22  }
0x2c: {  	p3 =	por @!p2 $0x1, $0x1;
	s4 =	simm.s32 $0x2;
	p4 =	sgt.u32 s0, $0x4E1  }
0x2d: {  	p3 =	por p3, p2;
	s0 =	sand.u32 @!p2 $0x1, s25;
	s4 =	smul.u32 @!p4 $0xAB, s4  }
0x2e: {  	s30 =	simm.s32 $0x10;
	s6 =	sxor.u32 @!p3 $0xFFFFFFFF, s2;
	s5 =	sshll.u32 @!p2 s0, $0xE  }
0x2f: {  	s31 =	sor.u32 @!p2 $0x4, s0;
	s0 =	smul.u32 @!p2 $0xAB, s25;
	s4 =	sshrl.u32 @!p4 s4, $0x9  }
0x30: {  	s8 =	smul.u32 @!p1 $0xAB, s2;
	s6 =	sand.u32 @!p3 $0x1, s6;
	s4 =	sand.u32 @!p4 $0x7F, s4  }
0x31: {  	s21 =	sor.u32 @!p3 $0x6, s6;
	s0 =	sshrl.u32 @!p2 s0, $0x9;
	s4 =	smul.u32 @!p4 $0x3, s4  }
0x32: {  	s6 =	sshrl.u32 @!p1 s8, $0x9;
	s8 =	sand.u32 @!p1 $0x1, s2;
	s0 =	sand.u32 @!p2 $0x7F, s0  }
0x33: {  	s9 =	simm.s32 @!p4 $0x0;
	s0 =	smul.u32 @!p2 $0x3, s0;
	s4 =	ssub.s32 @!p4 $0x2, s4  }
0x34: {  	s17 =	sor.u32 @!p2 $0x300, s5;
	s5 =	sand.u32 @!p1 $0x7F, s6;
	s4 =	sand.u32 @!p4 $0xFF, s4  }
0x35: {  	s0 =	ssub.s32 @!p2 $0x1, s0;
	s6 =	sshll.u32 @!p4 s4, $0x8;
	s4 =	sadd.s32 @!p4 $0x1, s4  }
0x36: {  	[tilespmem:s6], [sflag:s4] =	stream.linear.gather @!p4 [hbm4b:s16+s9], $0x100, $0x38;
	[tilespmem:$0x1BB80] =	vst v63  }
0x37: {  	s0 =	sand.u32 @!p2 $0xFF, s0;
	s4 =	smul.u32 @!p1 $0x3, s5;
	_ =	swait.ge @!p3 [sflag:s21], $0x4000  }
0x38: {  	s22 =	simm.s32 @!p2 $0x80;
	s9 =	sadd.s32 @!p2 $0x1, s0;
	[sflag:s21] =	ssyncset.done @!p3 $0x0  }
0x39: {  	s6 =	sshll.u32 @!p2 s0, $0x8;
	s0 =	ssub.s32 @!p1 $0x0, s4;
	[sflag:s21] =	ssyncadd.s32 @!p3 $0xFFFFC000  }
0x3a: {  	s5 =	sshll.u32 @!p1 s8, $0xE;
	s0 =	sand.u32 @!p1 $0xFF, s0;
	_ =	swait.ge @!p2 [sflag:s9], $0x100  }
0x3b: {  	s21 =	sor.u32 @!p1 $0x4, s8;
	s4 =	sshll.u32 @!p1 s0, $0x8;
	[sflag:s9] =	ssyncset.done @!p2 $0x0  }
.LBB2_2:
0x3c: {  	[sflag:s9] =	ssyncadd.s32 @!p2 $0xFFFFFF00;
	s8 =	sor.u32 @!p1 $0x6, s8;
	s9 =	smov.u32 s26  }
0x3d: {  	s0 =	smov.u32 s25;
	s25 =	smov.u32 s26;
	s26 =	sadd.s32 $0x1, s26  }
0x3e: {  	s5 =	sor.u32 @!p1 $0x300, s5;
	s4 =	sor.u32 @!p1 $0x80, s4;
	s30 =	sadd.s32 $0x10, s30  }
0x3f: {  	[tilespmem:s17], [sflag:s31] =	stream.indirect.gather @!p2 [hbm4b:s3+s22], $0x80, s6, s22, $0xb8;
	[tilespmem:$0x1BB80] =	vst v63  }
0x40: {  	p3 =	sne.s32 s26, $0x4F;
	s6 =	simm.s32 @!p1 $0x80;
	p2 =	sge.u32 s30, s10  }
0x41: {  	s22 =	sadd.s32 $0x2, s0;
	_ =	swait.ge @!p1 [sflag:s21], $0x4000;
	p5 =	seq.s32 @!p2 s0, $0x0  }
0x42: {  	s17 =	smul.u32 @!p2 $0xAB, s9;
	s14 =	rddreg [dreg:$0x3];
	[sflag:s21] =	ssyncset.done @!p1 $0x0  }
0x43: {  	p5 =	por p5, p2;
	[sflag:s21] =	ssyncadd.s32 @!p1 $0xFFFFC000;
	s21 =	sadd.s32 s28, s14  }
0x44: {  	[spmem:s1] =	stream.indirect.scatter.add.f32 @!p1 [tilespmem:s5], [sflag:s8], $0x80, s4, s6, $0xb8;
	[tilespmem:$0x1BB80] =	vst v63  }
0x45: {  	s17 =	sshrl.u32 @!p2 s17, $0x9;
	s5 =	smov.u32 s29;
	p4 =	sgt.u32 s21, $0x4E1  }
0x46: {  	p1 =	sge.u32 s28, s10;
	s28 =	smov.u32 s30;
	s6 =	smul.u32 @!p4 $0xAB, s22  }
0x47: {  	s4 =	sand.u32 @!p2 $0x1, s9;
	s21 =	sxor.u32 @!p5 $0xFFFFFFFF, s0;
	s17 =	sand.u32 @!p2 $0x7F, s17  }
0x48: {  	s29 =	sadd.s32 $0x200, s29;
	s13 =	smul.u32 @!p1 $0xAB, s0;
	s6 =	sshrl.u32 @!p4 s6, $0x9  }
0x49: {  	s8 =	sshll.u32 @!p2 s4, $0xE;
	s14 =	smul.u32 @!p2 $0x3, s17;
	s6 =	sand.u32 @!p4 $0x7F, s6  }
0x4a: {  	s31 =	sor.u32 @!p2 $0x4, s4;
	s21 =	sand.u32 @!p5 $0x1, s21;
	s6 =	smul.u32 @!p4 $0x3, s6  }
0x4b: {  	s4 =	simm.s32 @!p4 $0x0;
	s21 =	sor.u32 @!p5 $0x6, s21;
	s17 =	sor.u32 @!p2 $0x300, s8  }
0x4c: {  	s8 =	sshrl.u32 @!p1 s13, $0x9;
	s9 =	ssub.s32 @!p2 s9, s14;
	s6 =	ssub.s32 @!p4 s22, s6  }
0x4d: {  	s8 =	sand.u32 @!p1 $0x7F, s8;
	s14 =	sand.u32 @!p2 $0xFF, s9;
	s6 =	sand.u32 @!p4 $0xFF, s6  }
0x4e: {  	s13 =	smul.u32 @!p1 $0x3, s8;
	s8 =	sshll.u32 @!p4 s6, $0x8;
	s6 =	sadd.s32 @!p4 $0x1, s6  }
0x4f: {  	[tilespmem:s8], [sflag:s6] =	stream.linear.gather @!p4 [hbm4b:s5+s4], $0x100, $0x38;
	[tilespmem:$0x1BB80] =	vst v63  }
.Ltmp0:
0x50: {  	s9 =	sadd.s32 @!p2 $0x1, s14;
	_ =	swait.ge @!p5 [sflag:s21], $0x4000;
	(pc) =	sbr.rel @p3 .LBB2_2-.Ltmp0, $4  }
0x51: {  	s22 =	simm.s32 @!p2 $0x80;
	s6 =	sshll.u32 @!p2 s14, $0x8;
	[sflag:s21] =	ssyncset.done @!p5 $0x0  }
0x52: {  	s8 =	sand.u32 @!p1 $0x1, s0;
	s0 =	ssub.s32 @!p1 s0, s13;
	[sflag:s21] =	ssyncadd.s32 @!p5 $0xFFFFC000  }
0x53: {  	s0 =	sand.u32 @!p1 $0xFF, s0;
	s5 =	sshll.u32 @!p1 s8, $0xE;
	_ =	swait.ge @!p2 [sflag:s9], $0x100  }
0x54: {  	s4 =	sshll.u32 @!p1 s0, $0x8;
	s21 =	sor.u32 @!p1 $0x4, s8;
	[sflag:s9] =	ssyncset.done @!p2 $0x0  }
0x55: {  	[sflag:s9] =	ssyncadd.s32 @!p2 $0xFFFFFF00  }
0x56: {  	[tilespmem:s17], [sflag:s31] =	stream.indirect.gather @!p2 [hbm4b:s3+s22], $0x80, s6, s22, $0xb8;
	[tilespmem:$0x1BB80] =	vst v63  }
0x57: {  	_ =	swait.ge @!p1 [sflag:s21], $0x4000  }
0x58: {  	s0 =	rddreg [dreg:$0x3]  }
0x59: {  	s0 =	sadd.s32 s28, s0  }
0x5a: {  	s6 =	sadd.s32 $0x2, s25;
	p2 =	sgt.u32 s0, $0x4E1  }
0x5b: {  	s0 =	smul.u32 @!p2 $0xAB, s6;
	_ =	sdelay $0x1  }
0x5c: {  	s8 =	sor.u32 @!p1 $0x6, s8;
	s9 =	simm.s32 @!p1 $0x80;
	s0 =	sshrl.u32 @!p2 s0, $0x9  }
0x5d: {  	s5 =	sor.u32 @!p1 $0x300, s5;
	[sflag:s21] =	ssyncset.done @!p1 $0x0;
	s0 =	sand.u32 @!p2 $0x7F, s0  }
0x5e: {  	s4 =	sor.u32 @!p1 $0x80, s4;
	[sflag:s21] =	ssyncadd.s32 @!p1 $0xFFFFC000;
	s0 =	smul.u32 @!p2 $0x3, s0  }
0x5f: {  	[spmem:s1] =	stream.indirect.scatter.add.f32 @!p1 [tilespmem:s5], [sflag:s8], $0x80, s4, s9, $0xb8;
	[tilespmem:$0x1BB80] =	vst v63  }
0x60: {  	s0 =	ssub.s32 @!p2 s6, s0  }
0x61: {  	s30 =	sadd.s32 $0x10, s30;
	s0 =	sand.u32 @!p2 $0xFF, s0  }
0x62: {  	s4 =	simm.s32 @!p2 $0x0;
	s5 =	sshll.u32 @!p2 s0, $0x8;
	s0 =	sadd.s32 @!p2 $0x1, s0  }
0x63: {  	[tilespmem:s5], [sflag:s0] =	stream.linear.gather @!p2 [hbm4b:s29+s4], $0x100, $0x38;
	[tilespmem:$0x1BB80] =	vst v63  }
0x64: {  	p2 =	sge.u32 s30, s10  }
0x65: {  	s0 =	smul.u32 @!p2 $0xAB, s26  }
0x66: {  	p1 =	seq.s32 @!p2 s25, $0x0  }
0x67: {  	p3 =	por p1, p2;
	s0 =	sshrl.u32 @!p2 s0, $0x9  }
0x68: {  	s4 =	sxor.u32 @!p3 $0xFFFFFFFF, s25;
	s0 =	sand.u32 @!p2 $0x7F, s0  }
0x69: {  	s4 =	sand.u32 @!p3 $0x1, s4;
	s0 =	smul.u32 @!p2 $0x3, s0  }
0x6a: {  	s4 =	sor.u32 @!p3 $0x6, s4  }
0x6b: {  	_ =	swait.ge @!p3 [sflag:s4], $0x4000;
	s0 =	ssub.s32 @!p2 s26, s0  }
0x6c: {  	s5 =	sand.u32 @!p2 $0x1, s26;
	[sflag:s4] =	ssyncset.done @!p3 $0x0;
	s0 =	sand.u32 @!p2 $0xFF, s0  }
0x6d: {  	p1 =	sge.u32 s28, s10;
	[sflag:s4] =	ssyncadd.s32 @!p3 $0xFFFFC000;
	s6 =	sadd.s32 @!p2 $0x1, s0  }
0x6e: {  	s8 =	smul.u32 @!p1 $0xAB, s25;
	s4 =	sshll.u32 @!p2 s5, $0xE;
	_ =	swait.ge @!p2 [sflag:s6], $0x100  }
0x6f: {  	s5 =	sor.u32 @!p2 $0x4, s5;
	s4 =	sor.u32 @!p2 $0x300, s4;
	[sflag:s6] =	ssyncset.done @!p2 $0x0  }
0x70: {  	s0 =	sshll.u32 @!p2 s0, $0x8;
	[sflag:s6] =	ssyncadd.s32 @!p2 $0xFFFFFF00;
	s6 =	simm.s32 @!p2 $0x80  }
0x71: {  	[tilespmem:s4], [sflag:s5] =	stream.indirect.gather @!p2 [hbm4b:s3+s6], $0x80, s0, s6, $0xb8;
	[tilespmem:$0x1BB80] =	vst v63  }
0x72: {  	s0 =	sshrl.u32 @!p1 s8, $0x9  }
0x73: {  	s0 =	sand.u32 @!p1 $0x7F, s0  }
0x74: {  	s0 =	smul.u32 @!p1 $0x3, s0  }
0x75: {  	s4 =	sand.u32 @!p1 $0x1, s25  }
0x76: {  	s5 =	sor.u32 @!p1 $0x4, s4;
	s6 =	sshll.u32 @!p1 s4, $0xE;
	s0 =	ssub.s32 @!p1 s25, s0  }
0x77: {  	s4 =	sor.u32 @!p1 $0x6, s4;
	_ =	swait.ge @!p1 [sflag:s5], $0x4000;
	s0 =	sand.u32 @!p1 $0xFF, s0  }
0x78: {  	s6 =	sor.u32 @!p1 $0x300, s6;
	[sflag:s5] =	ssyncset.done @!p1 $0x0;
	s0 =	sshll.u32 @!p1 s0, $0x8  }
0x79: {  	[sflag:s5] =	ssyncadd.s32 @!p1 $0xFFFFC000;
	s5 =	simm.s32 @!p1 $0x80;
	s0 =	sor.u32 @!p1 $0x80, s0  }
0x7a: {  	[spmem:s1] =	stream.indirect.scatter.add.f32 @!p1 [tilespmem:s6], [sflag:s4], $0x80, s0, s5, $0xb8;
	[tilespmem:$0x1BB80] =	vst v63  }
0x7b: {  	_ =	swait.ge [sflag:s11], $0x4000  }
0x7c: {  	[sflag:s11] =	ssyncset.done $0x0  }
0x7d: {  	[sflag:s11] =	ssyncadd.s32 $0xFFFFC000  }
0x7e: {  	_ =	swait.ge [sflag:s12], $0x4000  }
0x7f: {  	[sflag:s12] =	ssyncset.done $0x0  }
0x80: {  	[sflag:s12] =	ssyncadd.s32 $0xFFFFC000  }
0x81: {  	[bflag:$0x0] =	sbarrier.arrive $0xFFFF  }
0x82: {  	s31 =	rddreg [dreg:$0x9]  }
0x83: {  	[hbm:s31], [sflag:s7] =	dma.local [spmem:s18], $0x2700  }
0x84: {  	_ =	swait.ge [sflag:s19], $0x2700  }
0x85: {  	s23 =	sadd.s32 $0x1, s23;
	[sflag:s19] =	ssyncset.done $0x0  }
0x86: {  	p1 =	sne.s32 s23, s15;
	s0 =	rddreg [dreg:$0xa];
	[sflag:s19] =	ssyncadd.s32 $0xFFFFD900  }
0x87: {  	[hbm:s0], [sflag:s7] =	dma.local @!p0 [spmem:s24], $0x100  }
.Ltmp1:
0x88: {  	_ = 	snop;
	(pc) =	sbr.rel @p1 .LBB2_1-.Ltmp1, $4  }
0x89: {  	s0 =	simm.s32 @!p0 $0x8  }
0x8a: {  	_ =	swait.ge @!p0 [sflag:s0], $0x100  }
0x8b: {  	[sflag:s0] =	ssyncset.done @!p0 $0x0  }
0x8c: {  	[sflag:s0] =	ssyncadd.s32 @!p0 $0xFFFFFF00  }
0x8d: {  	_ =	sfence.sel $0x180000  }
0x8e: {  	[bflag:$0x0] =	sbarrier.arrive $0xFFFF  }
0x8f: {  	_ =	strace $0x90000047  }
0x90: {  	[bflag:$0x2] =	sbarrier.arrive $0xFFFF  }
0x91: {  	s0 =	rddreg [dreg:$0x2]  }
0x92: {  	s0 =	sadd.s32 @!p0 $0x100000, s0  }
0x93: {  	[sflag:s0] =	ssyncadd.tile.s32 @!p0 $0x1;
	_ =	shalt  }
.Lfunc_end2:
_tile_overlayer_lowered:
.L_overlay_start_2:
0x94: {  	(tag) =	ssettag $0x2  }
0x95: {  	s0 =	rddreg [dreg:$0x0];
	s2 =	stileid.u32  }
0x96: {  	s1 =	rddreg [dreg:$0x1];
	p0 =	sne.s32 s2, $0x0  }
0x97: {  	s3 =	rddreg [dreg:$0x2];
	[bflag:$0x3] =	sbarrier.arrive $0xFFFF;
	s2 =	simm.s32 @!p0 $0x1C08  }
0x98: {  	[timem:s3], [sflag:s2] =	dma.local @!p0 [hbm:s0], s1  }
0x99: {  	s0 =	simm.s32 @!p0 $0x8  }
0x9a: {  	_ =	swait.ge @!p0 [sflag:s0], s1  }
0x9b: {  	s1 =	ssub.s32 @!p0 $0x0, s1;
	[sflag:s0] =	ssyncset.done @!p0 $0x0  }
0x9c: {  	[sflag:s0] =	ssyncadd.s32 @!p0 s1  }
0x9d: {  	[bflag:$0x3] =	sbarrier.arrive $0xFFFF  }
0x9e: {  	_ =	shalt  }

// kernel: kernel.15.cloned.1.call-start
scs
__scs_entry_jumppad:
0x0: {  	(pc) =	sbr.rel $0x88, $3  }
0x1: {  	(tag) =	ssettag $0x0;
	lr =	simm.s32 $0x1  }
0x2: {  	[smem:$0x3F8D] =	sst lr;
	_ =	strace $0xD0000000  }
0x3: {  	_ = 	snop  }
0x4: {  	_ = 	snop  }
0x5: {  	_ = 	snop  }
0x6: {  	_ = 	snop  }
0x7: {  	_ = 	snop  }
__scs_overlays_trampoline_lowered:
0x8: {  	[smem:$0x3F9C] =	sst s0  }
0x9: {  	[smem:$0x3F9D] =	sst s1  }
0xa: {  	[smem:$0x3F9E] =	sst s2  }
0xb: {  	[smem:$0x3F9F] =	sst s3  }
0xc: {  	[smem:$0x3FA0] =	sst s4  }
0xd: {  	[smem:$0x3FA1] =	sst s5  }
0xe: {  	[smem:$0x3FA2] =	sst s6  }
0xf: {  	[smem:$0x3FA3] =	sst s7  }
0x10: {  	[smem:$0x3FA4] =	sst s8  }
0x11: {  	[smem:$0x3FA5] =	sst s9;
	s0 =	simm.s32 @!p0 $0x0  }
0x12: {  	s1 =	sld [smem:$0x3F8B];
	s0 =	simm.s32 @p0 $0x1  }
0x13: {  	[smem:$0x3FA6] =	sst s0;
	s0 =	simm.s32 @!p1 $0x0  }
0x14: {  	s2 =	sld [smem:$0x3F8A];
	s0 =	simm.s32 @p1 $0x1  }
0x15: {  	[smem:$0x3FA7] =	sst s0;
	s0 =	simm.s32 @!p2 $0x0  }
0x16: {  	s3 =	sld [smem:$0x3FDB];
	s0 =	simm.s32 @p2 $0x1  }
0x17: {  	s4 =	simm.s32 $0x1BF5;
	[smem:$0x3FA9] =	sst s0  }
0x18: {  	s0 =	sld [smem:$0x3F8C];
	_ =	swait.ge [sflag:s4], $0x0  }
0x19: {  	s7 =	sld [smem:$0x3F8D]  }
0x1a: {  	s8 =	sadd.s32 $0xFFFFE003, lr  }
0x1b: {  	s9 =	sadd.s32 $0xFFFFFEF7, lr;
	s5 =	simm.s32 $0xFFFFFFFF;
	p2 =	slt.u32 s8, $0xFFFFF086  }
0x1c: {  	p1 =	slt.u32 s9, $0xF7A;
	s5 =	simm.s32 @!p2 $0x0  }
0x1d: {  	s5 =	simm.s32 @p1 $0x1;
	p0 =	seq.s32 s7, s2  }
0x1e: {  	s7 =	smul.u32 @!p0 $0xF7A, s2;
	p2 =	seq.s32 @!p0 s5, $0x0  }
0x1f: {  	s9 =	smul.u32 $0xF7A, s1;
	s8 =	simm.s32 @!p0 $0x1BF5;
	p2 =	por !p2, p0  }
0x20: {  	[sflag:s8] =	ssyncset.s32 @!p0 $0xFFFFF086;
	s6 =	sadd.s32 @!p0 s3, s7;
	s7 =	simm.s32 @!p0 $0x108  }
0x21: {  	s3 =	sadd.s32 s3, s9;
	s6 =	sadd.s32 @!p0 $0x88, s6;
	s7 =	simm.s32 @p2 $0x1082  }
0x22: {  	[simem:s7], [sflag:s8] =	dma.local @!p0 [hbm:s6], $0xF7A  }
0x23: {  	s9 =	sor.u32 $0xD0000000, s2;
	s6 =	simm.s32 $0x108;
	_ =	swait.ge @!p0 [sflag:s8], $0x0  }
0x24: {  	s3 =	sadd.s32 $0x88, s3;
	s6 =	simm.s32 @!p1 $0x1082;
	[sflag:s4] =	ssyncset.s32 $0xFFFFF086  }
0x25: {  	[simem:s6], [sflag:s4] =	dma.local [hbm:s3], $0xF7A  }
0x26: {  	[smem:$0x3F8D] =	sst s1;
	(tag) =	ssettag s2;
	_ =	strace s9  }
0x27: {  	s1 =	sld [smem:$0x3F9D]  }
0x28: {  	s2 =	sld [smem:$0x3F9E]  }
0x29: {  	s4 =	sld [smem:$0x3FA0]  }
0x2a: {  	p0 =	seq.s32 s5, $0x0;
	s5 =	sld [smem:$0x3FA1]  }
0x2b: {  	s6 =	sld [smem:$0x3FA2]  }
0x2c: {  	s7 =	sld [smem:$0x3FA3]  }
0x2d: {  	s3 =	simm.s32 $0x108;
	s8 =	sld [smem:$0x3FA4]  }
0x2e: {  	s3 =	simm.s32 @!p0 $0x1082;
	s9 =	sld [smem:$0x3FA5]  }
0x2f: {  	lr =	sadd.s32 s0, s3;
	s0 =	sld [smem:$0x3F9C]  }
0x30: {  	s3 =	sld [smem:$0x3F9F]  }
0x31: {  	[smem:$0x3FA8] =	sst s10  }
0x32: {  	s10 =	sld [smem:$0x3FA6];
	_ =	sdelay $0x3  }
0x33: {  	p0 =	seq.s32 s10, $0x1;
	s10 =	sld [smem:$0x3FA8];
	_ =	sdelay $0x3  }
0x34: {  	[smem:$0x3FA8] =	sst s10  }
0x35: {  	s10 =	sld [smem:$0x3FA7];
	_ =	sdelay $0x3  }
0x36: {  	p1 =	seq.s32 s10, $0x1;
	s10 =	sld [smem:$0x3FA8];
	_ =	sdelay $0x3  }
0x37: {  	[smem:$0x3FA8] =	sst s10  }
0x38: {  	s10 =	sld [smem:$0x3FA9]  }
0x39: {  	_ = 	snop;
	(pc) =	sbr.ind lr, $3  }
0x3a: {  	_ = 	snop  }
0x3b: {  	_ = 	snop  }
0x3c: {  	p2 =	seq.s32 s10, $0x1;
	s10 =	sld [smem:$0x3FA8]  }
0x3d: {  	_ =	shalt  }
0x3e: {  	_ =	shalt  }
0x3f: {  	_ =	shalt  }
0x40: {  	_ =	shalt  }
0x41: {  	_ =	shalt  }
0x42: {  	_ =	shalt  }
0x43: {  	_ =	shalt  }
0x44: {  	_ =	shalt  }
0x45: {  	_ =	shalt  }
0x46: {  	_ =	shalt  }
0x47: {  	_ =	shalt  }
0x48: {  	_ =	shalt  }
0x49: {  	_ =	shalt  }
0x4a: {  	_ =	shalt  }
0x4b: {  	_ =	shalt  }
0x4c: {  	_ =	shalt  }
0x4d: {  	_ =	shalt  }
0x4e: {  	_ =	shalt  }
0x4f: {  	_ =	shalt  }
0x50: {  	_ =	shalt  }
0x51: {  	_ =	shalt  }
0x52: {  	_ =	shalt  }
0x53: {  	_ =	shalt  }
0x54: {  	_ =	shalt  }
0x55: {  	_ =	shalt  }
0x56: {  	_ =	shalt  }
0x57: {  	_ =	shalt  }
0x58: {  	_ =	shalt  }
0x59: {  	_ =	shalt  }
0x5a: {  	_ =	shalt  }
0x5b: {  	_ =	shalt  }
0x5c: {  	_ =	shalt  }
0x5d: {  	_ =	shalt  }
0x5e: {  	_ =	shalt  }
0x5f: {  	_ =	shalt  }
0x60: {  	_ =	shalt  }
0x61: {  	_ =	shalt  }
0x62: {  	_ =	shalt  }
0x63: {  	_ =	shalt  }
0x64: {  	_ =	shalt  }
0x65: {  	_ =	shalt  }
0x66: {  	_ =	shalt  }
0x67: {  	_ =	shalt  }
0x68: {  	_ =	shalt  }
0x69: {  	_ =	shalt  }
0x6a: {  	_ =	shalt  }
0x6b: {  	_ =	shalt  }
0x6c: {  	_ =	shalt  }
0x6d: {  	_ =	shalt  }
0x6e: {  	_ =	shalt  }
0x6f: {  	_ =	shalt  }
0x70: {  	_ =	shalt  }
0x71: {  	_ =	shalt  }
0x72: {  	_ =	shalt  }
0x73: {  	_ =	shalt  }
0x74: {  	_ =	shalt  }
0x75: {  	_ =	shalt  }
0x76: {  	_ =	shalt  }
0x77: {  	_ =	shalt  }
0x78: {  	_ =	shalt  }
0x79: {  	_ =	shalt  }
0x7a: {  	_ =	shalt  }
0x7b: {  	_ =	shalt  }
0x7c: {  	_ =	shalt  }
0x7d: {  	_ =	shalt  }
0x7e: {  	_ =	shalt  }
0x7f: {  	_ =	shalt  }
0x80: {  	_ =	shalt  }
0x81: {  	_ =	shalt  }
0x82: {  	_ =	shalt  }
0x83: {  	_ =	shalt  }
0x84: {  	_ =	shalt  }
0x85: {  	_ =	shalt  }
0x86: {  	_ =	shalt  }
0x87: {  	_ =	shalt  }
.Lfunc_end0:
.L_simem_size_0:
called_computation.1_lowered:
.L_overlay_start_0:
0x88: {  	s2 =	sld [smem:$0x3FD9]  }
0x89: {  	s3 =	sld [smem:$0x3FFE];
	_ =	sdelay $0x1  }
0x8a: {  	s1 =	srdreg.scid  }
0x8b: {  	s0 =	sand.u32 $0x1, s1  }
0x8c: {  	s16 =	sshll.u32 s0, $0xA;
	s2 =	sadd.s32 s3, s2  }
0x8d: {  	s2 =	sadd.s32 s2, s16  }
0x8e: {  	[smem:$0x3FB4] =	sst s2  }
0x8f: {  	_ = 	snop  }
0x90: {  	(tm) =	ssettm $0x1  }
0x91: {  	s17 =	sld [smem:$0x3FFB];
	_ =	sdelay $0x3  }
0x92: {  	_ =	strace s17  }
0x93: {  	s2 =	sld [smem:$0x3FFC];
	_ =	sdelay $0x3  }
0x94: {  	_ =	strace s2  }
0x95: {  	s2 =	sld [smem:$0x3FFD];
	_ =	sdelay $0x3  }
0x96: {  	_ =	strace s2  }
0x97: {  	_ =	strace $0x8FFFFFFF  }
0x98: {  	s18 =	sld [smem:$0x3FDB];
	_ =	sdelay $0x1  }
0x99: {  	s19 =	simm.s32 $_scs_section_size  }
0x9a: {  	s4 =	simm.s32 $_size__tile_overlayer_lowered;
	s5 =	simm.s32 $_tile_overlayer_lowered  }
0x9b: {  	s22 =	simm.s32 $0x1BFF;
	s21 =	sshll.u32 s5, $0x1;
	s2 =	sadd.s32 s19, s18  }
0x9c: {  	s6 =	simm.s32 $0x0;
	s20 =	sshll.u32 s4, $0x1;
	s4 =	sadd.s32 s21, s2  }
0x9d: {  	[timem:s6], [sflag:s22] =	dma.local [hbm:s4], s20  }
0x9e: {  	_ =	swait.ge [sflag:s22], s20  }
0x9f: {  	s3 =	ssub.s32 $0x0, s20;
	[sflag:s22] =	ssyncset.done $0x0  }
0xa0: {  	[sflag:s22] =	ssyncadd.s32 s3;
	_ =	sdelay $0x1  }
0xa1: {  	s23 =	simm.s32 $0x1B8B  }
0xa2: {  	_ =	swait.ge [sflag:s23], $0x1  }
0xa3: {  	[sflag:s23] =	ssyncset.done $0x0  }
0xa4: {  	s25 =	simm.s32 $0x1B8E;
	s24 =	sld [smem:$0x3FFE];
	[sflag:s23] =	ssyncadd.s32 $0xFFFFFFFF  }
0xa5: {  	s26 =	simm.s32 $execute0_lowered;
	[smem:$0x3FD2] =	sst s25  }
0xa6: {  	s4 =	sshll.u32 s26, $0x1;
	_ =	strace $0x80000049;
	[dreg:$0x1] =	wrdreg $0xFFFFFFFF  }
0xa7: {  	s28 =	simm.s32 $_size_execute0_lowered;
	s2 =	sadd.s32 s2, s4;
	[dreg:$0x0] =	wrdreg $0x0  }
0xa8: {  	s4 =	sshll.u32 s28, $0x1;
	[dreg:$0x2] =	wrdreg s2  }
0xa9: {  	[dreg:$0x3] =	wrdreg s4  }
0xaa: {  	[dreg:$0x4] =	wrdreg $0xC0  }
0xab: {  	_ =	task [dreg:s6], $0x5FFFF  }
0xac: {  	[dreg:$0x1] =	wrdreg $0xFFFFFFFF  }
0xad: {  	[dreg:$0x0] =	wrdreg $0x60  }
0xae: {  	[dreg:$0x2] =	wrdreg s24  }
0xaf: {  	[dreg:$0x3] =	wrdreg $0x83000  }
0xb0: {  	[dreg:$0x4] =	wrdreg $0x9  }
0xb1: {  	_ =	task.clear_ibuf [dreg:s6], $0x5FFFF;
	_ =	strace $0x90000049  }
0xb2: {  	s29 =	simm.s32 $0x9;
	_ =	strace $0x8000004B  }
0xb3: {  	_ =	swait.ge [sflag:s29], $0x1  }
0xb4: {  	[sflag:s29] =	ssyncadd.s32 $0xFFFFFFFF  }
0xb5: {  	_ =	strace $0x9000004B  }
0xb6: {  	_ =	sfence  }
0xb7: {  	s30 =	sld [smem:$0x0];
	_ =	sdelay $0x2  }
0xb8: {  	s31 =	sshll.u32 s1, $0xD;
	s1 =	sshrl.u32 s1, $0x2  }
0xb9: {  	s3 =	sand.u32 $0x4000, s31;
	s1 =	sadd.s32 s1, s30  }
0xba: {  	s0 =	sor.u32 s3, s0;
	s1 =	sshll.u32 s1, $0x11  }
0xbb: {  	s0 =	sor.u32 s1, s0  }
0xbc: {  	s0 =	sadd.s32 $0x8F2B, s0  }
0xbd: {  	[sflag:s0] =	ssyncadd.remote.s32 $0x1  }
0xbe: {  	_ =	sfence.sel $0xFFFF  }
0xbf: {  	[dreg:$0x0] =	wrdreg $0xFFFFFFFF;
	(pc) =	sbr.abs _section_cstart, $3  }
0xc0: {  	[dreg:$0x1] =	wrdreg $0xFFFFFFFF  }
0xc1: {  	_ =	task.clear_ibuf [dreg:s6], $0x2FFFF;
	_ =	strace $0x9FFFFFFF  }
0xc2: {  	(tm) =	ssettm $0x7FFFFFFF  }
0xc3: {  	_ =	shalt  }
tec
execute0_lowered:
.L_overlay_start_1:
0x0: {  	(tag) =	ssettag $0x1  }
0x1: {  	s0 =	rddreg [dreg:$0x0]  }
0x2: {  	s1 =	rddreg [dreg:$0x1];
	s2 =	simm.s32 $0x0;
	s4 =	srdreg.scid  }
0x3: {  	s6 =	stileid.u32;
	[smem:$0x7FF] =	sst s2  }
0x4: {  	s3 =	sadd.s32 $0x4800, s0;
	s4 =	sand.u32 $0x1, s4;
	s5 =	sadd.s32 $0x52A00, s0  }
0x5: {  	s0 =	sadd.s32 $0x66400, s0;
	s9 =	sshll.u32 s6, $0x8;
	s11 =	smul.u32 $0x270, s6  }
0x6: {  	s13 =	smul.u32 $0x4E000, s6;
	s23 =	sshll.u32 s6, $0x6;
	s24 =	ssub.s32 $0x11, s6  }
0x7: {  	s25 =	sadd.s32 $0x138000, s1;
	s31 =	sor.u32 $0x20, s6;
	s7 =	smul.u32 $0x4E200, s4  }
0x8: {  	p0 =	sne.s32 s6, $0x0;
	_ =	strace $0x8000004A;
	s19 =	smul.u32 $0x2710, s4  }
0x9: {  	s8 =	ssub.s32 $0x2, s4;
	s4 =	smul.u32 $0x138800, s4;
	[dreg:$0x7] =	wrdreg s25  }
0xa: {  	s26 =	sshrl.u32 s24, $0x4;
	[dreg:$0x3] =	wrdreg s31;
	s10 =	sshrl.u32 s8, $0x1  }
0xb: {  	s21 =	sshrl.u32 s13, $0x2;
	s29 =	sxor.u32 $0x1, s26;
	s9 =	sadd.s32 s9, s7  }
0xc: {  	s8 =	ssub.s32 s8, s10;
	s7 =	sadd.s32 s11, s19;
	s17 =	sadd.s32 s21, s1  }
0xd: {  	s4 =	sshrl.u32 s4, $0x3;
	s11 =	sor.u32 $0x6, s26;
	s19 =	simm.s32 $0x8  }
0xe: {  	s20 =	sadd.s32 $0x1000, s9;
	s12 =	sshrl.u32 s9, $0x3;
	s22 =	sshll.u32 s7, $0x4  }
0xf: {  	s4 =	sadd.s32 $0x27000, s4;
	s9 =	sadd.s32 $0x2000, s9;
	s15 =	smax.u32 s8, $0x1  }
0x10: {  	s18 =	sshrl.u32 s17, $0x3;
	s10 =	sshrl.u32 s20, $0x3;
	s12 =	sadd.s32 s5, s12  }
0x11: {  	s7 =	sadd.s32 s3, s22;
	s28 =	sadd.s32 s3, s4;
	[dreg:$0x4] =	wrdreg s12  }
0x12: {  	s13 =	sadd.s32 s0, s22;
	s0 =	sadd.s32 s0, s4;
	[dreg:$0x6] =	wrdreg s7  }
0x13: {  	s30 =	sshrl.u32 s9, $0x3;
	s20 =	simm.s32 $0x1;
	[dreg:$0x8] =	wrdreg s28  }
0x14: {  	s10 =	sadd.s32 s5, s10;
	s7 =	sor.u32 $0x1C08, s23;
	[dreg:$0x9] =	wrdreg s13  }
0x15: {  	s12 =	sor.u32 $0x6, s29;
	[dreg:$0xa] =	wrdreg s0;
	s16 =	sadd.s32 s30, s5  }
0x16: {  	s23 =	simm.s32 $0x0;
	[dreg:$0x5] =	wrdreg s10;
	s10 =	ssub.s32 $0x4E2, s6  }
.LBB2_1:
0x17: {  	s0 =	rddreg [dreg:$0x4]  }
0x18: {  	s13 =	rddreg [dreg:$0x5]  }
0x19: {  	[tilespmem:s2], [sflag:$0x1] =	stream.linear.gather [hbm4b:s0+s2], $0x100, $0x38;
	[tilespmem:$0x1BB80] =	vst v63  }
0x1a: {  	s4 =	simm.s32 $0x100;
	s14 =	rddreg [dreg:$0x6]  }
0x1b: {  	[tilespmem:s4], [sflag:$0x2] =	stream.linear.gather [hbm4b:s13+s2], $0x100, $0x38;
	[tilespmem:$0x1BB80] =	vst v63  }
0x1c: {  	[spmem:s18], [sflag:s7] =	dma.local [hbm:s14], $0x2700  }
0x1d: {  	_ =	swait.ge [sflag:s19], $0x2700  }
0x1e: {  	[sflag:s19] =	ssyncset.done $0x0;
	s0 =	rddreg [dreg:$0x7]  }
0x1f: {  	[sflag:s19] =	ssyncadd.s32 $0xFFFFD900;
	s24 =	sshrl.u32 @!p0 s0, $0x3;
	s0 =	rddreg [dreg:$0x8]  }
0x20: {  	[spmem:s24], [sflag:s7] =	dma.local @!p0 [hbm:s0], $0x100  }
0x21: {  	s0 =	simm.s32 @!p0 $0x8  }
0x22: {  	_ =	swait.ge @!p0 [sflag:s0], $0x100  }
0x23: {  	[sflag:s0] =	ssyncset.done @!p0 $0x0  }
0x24: {  	[sflag:s0] =	ssyncadd.s32 @!p0 $0xFFFFFF00  }
0x25: {  	_ =	swait.ge [sflag:s20], $0x100  }
0x26: {  	[sflag:s20] =	ssyncset.done $0x0  }
0x27: {  	s17 =	simm.s32 $0x80;
	s21 =	simm.s32 $0x300;
	[sflag:s20] =	ssyncadd.s32 $0xFFFFFF00  }
0x28: {  	[tilespmem:s21], [sflag:$0x4] =	stream.indirect.gather [hbm4b:s3+s17], $0x80, s2, s17, $0xb8;
	[tilespmem:$0x1BB80] =	vst v63  }
0x29: {  	s25 =	simm.s32 $0x1;
	s26 =	simm.s32 $0x2;
	[bflag:$0x0] =	sbarrier.arrive $0xFFFF  }
0x2a: {  	s28 =	simm.s32 $0x10;
	p2 =	sle.u32 s10, $0x10;
	s22 =	rddreg [dreg:$0x3]  }
0x2b: {  	p1 =	sle.u32 s10, $0x0;
	s29 =	sadd.s32 $0x200, s16;
	s0 =	sadd.s32 $0x0, s22  }
0x2c: {  	p3 =	por @!p2 $0x1, $0x1;
	s4 =	simm.s32 $0x2;
	p4 =	sgt.u32 s0, $0x4E1  }
0x2d: {  	p3 =	por p3, p2;
	s0 =	sand.u32 @!p2 $0x1, s25;
	s4 =	smul.u32 @!p4 $0xAB, s4  }
0x2e: {  	s30 =	simm.s32 $0x10;
	s6 =	sxor.u32 @!p3 $0xFFFFFFFF, s2;
	s5 =	sshll.u32 @!p2 s0, $0xE  }
0x2f: {  	s31 =	sor.u32 @!p2 $0x4, s0;
	s0 =	smul.u32 @!p2 $0xAB, s25;
	s4 =	sshrl.u32 @!p4 s4, $0x9  }
0x30: {  	s8 =	smul.u32 @!p1 $0xAB, s2;
	s6 =	sand.u32 @!p3 $0x1, s6;
	s4 =	sand.u32 @!p4 $0x7F, s4  }
0x31: {  	s21 =	sor.u32 @!p3 $0x6, s6;
	s0 =	sshrl.u32 @!p2 s0, $0x9;
	s4 =	smul.u32 @!p4 $0x3, s4  }
0x32: {  	s6 =	sshrl.u32 @!p1 s8, $0x9;
	s8 =	sand.u32 @!p1 $0x1, s2;
	s0 =	sand.u32 @!p2 $0x7F, s0  }
0x33: {  	s9 =	simm.s32 @!p4 $0x0;
	s0 =	smul.u32 @!p2 $0x3, s0;
	s4 =	ssub.s32 @!p4 $0x2, s4  }
0x34: {  	s17 =	sor.u32 @!p2 $0x300, s5;
	s5 =	sand.u32 @!p1 $0x7F, s6;
	s4 =	sand.u32 @!p4 $0xFF, s4  }
0x35: {  	s0 =	ssub.s32 @!p2 $0x1, s0;
	s6 =	sshll.u32 @!p4 s4, $0x8;
	s4 =	sadd.s32 @!p4 $0x1, s4  }
0x36: {  	[tilespmem:s6], [sflag:s4] =	stream.linear.gather @!p4 [hbm4b:s16+s9], $0x100, $0x38;
	[tilespmem:$0x1BB80] =	vst v63  }
0x37: {  	s0 =	sand.u32 @!p2 $0xFF, s0;
	s4 =	smul.u32 @!p1 $0x3, s5;
	_ =	swait.ge @!p3 [sflag:s21], $0x4000  }
0x38: {  	s22 =	simm.s32 @!p2 $0x80;
	s9 =	sadd.s32 @!p2 $0x1, s0;
	[sflag:s21] =	ssyncset.done @!p3 $0x0  }
0x39: {  	s6 =	sshll.u32 @!p2 s0, $0x8;
	s0 =	ssub.s32 @!p1 $0x0, s4;
	[sflag:s21] =	ssyncadd.s32 @!p3 $0xFFFFC000  }
0x3a: {  	s5 =	sshll.u32 @!p1 s8, $0xE;
	s0 =	sand.u32 @!p1 $0xFF, s0;
	_ =	swait.ge @!p2 [sflag:s9], $0x100  }
0x3b: {  	s21 =	sor.u32 @!p1 $0x4, s8;
	s4 =	sshll.u32 @!p1 s0, $0x8;
	[sflag:s9] =	ssyncset.done @!p2 $0x0  }
.LBB2_2:
0x3c: {  	[sflag:s9] =	ssyncadd.s32 @!p2 $0xFFFFFF00;
	s8 =	sor.u32 @!p1 $0x6, s8;
	s9 =	smov.u32 s26  }
0x3d: {  	s0 =	smov.u32 s25;
	s25 =	smov.u32 s26;
	s26 =	sadd.s32 $0x1, s26  }
0x3e: {  	s5 =	sor.u32 @!p1 $0x300, s5;
	s4 =	sor.u32 @!p1 $0x80, s4;
	s30 =	sadd.s32 $0x10, s30  }
0x3f: {  	[tilespmem:s17], [sflag:s31] =	stream.indirect.gather @!p2 [hbm4b:s3+s22], $0x80, s6, s22, $0xb8;
	[tilespmem:$0x1BB80] =	vst v63  }
0x40: {  	p3 =	sne.s32 s26, $0x4F;
	s6 =	simm.s32 @!p1 $0x80;
	p2 =	sge.u32 s30, s10  }
0x41: {  	s22 =	sadd.s32 $0x2, s0;
	_ =	swait.ge @!p1 [sflag:s21], $0x4000;
	p5 =	seq.s32 @!p2 s0, $0x0  }
0x42: {  	s17 =	smul.u32 @!p2 $0xAB, s9;
	s14 =	rddreg [dreg:$0x3];
	[sflag:s21] =	ssyncset.done @!p1 $0x0  }
0x43: {  	p5 =	por p5, p2;
	[sflag:s21] =	ssyncadd.s32 @!p1 $0xFFFFC000;
	s21 =	sadd.s32 s28, s14  }
0x44: {  	[spmem:s1] =	stream.indirect.scatter.add.f32 @!p1 [tilespmem:s5], [sflag:s8], $0x80, s4, s6, $0xb8;
	[tilespmem:$0x1BB80] =	vst v63  }
0x45: {  	s17 =	sshrl.u32 @!p2 s17, $0x9;
	s5 =	smov.u32 s29;
	p4 =	sgt.u32 s21, $0x4E1  }
0x46: {  	p1 =	sge.u32 s28, s10;
	s28 =	smov.u32 s30;
	s6 =	smul.u32 @!p4 $0xAB, s22  }
0x47: {  	s4 =	sand.u32 @!p2 $0x1, s9;
	s21 =	sxor.u32 @!p5 $0xFFFFFFFF, s0;
	s17 =	sand.u32 @!p2 $0x7F, s17  }
0x48: {  	s29 =	sadd.s32 $0x200, s29;
	s13 =	smul.u32 @!p1 $0xAB, s0;
	s6 =	sshrl.u32 @!p4 s6, $0x9  }
0x49: {  	s8 =	sshll.u32 @!p2 s4, $0xE;
	s14 =	smul.u32 @!p2 $0x3, s17;
	s6 =	sand.u32 @!p4 $0x7F, s6  }
0x4a: {  	s31 =	sor.u32 @!p2 $0x4, s4;
	s21 =	sand.u32 @!p5 $0x1, s21;
	s6 =	smul.u32 @!p4 $0x3, s6  }
0x4b: {  	s4 =	simm.s32 @!p4 $0x0;
	s21 =	sor.u32 @!p5 $0x6, s21;
	s17 =	sor.u32 @!p2 $0x300, s8  }
0x4c: {  	s8 =	sshrl.u32 @!p1 s13, $0x9;
	s9 =	ssub.s32 @!p2 s9, s14;
	s6 =	ssub.s32 @!p4 s22, s6  }
0x4d: {  	s8 =	sand.u32 @!p1 $0x7F, s8;
	s14 =	sand.u32 @!p2 $0xFF, s9;
	s6 =	sand.u32 @!p4 $0xFF, s6  }
0x4e: {  	s13 =	smul.u32 @!p1 $0x3, s8;
	s8 =	sshll.u32 @!p4 s6, $0x8;
	s6 =	sadd.s32 @!p4 $0x1, s6  }
0x4f: {  	[tilespmem:s8], [sflag:s6] =	stream.linear.gather @!p4 [hbm4b:s5+s4], $0x100, $0x38;
	[tilespmem:$0x1BB80] =	vst v63  }
.Ltmp0:
0x50: {  	s9 =	sadd.s32 @!p2 $0x1, s14;
	_ =	swait.ge @!p5 [sflag:s21], $0x4000;
	(pc) =	sbr.rel @p3 .LBB2_2-.Ltmp0, $4  }
0x51: {  	s22 =	simm.s32 @!p2 $0x80;
	s6 =	sshll.u32 @!p2 s14, $0x8;
	[sflag:s21] =	ssyncset.done @!p5 $0x0  }
0x52: {  	s8 =	sand.u32 @!p1 $0x1, s0;
	s0 =	ssub.s32 @!p1 s0, s13;
	[sflag:s21] =	ssyncadd.s32 @!p5 $0xFFFFC000  }
0x53: {  	s0 =	sand.u32 @!p1 $0xFF, s0;
	s5 =	sshll.u32 @!p1 s8, $0xE;
	_ =	swait.ge @!p2 [sflag:s9], $0x100  }
0x54: {  	s4 =	sshll.u32 @!p1 s0, $0x8;
	s21 =	sor.u32 @!p1 $0x4, s8;
	[sflag:s9] =	ssyncset.done @!p2 $0x0  }
0x55: {  	[sflag:s9] =	ssyncadd.s32 @!p2 $0xFFFFFF00  }
0x56: {  	[tilespmem:s17], [sflag:s31] =	stream.indirect.gather @!p2 [hbm4b:s3+s22], $0x80, s6, s22, $0xb8;
	[tilespmem:$0x1BB80] =	vst v63  }
0x57: {  	_ =	swait.ge @!p1 [sflag:s21], $0x4000  }
0x58: {  	s0 =	rddreg [dreg:$0x3]  }
0x59: {  	s0 =	sadd.s32 s28, s0  }
0x5a: {  	s6 =	sadd.s32 $0x2, s25;
	p2 =	sgt.u32 s0, $0x4E1  }
0x5b: {  	s0 =	smul.u32 @!p2 $0xAB, s6;
	_ =	sdelay $0x1  }
0x5c: {  	s8 =	sor.u32 @!p1 $0x6, s8;
	s9 =	simm.s32 @!p1 $0x80;
	s0 =	sshrl.u32 @!p2 s0, $0x9  }
0x5d: {  	s5 =	sor.u32 @!p1 $0x300, s5;
	[sflag:s21] =	ssyncset.done @!p1 $0x0;
	s0 =	sand.u32 @!p2 $0x7F, s0  }
0x5e: {  	s4 =	sor.u32 @!p1 $0x80, s4;
	[sflag:s21] =	ssyncadd.s32 @!p1 $0xFFFFC000;
	s0 =	smul.u32 @!p2 $0x3, s0  }
0x5f: {  	[spmem:s1] =	stream.indirect.scatter.add.f32 @!p1 [tilespmem:s5], [sflag:s8], $0x80, s4, s9, $0xb8;
	[tilespmem:$0x1BB80] =	vst v63  }
0x60: {  	s0 =	ssub.s32 @!p2 s6, s0  }
0x61: {  	s30 =	sadd.s32 $0x10, s30;
	s0 =	sand.u32 @!p2 $0xFF, s0  }
0x62: {  	s4 =	simm.s32 @!p2 $0x0;
	s5 =	sshll.u32 @!p2 s0, $0x8;
	s0 =	sadd.s32 @!p2 $0x1, s0  }
0x63: {  	[tilespmem:s5], [sflag:s0] =	stream.linear.gather @!p2 [hbm4b:s29+s4], $0x100, $0x38;
	[tilespmem:$0x1BB80] =	vst v63  }
0x64: {  	p2 =	sge.u32 s30, s10  }
0x65: {  	s0 =	smul.u32 @!p2 $0xAB, s26  }
0x66: {  	p1 =	seq.s32 @!p2 s25, $0x0  }
0x67: {  	p3 =	por p1, p2;
	s0 =	sshrl.u32 @!p2 s0, $0x9  }
0x68: {  	s4 =	sxor.u32 @!p3 $0xFFFFFFFF, s25;
	s0 =	sand.u32 @!p2 $0x7F, s0  }
0x69: {  	s4 =	sand.u32 @!p3 $0x1, s4;
	s0 =	smul.u32 @!p2 $0x3, s0  }
0x6a: {  	s4 =	sor.u32 @!p3 $0x6, s4  }
0x6b: {  	_ =	swait.ge @!p3 [sflag:s4], $0x4000;
	s0 =	ssub.s32 @!p2 s26, s0  }
0x6c: {  	s5 =	sand.u32 @!p2 $0x1, s26;
	[sflag:s4] =	ssyncset.done @!p3 $0x0;
	s0 =	sand.u32 @!p2 $0xFF, s0  }
0x6d: {  	p1 =	sge.u32 s28, s10;
	[sflag:s4] =	ssyncadd.s32 @!p3 $0xFFFFC000;
	s6 =	sadd.s32 @!p2 $0x1, s0  }
0x6e: {  	s8 =	smul.u32 @!p1 $0xAB, s25;
	s4 =	sshll.u32 @!p2 s5, $0xE;
	_ =	swait.ge @!p2 [sflag:s6], $0x100  }
0x6f: {  	s5 =	sor.u32 @!p2 $0x4, s5;
	s4 =	sor.u32 @!p2 $0x300, s4;
	[sflag:s6] =	ssyncset.done @!p2 $0x0  }
0x70: {  	s0 =	sshll.u32 @!p2 s0, $0x8;
	[sflag:s6] =	ssyncadd.s32 @!p2 $0xFFFFFF00;
	s6 =	simm.s32 @!p2 $0x80  }
0x71: {  	[tilespmem:s4], [sflag:s5] =	stream.indirect.gather @!p2 [hbm4b:s3+s6], $0x80, s0, s6, $0xb8;
	[tilespmem:$0x1BB80] =	vst v63  }
0x72: {  	s0 =	sshrl.u32 @!p1 s8, $0x9  }
0x73: {  	s0 =	sand.u32 @!p1 $0x7F, s0  }
0x74: {  	s0 =	smul.u32 @!p1 $0x3, s0  }
0x75: {  	s4 =	sand.u32 @!p1 $0x1, s25  }
0x76: {  	s5 =	sor.u32 @!p1 $0x4, s4;
	s6 =	sshll.u32 @!p1 s4, $0xE;
	s0 =	ssub.s32 @!p1 s25, s0  }
0x77: {  	s4 =	sor.u32 @!p1 $0x6, s4;
	_ =	swait.ge @!p1 [sflag:s5], $0x4000;
	s0 =	sand.u32 @!p1 $0xFF, s0  }
0x78: {  	s6 =	sor.u32 @!p1 $0x300, s6;
	[sflag:s5] =	ssyncset.done @!p1 $0x0;
	s0 =	sshll.u32 @!p1 s0, $0x8  }
0x79: {  	[sflag:s5] =	ssyncadd.s32 @!p1 $0xFFFFC000;
	s5 =	simm.s32 @!p1 $0x80;
	s0 =	sor.u32 @!p1 $0x80, s0  }
0x7a: {  	[spmem:s1] =	stream.indirect.scatter.add.f32 @!p1 [tilespmem:s6], [sflag:s4], $0x80, s0, s5, $0xb8;
	[tilespmem:$0x1BB80] =	vst v63  }
0x7b: {  	_ =	swait.ge [sflag:s11], $0x4000  }
0x7c: {  	[sflag:s11] =	ssyncset.done $0x0  }
0x7d: {  	[sflag:s11] =	ssyncadd.s32 $0xFFFFC000  }
0x7e: {  	_ =	swait.ge [sflag:s12], $0x4000  }
0x7f: {  	[sflag:s12] =	ssyncset.done $0x0  }
0x80: {  	[sflag:s12] =	ssyncadd.s32 $0xFFFFC000  }
0x81: {  	[bflag:$0x0] =	sbarrier.arrive $0xFFFF  }
0x82: {  	s31 =	rddreg [dreg:$0x9]  }
0x83: {  	[hbm:s31], [sflag:s7] =	dma.local [spmem:s18], $0x2700  }
0x84: {  	_ =	swait.ge [sflag:s19], $0x2700  }
0x85: {  	s23 =	sadd.s32 $0x1, s23;
	[sflag:s19] =	ssyncset.done $0x0  }
0x86: {  	p1 =	sne.s32 s23, s15;
	s0 =	rddreg [dreg:$0xa];
	[sflag:s19] =	ssyncadd.s32 $0xFFFFD900  }
0x87: {  	[hbm:s0], [sflag:s7] =	dma.local @!p0 [spmem:s24], $0x100  }
.Ltmp1:
0x88: {  	_ = 	snop;
	(pc) =	sbr.rel @p1 .LBB2_1-.Ltmp1, $4  }
0x89: {  	s0 =	simm.s32 @!p0 $0x8  }
0x8a: {  	_ =	swait.ge @!p0 [sflag:s0], $0x100  }
0x8b: {  	[sflag:s0] =	ssyncset.done @!p0 $0x0  }
0x8c: {  	[sflag:s0] =	ssyncadd.s32 @!p0 $0xFFFFFF00  }
0x8d: {  	_ =	sfence.sel $0x180000  }
0x8e: {  	[bflag:$0x0] =	sbarrier.arrive $0xFFFF  }
0x8f: {  	_ =	strace $0x9000004A  }
0x90: {  	[bflag:$0x2] =	sbarrier.arrive $0xFFFF  }
0x91: {  	s0 =	rddreg [dreg:$0x2]  }
0x92: {  	s0 =	sadd.s32 @!p0 $0x100000, s0  }
0x93: {  	[sflag:s0] =	ssyncadd.tile.s32 @!p0 $0x1;
	_ =	shalt  }
.Lfunc_end2:
_tile_overlayer_lowered:
.L_overlay_start_2:
0x94: {  	(tag) =	ssettag $0x2  }
0x95: {  	s0 =	rddreg [dreg:$0x0];
	s2 =	stileid.u32  }
0x96: {  	s1 =	rddreg [dreg:$0x1];
	p0 =	sne.s32 s2, $0x0  }
0x97: {  	s3 =	rddreg [dreg:$0x2];
	[bflag:$0x3] =	sbarrier.arrive $0xFFFF;
	s2 =	simm.s32 @!p0 $0x1C08  }
0x98: {  	[timem:s3], [sflag:s2] =	dma.local @!p0 [hbm:s0], s1  }
0x99: {  	s0 =	simm.s32 @!p0 $0x8  }
0x9a: {  	_ =	swait.ge @!p0 [sflag:s0], s1  }
0x9b: {  	s1 =	ssub.s32 @!p0 $0x0, s1;
	[sflag:s0] =	ssyncset.done @!p0 $0x0  }
0x9c: {  	[sflag:s0] =	ssyncadd.s32 @!p0 s1  }
0x9d: {  	[bflag:$0x3] =	sbarrier.arrive $0xFFFF  }
0x9e: {  	_ =	shalt  }

// kernel: kernel.18.cloned.1.call-start
scs
__scs_entry_jumppad:
0x0: {  	(pc) =	sbr.rel $0x88, $3  }
0x1: {  	(tag) =	ssettag $0x0;
	lr =	simm.s32 $0x1  }
0x2: {  	[smem:$0x3F8D] =	sst lr;
	_ =	strace $0xD0000000  }
0x3: {  	_ = 	snop  }
0x4: {  	_ = 	snop  }
0x5: {  	_ = 	snop  }
0x6: {  	_ = 	snop  }
0x7: {  	_ = 	snop  }
__scs_overlays_trampoline_lowered:
0x8: {  	[smem:$0x3F9C] =	sst s0  }
0x9: {  	[smem:$0x3F9D] =	sst s1  }
0xa: {  	[smem:$0x3F9E] =	sst s2  }
0xb: {  	[smem:$0x3F9F] =	sst s3  }
0xc: {  	[smem:$0x3FA0] =	sst s4  }
0xd: {  	[smem:$0x3FA1] =	sst s5  }
0xe: {  	[smem:$0x3FA2] =	sst s6  }
0xf: {  	[smem:$0x3FA3] =	sst s7  }
0x10: {  	[smem:$0x3FA4] =	sst s8  }
0x11: {  	[smem:$0x3FA5] =	sst s9;
	s0 =	simm.s32 @!p0 $0x0  }
0x12: {  	s1 =	sld [smem:$0x3F8B];
	s0 =	simm.s32 @p0 $0x1  }
0x13: {  	[smem:$0x3FA6] =	sst s0;
	s0 =	simm.s32 @!p1 $0x0  }
0x14: {  	s2 =	sld [smem:$0x3F8A];
	s0 =	simm.s32 @p1 $0x1  }
0x15: {  	[smem:$0x3FA7] =	sst s0;
	s0 =	simm.s32 @!p2 $0x0  }
0x16: {  	s3 =	sld [smem:$0x3FDB];
	s0 =	simm.s32 @p2 $0x1  }
0x17: {  	s4 =	simm.s32 $0x1BF5;
	[smem:$0x3FA9] =	sst s0  }
0x18: {  	s0 =	sld [smem:$0x3F8C];
	_ =	swait.ge [sflag:s4], $0x0  }
0x19: {  	s7 =	sld [smem:$0x3F8D]  }
0x1a: {  	s8 =	sadd.s32 $0xFFFFE003, lr  }
0x1b: {  	s9 =	sadd.s32 $0xFFFFFEF7, lr;
	s5 =	simm.s32 $0xFFFFFFFF;
	p2 =	slt.u32 s8, $0xFFFFF086  }
0x1c: {  	p1 =	slt.u32 s9, $0xF7A;
	s5 =	simm.s32 @!p2 $0x0  }
0x1d: {  	s5 =	simm.s32 @p1 $0x1;
	p0 =	seq.s32 s7, s2  }
0x1e: {  	s7 =	smul.u32 @!p0 $0xF7A, s2;
	p2 =	seq.s32 @!p0 s5, $0x0  }
0x1f: {  	s9 =	smul.u32 $0xF7A, s1;
	s8 =	simm.s32 @!p0 $0x1BF5;
	p2 =	por !p2, p0  }
0x20: {  	[sflag:s8] =	ssyncset.s32 @!p0 $0xFFFFF086;
	s6 =	sadd.s32 @!p0 s3, s7;
	s7 =	simm.s32 @!p0 $0x108  }
0x21: {  	s3 =	sadd.s32 s3, s9;
	s6 =	sadd.s32 @!p0 $0x88, s6;
	s7 =	simm.s32 @p2 $0x1082  }
0x22: {  	[simem:s7], [sflag:s8] =	dma.local @!p0 [hbm:s6], $0xF7A  }
0x23: {  	s9 =	sor.u32 $0xD0000000, s2;
	s6 =	simm.s32 $0x108;
	_ =	swait.ge @!p0 [sflag:s8], $0x0  }
0x24: {  	s3 =	sadd.s32 $0x88, s3;
	s6 =	simm.s32 @!p1 $0x1082;
	[sflag:s4] =	ssyncset.s32 $0xFFFFF086  }
0x25: {  	[simem:s6], [sflag:s4] =	dma.local [hbm:s3], $0xF7A  }
0x26: {  	[smem:$0x3F8D] =	sst s1;
	(tag) =	ssettag s2;
	_ =	strace s9  }
0x27: {  	s1 =	sld [smem:$0x3F9D]  }
0x28: {  	s2 =	sld [smem:$0x3F9E]  }
0x29: {  	s4 =	sld [smem:$0x3FA0]  }
0x2a: {  	p0 =	seq.s32 s5, $0x0;
	s5 =	sld [smem:$0x3FA1]  }
0x2b: {  	s6 =	sld [smem:$0x3FA2]  }
0x2c: {  	s7 =	sld [smem:$0x3FA3]  }
0x2d: {  	s3 =	simm.s32 $0x108;
	s8 =	sld [smem:$0x3FA4]  }
0x2e: {  	s3 =	simm.s32 @!p0 $0x1082;
	s9 =	sld [smem:$0x3FA5]  }
0x2f: {  	lr =	sadd.s32 s0, s3;
	s0 =	sld [smem:$0x3F9C]  }
0x30: {  	s3 =	sld [smem:$0x3F9F]  }
0x31: {  	[smem:$0x3FA8] =	sst s10  }
0x32: {  	s10 =	sld [smem:$0x3FA6];
	_ =	sdelay $0x3  }
0x33: {  	p0 =	seq.s32 s10, $0x1;
	s10 =	sld [smem:$0x3FA8];
	_ =	sdelay $0x3  }
0x34: {  	[smem:$0x3FA8] =	sst s10  }
0x35: {  	s10 =	sld [smem:$0x3FA7];
	_ =	sdelay $0x3  }
0x36: {  	p1 =	seq.s32 s10, $0x1;
	s10 =	sld [smem:$0x3FA8];
	_ =	sdelay $0x3  }
0x37: {  	[smem:$0x3FA8] =	sst s10  }
0x38: {  	s10 =	sld [smem:$0x3FA9]  }
0x39: {  	_ = 	snop;
	(pc) =	sbr.ind lr, $3  }
0x3a: {  	_ = 	snop  }
0x3b: {  	_ = 	snop  }
0x3c: {  	p2 =	seq.s32 s10, $0x1;
	s10 =	sld [smem:$0x3FA8]  }
0x3d: {  	_ =	shalt  }
0x3e: {  	_ =	shalt  }
0x3f: {  	_ =	shalt  }
0x40: {  	_ =	shalt  }
0x41: {  	_ =	shalt  }
0x42: {  	_ =	shalt  }
0x43: {  	_ =	shalt  }
0x44: {  	_ =	shalt  }
0x45: {  	_ =	shalt  }
0x46: {  	_ =	shalt  }
0x47: {  	_ =	shalt  }
0x48: {  	_ =	shalt  }
0x49: {  	_ =	shalt  }
0x4a: {  	_ =	shalt  }
0x4b: {  	_ =	shalt  }
0x4c: {  	_ =	shalt  }
0x4d: {  	_ =	shalt  }
0x4e: {  	_ =	shalt  }
0x4f: {  	_ =	shalt  }
0x50: {  	_ =	shalt  }
0x51: {  	_ =	shalt  }
0x52: {  	_ =	shalt  }
0x53: {  	_ =	shalt  }
0x54: {  	_ =	shalt  }
0x55: {  	_ =	shalt  }
0x56: {  	_ =	shalt  }
0x57: {  	_ =	shalt  }
0x58: {  	_ =	shalt  }
0x59: {  	_ =	shalt  }
0x5a: {  	_ =	shalt  }
0x5b: {  	_ =	shalt  }
0x5c: {  	_ =	shalt  }
0x5d: {  	_ =	shalt  }
0x5e: {  	_ =	shalt  }
0x5f: {  	_ =	shalt  }
0x60: {  	_ =	shalt  }
0x61: {  	_ =	shalt  }
0x62: {  	_ =	shalt  }
0x63: {  	_ =	shalt  }
0x64: {  	_ =	shalt  }
0x65: {  	_ =	shalt  }
0x66: {  	_ =	shalt  }
0x67: {  	_ =	shalt  }
0x68: {  	_ =	shalt  }
0x69: {  	_ =	shalt  }
0x6a: {  	_ =	shalt  }
0x6b: {  	_ =	shalt  }
0x6c: {  	_ =	shalt  }
0x6d: {  	_ =	shalt  }
0x6e: {  	_ =	shalt  }
0x6f: {  	_ =	shalt  }
0x70: {  	_ =	shalt  }
0x71: {  	_ =	shalt  }
0x72: {  	_ =	shalt  }
0x73: {  	_ =	shalt  }
0x74: {  	_ =	shalt  }
0x75: {  	_ =	shalt  }
0x76: {  	_ =	shalt  }
0x77: {  	_ =	shalt  }
0x78: {  	_ =	shalt  }
0x79: {  	_ =	shalt  }
0x7a: {  	_ =	shalt  }
0x7b: {  	_ =	shalt  }
0x7c: {  	_ =	shalt  }
0x7d: {  	_ =	shalt  }
0x7e: {  	_ =	shalt  }
0x7f: {  	_ =	shalt  }
0x80: {  	_ =	shalt  }
0x81: {  	_ =	shalt  }
0x82: {  	_ =	shalt  }
0x83: {  	_ =	shalt  }
0x84: {  	_ =	shalt  }
0x85: {  	_ =	shalt  }
0x86: {  	_ =	shalt  }
0x87: {  	_ =	shalt  }
.Lfunc_end0:
.L_simem_size_0:
called_computation.2_lowered:
.L_overlay_start_0:
0x88: {  	s2 =	sld [smem:$0x3FD9]  }
0x89: {  	s3 =	sld [smem:$0x3FFE];
	_ =	sdelay $0x1  }
0x8a: {  	s1 =	srdreg.scid  }
0x8b: {  	s0 =	sand.u32 $0x1, s1  }
0x8c: {  	s16 =	sshll.u32 s0, $0xA;
	s2 =	sadd.s32 s3, s2  }
0x8d: {  	s2 =	sadd.s32 s2, s16  }
0x8e: {  	[smem:$0x3FB4] =	sst s2  }
0x8f: {  	_ = 	snop  }
0x90: {  	(tm) =	ssettm $0x1  }
0x91: {  	s17 =	sld [smem:$0x3FFB];
	_ =	sdelay $0x3  }
0x92: {  	_ =	strace s17  }
0x93: {  	s2 =	sld [smem:$0x3FFC];
	_ =	sdelay $0x3  }
0x94: {  	_ =	strace s2  }
0x95: {  	s2 =	sld [smem:$0x3FFD];
	_ =	sdelay $0x3  }
0x96: {  	_ =	strace s2  }
0x97: {  	_ =	strace $0x8FFFFFFF  }
0x98: {  	s18 =	sld [smem:$0x3FDB];
	_ =	sdelay $0x1  }
0x99: {  	s19 =	simm.s32 $_scs_section_size  }
0x9a: {  	s4 =	simm.s32 $_size__tile_overlayer_lowered;
	s5 =	simm.s32 $_tile_overlayer_lowered  }
0x9b: {  	s22 =	simm.s32 $0x1BFF;
	s21 =	sshll.u32 s5, $0x1;
	s2 =	sadd.s32 s19, s18  }
0x9c: {  	s6 =	simm.s32 $0x0;
	s20 =	sshll.u32 s4, $0x1;
	s4 =	sadd.s32 s21, s2  }
0x9d: {  	[timem:s6], [sflag:s22] =	dma.local [hbm:s4], s20  }
0x9e: {  	_ =	swait.ge [sflag:s22], s20  }
0x9f: {  	s3 =	ssub.s32 $0x0, s20;
	[sflag:s22] =	ssyncset.done $0x0  }
0xa0: {  	[sflag:s22] =	ssyncadd.s32 s3;
	_ =	sdelay $0x1  }
0xa1: {  	s23 =	simm.s32 $0x1B8B  }
0xa2: {  	_ =	swait.ge [sflag:s23], $0x1  }
0xa3: {  	[sflag:s23] =	ssyncset.done $0x0  }
0xa4: {  	s25 =	simm.s32 $0x1B8E;
	s24 =	sld [smem:$0x3FFE];
	[sflag:s23] =	ssyncadd.s32 $0xFFFFFFFF  }
0xa5: {  	s26 =	simm.s32 $execute0_lowered;
	[smem:$0x3FD2] =	sst s25  }
0xa6: {  	s4 =	sshll.u32 s26, $0x1;
	_ =	strace $0x8000004C;
	[dreg:$0x1] =	wrdreg $0xFFFFFFFF  }
0xa7: {  	s28 =	simm.s32 $_size_execute0_lowered;
	s2 =	sadd.s32 s2, s4;
	[dreg:$0x0] =	wrdreg $0x0  }
0xa8: {  	s4 =	sshll.u32 s28, $0x1;
	[dreg:$0x2] =	wrdreg s2  }
0xa9: {  	[dreg:$0x3] =	wrdreg s4  }
0xaa: {  	[dreg:$0x4] =	wrdreg $0xC0  }
0xab: {  	_ =	task [dreg:s6], $0x5FFFF  }
0xac: {  	[dreg:$0x1] =	wrdreg $0xFFFFFFFF  }
0xad: {  	[dreg:$0x0] =	wrdreg $0x60  }
0xae: {  	[dreg:$0x2] =	wrdreg s24  }
0xaf: {  	[dreg:$0x3] =	wrdreg $0x83000  }
0xb0: {  	[dreg:$0x4] =	wrdreg $0x9  }
0xb1: {  	_ =	task.clear_ibuf [dreg:s6], $0x5FFFF;
	_ =	strace $0x9000004C  }
0xb2: {  	s29 =	simm.s32 $0x9;
	_ =	strace $0x8000004E  }
0xb3: {  	_ =	swait.ge [sflag:s29], $0x1  }
0xb4: {  	[sflag:s29] =	ssyncadd.s32 $0xFFFFFFFF  }
0xb5: {  	_ =	strace $0x9000004E  }
0xb6: {  	_ =	sfence  }
0xb7: {  	s30 =	sld [smem:$0x0];
	_ =	sdelay $0x2  }
0xb8: {  	s31 =	sshll.u32 s1, $0xD;
	s1 =	sshrl.u32 s1, $0x2  }
0xb9: {  	s3 =	sand.u32 $0x4000, s31;
	s1 =	sadd.s32 s1, s30  }
0xba: {  	s0 =	sor.u32 s3, s0;
	s1 =	sshll.u32 s1, $0x11  }
0xbb: {  	s0 =	sor.u32 s1, s0  }
0xbc: {  	s0 =	sadd.s32 $0x8F2B, s0  }
0xbd: {  	[sflag:s0] =	ssyncadd.remote.s32 $0x1  }
0xbe: {  	_ =	sfence.sel $0xFFFF  }
0xbf: {  	[dreg:$0x0] =	wrdreg $0xFFFFFFFF;
	(pc) =	sbr.abs _section_cstart, $3  }
0xc0: {  	[dreg:$0x1] =	wrdreg $0xFFFFFFFF  }
0xc1: {  	_ =	task.clear_ibuf [dreg:s6], $0x2FFFF;
	_ =	strace $0x9FFFFFFF  }
0xc2: {  	(tm) =	ssettm $0x7FFFFFFF  }
0xc3: {  	_ =	shalt  }
tec
execute0_lowered:
.L_overlay_start_1:
0x0: {  	(tag) =	ssettag $0x1  }
0x1: {  	s0 =	rddreg [dreg:$0x0]  }
0x2: {  	s1 =	rddreg [dreg:$0x1];
	s2 =	simm.s32 $0x0;
	s4 =	srdreg.scid  }
0x3: {  	s6 =	stileid.u32;
	[smem:$0x7FF] =	sst s2  }
0x4: {  	s3 =	sadd.s32 $0x4800, s0;
	s4 =	sand.u32 $0x1, s4;
	s5 =	sadd.s32 $0x52A00, s0  }
0x5: {  	s0 =	sadd.s32 $0x66400, s0;
	s9 =	sshll.u32 s6, $0x8;
	s11 =	smul.u32 $0x270, s6  }
0x6: {  	s13 =	smul.u32 $0x4E000, s6;
	s23 =	sshll.u32 s6, $0x6;
	s24 =	ssub.s32 $0x11, s6  }
0x7: {  	s25 =	sadd.s32 $0x138000, s1;
	s31 =	sor.u32 $0x20, s6;
	s7 =	smul.u32 $0x4E200, s4  }
0x8: {  	p0 =	sne.s32 s6, $0x0;
	_ =	strace $0x8000004D;
	s19 =	smul.u32 $0x2710, s4  }
0x9: {  	s8 =	ssub.s32 $0x2, s4;
	s4 =	smul.u32 $0x138800, s4;
	[dreg:$0x7] =	wrdreg s25  }
0xa: {  	s26 =	sshrl.u32 s24, $0x4;
	[dreg:$0x3] =	wrdreg s31;
	s10 =	sshrl.u32 s8, $0x1  }
0xb: {  	s21 =	sshrl.u32 s13, $0x2;
	s29 =	sxor.u32 $0x1, s26;
	s9 =	sadd.s32 s9, s7  }
0xc: {  	s8 =	ssub.s32 s8, s10;
	s7 =	sadd.s32 s11, s19;
	s17 =	sadd.s32 s21, s1  }
0xd: {  	s4 =	sshrl.u32 s4, $0x3;
	s11 =	sor.u32 $0x6, s26;
	s19 =	simm.s32 $0x8  }
0xe: {  	s20 =	sadd.s32 $0x1000, s9;
	s12 =	sshrl.u32 s9, $0x3;
	s22 =	sshll.u32 s7, $0x4  }
0xf: {  	s4 =	sadd.s32 $0x27000, s4;
	s9 =	sadd.s32 $0x2000, s9;
	s15 =	smax.u32 s8, $0x1  }
0x10: {  	s18 =	sshrl.u32 s17, $0x3;
	s10 =	sshrl.u32 s20, $0x3;
	s12 =	sadd.s32 s5, s12  }
0x11: {  	s7 =	sadd.s32 s3, s22;
	s28 =	sadd.s32 s3, s4;
	[dreg:$0x4] =	wrdreg s12  }
0x12: {  	s13 =	sadd.s32 s0, s22;
	s0 =	sadd.s32 s0, s4;
	[dreg:$0x6] =	wrdreg s7  }
0x13: {  	s30 =	sshrl.u32 s9, $0x3;
	s20 =	simm.s32 $0x1;
	[dreg:$0x8] =	wrdreg s28  }
0x14: {  	s10 =	sadd.s32 s5, s10;
	s7 =	sor.u32 $0x1C08, s23;
	[dreg:$0x9] =	wrdreg s13  }
0x15: {  	s12 =	sor.u32 $0x6, s29;
	[dreg:$0xa] =	wrdreg s0;
	s16 =	sadd.s32 s30, s5  }
0x16: {  	s23 =	simm.s32 $0x0;
	[dreg:$0x5] =	wrdreg s10;
	s10 =	ssub.s32 $0x4E2, s6  }
.LBB2_1:
0x17: {  	s0 =	rddreg [dreg:$0x4]  }
0x18: {  	s13 =	rddreg [dreg:$0x5]  }
0x19: {  	[tilespmem:s2], [sflag:$0x1] =	stream.linear.gather [hbm4b:s0+s2], $0x100, $0x38;
	[tilespmem:$0x1BB80] =	vst v63  }
0x1a: {  	s4 =	simm.s32 $0x100;
	s14 =	rddreg [dreg:$0x6]  }
0x1b: {  	[tilespmem:s4], [sflag:$0x2] =	stream.linear.gather [hbm4b:s13+s2], $0x100, $0x38;
	[tilespmem:$0x1BB80] =	vst v63  }
0x1c: {  	[spmem:s18], [sflag:s7] =	dma.local [hbm:s14], $0x2700  }
0x1d: {  	_ =	swait.ge [sflag:s19], $0x2700  }
0x1e: {  	[sflag:s19] =	ssyncset.done $0x0;
	s0 =	rddreg [dreg:$0x7]  }
0x1f: {  	[sflag:s19] =	ssyncadd.s32 $0xFFFFD900;
	s24 =	sshrl.u32 @!p0 s0, $0x3;
	s0 =	rddreg [dreg:$0x8]  }
0x20: {  	[spmem:s24], [sflag:s7] =	dma.local @!p0 [hbm:s0], $0x100  }
0x21: {  	s0 =	simm.s32 @!p0 $0x8  }
0x22: {  	_ =	swait.ge @!p0 [sflag:s0], $0x100  }
0x23: {  	[sflag:s0] =	ssyncset.done @!p0 $0x0  }
0x24: {  	[sflag:s0] =	ssyncadd.s32 @!p0 $0xFFFFFF00  }
0x25: {  	_ =	swait.ge [sflag:s20], $0x100  }
0x26: {  	[sflag:s20] =	ssyncset.done $0x0  }
0x27: {  	s17 =	simm.s32 $0x80;
	s21 =	simm.s32 $0x300;
	[sflag:s20] =	ssyncadd.s32 $0xFFFFFF00  }
0x28: {  	[tilespmem:s21], [sflag:$0x4] =	stream.indirect.gather [hbm4b:s3+s17], $0x80, s2, s17, $0xb8;
	[tilespmem:$0x1BB80] =	vst v63  }
0x29: {  	s25 =	simm.s32 $0x1;
	s26 =	simm.s32 $0x2;
	[bflag:$0x0] =	sbarrier.arrive $0xFFFF  }
0x2a: {  	s28 =	simm.s32 $0x10;
	p2 =	sle.u32 s10, $0x10;
	s22 =	rddreg [dreg:$0x3]  }
0x2b: {  	p1 =	sle.u32 s10, $0x0;
	s29 =	sadd.s32 $0x200, s16;
	s0 =	sadd.s32 $0x0, s22  }
0x2c: {  	p3 =	por @!p2 $0x1, $0x1;
	s4 =	simm.s32 $0x2;
	p4 =	sgt.u32 s0, $0x4E1  }
0x2d: {  	p3 =	por p3, p2;
	s0 =	sand.u32 @!p2 $0x1, s25;
	s4 =	smul.u32 @!p4 $0xAB, s4  }
0x2e: {  	s30 =	simm.s32 $0x10;
	s6 =	sxor.u32 @!p3 $0xFFFFFFFF, s2;
	s5 =	sshll.u32 @!p2 s0, $0xE  }
0x2f: {  	s31 =	sor.u32 @!p2 $0x4, s0;
	s0 =	smul.u32 @!p2 $0xAB, s25;
	s4 =	sshrl.u32 @!p4 s4, $0x9  }
0x30: {  	s8 =	smul.u32 @!p1 $0xAB, s2;
	s6 =	sand.u32 @!p3 $0x1, s6;
	s4 =	sand.u32 @!p4 $0x7F, s4  }
0x31: {  	s21 =	sor.u32 @!p3 $0x6, s6;
	s0 =	sshrl.u32 @!p2 s0, $0x9;
	s4 =	smul.u32 @!p4 $0x3, s4  }
0x32: {  	s6 =	sshrl.u32 @!p1 s8, $0x9;
	s8 =	sand.u32 @!p1 $0x1, s2;
	s0 =	sand.u32 @!p2 $0x7F, s0  }
0x33: {  	s9 =	simm.s32 @!p4 $0x0;
	s0 =	smul.u32 @!p2 $0x3, s0;
	s4 =	ssub.s32 @!p4 $0x2, s4  }
0x34: {  	s17 =	sor.u32 @!p2 $0x300, s5;
	s5 =	sand.u32 @!p1 $0x7F, s6;
	s4 =	sand.u32 @!p4 $0xFF, s4  }
0x35: {  	s0 =	ssub.s32 @!p2 $0x1, s0;
	s6 =	sshll.u32 @!p4 s4, $0x8;
	s4 =	sadd.s32 @!p4 $0x1, s4  }
0x36: {  	[tilespmem:s6], [sflag:s4] =	stream.linear.gather @!p4 [hbm4b:s16+s9], $0x100, $0x38;
	[tilespmem:$0x1BB80] =	vst v63  }
0x37: {  	s0 =	sand.u32 @!p2 $0xFF, s0;
	s4 =	smul.u32 @!p1 $0x3, s5;
	_ =	swait.ge @!p3 [sflag:s21], $0x4000  }
0x38: {  	s22 =	simm.s32 @!p2 $0x80;
	s9 =	sadd.s32 @!p2 $0x1, s0;
	[sflag:s21] =	ssyncset.done @!p3 $0x0  }
0x39: {  	s6 =	sshll.u32 @!p2 s0, $0x8;
	s0 =	ssub.s32 @!p1 $0x0, s4;
	[sflag:s21] =	ssyncadd.s32 @!p3 $0xFFFFC000  }
0x3a: {  	s5 =	sshll.u32 @!p1 s8, $0xE;
	s0 =	sand.u32 @!p1 $0xFF, s0;
	_ =	swait.ge @!p2 [sflag:s9], $0x100  }
0x3b: {  	s21 =	sor.u32 @!p1 $0x4, s8;
	s4 =	sshll.u32 @!p1 s0, $0x8;
	[sflag:s9] =	ssyncset.done @!p2 $0x0  }
.LBB2_2:
0x3c: {  	[sflag:s9] =	ssyncadd.s32 @!p2 $0xFFFFFF00;
	s8 =	sor.u32 @!p1 $0x6, s8;
	s9 =	smov.u32 s26  }
0x3d: {  	s0 =	smov.u32 s25;
	s25 =	smov.u32 s26;
	s26 =	sadd.s32 $0x1, s26  }
0x3e: {  	s5 =	sor.u32 @!p1 $0x300, s5;
	s4 =	sor.u32 @!p1 $0x80, s4;
	s30 =	sadd.s32 $0x10, s30  }
0x3f: {  	[tilespmem:s17], [sflag:s31] =	stream.indirect.gather @!p2 [hbm4b:s3+s22], $0x80, s6, s22, $0xb8;
	[tilespmem:$0x1BB80] =	vst v63  }
0x40: {  	p3 =	sne.s32 s26, $0x4F;
	s6 =	simm.s32 @!p1 $0x80;
	p2 =	sge.u32 s30, s10  }
0x41: {  	s22 =	sadd.s32 $0x2, s0;
	_ =	swait.ge @!p1 [sflag:s21], $0x4000;
	p5 =	seq.s32 @!p2 s0, $0x0  }
0x42: {  	s17 =	smul.u32 @!p2 $0xAB, s9;
	s14 =	rddreg [dreg:$0x3];
	[sflag:s21] =	ssyncset.done @!p1 $0x0  }
0x43: {  	p5 =	por p5, p2;
	[sflag:s21] =	ssyncadd.s32 @!p1 $0xFFFFC000;
	s21 =	sadd.s32 s28, s14  }
0x44: {  	[spmem:s1] =	stream.indirect.scatter.add.f32 @!p1 [tilespmem:s5], [sflag:s8], $0x80, s4, s6, $0xb8;
	[tilespmem:$0x1BB80] =	vst v63  }
0x45: {  	s17 =	sshrl.u32 @!p2 s17, $0x9;
	s5 =	smov.u32 s29;
	p4 =	sgt.u32 s21, $0x4E1  }
0x46: {  	p1 =	sge.u32 s28, s10;
	s28 =	smov.u32 s30;
	s6 =	smul.u32 @!p4 $0xAB, s22  }
0x47: {  	s4 =	sand.u32 @!p2 $0x1, s9;
	s21 =	sxor.u32 @!p5 $0xFFFFFFFF, s0;
	s17 =	sand.u32 @!p2 $0x7F, s17  }
0x48: {  	s29 =	sadd.s32 $0x200, s29;
	s13 =	smul.u32 @!p1 $0xAB, s0;
	s6 =	sshrl.u32 @!p4 s6, $0x9  }
0x49: {  	s8 =	sshll.u32 @!p2 s4, $0xE;
	s14 =	smul.u32 @!p2 $0x3, s17;
	s6 =	sand.u32 @!p4 $0x7F, s6  }
0x4a: {  	s31 =	sor.u32 @!p2 $0x4, s4;
	s21 =	sand.u32 @!p5 $0x1, s21;
	s6 =	smul.u32 @!p4 $0x3, s6  }
0x4b: {  	s4 =	simm.s32 @!p4 $0x0;
	s21 =	sor.u32 @!p5 $0x6, s21;
	s17 =	sor.u32 @!p2 $0x300, s8  }
0x4c: {  	s8 =	sshrl.u32 @!p1 s13, $0x9;
	s9 =	ssub.s32 @!p2 s9, s14;
	s6 =	ssub.s32 @!p4 s22, s6  }
0x4d: {  	s8 =	sand.u32 @!p1 $0x7F, s8;
	s14 =	sand.u32 @!p2 $0xFF, s9;
	s6 =	sand.u32 @!p4 $0xFF, s6  }
0x4e: {  	s13 =	smul.u32 @!p1 $0x3, s8;
	s8 =	sshll.u32 @!p4 s6, $0x8;
	s6 =	sadd.s32 @!p4 $0x1, s6  }
0x4f: {  	[tilespmem:s8], [sflag:s6] =	stream.linear.gather @!p4 [hbm4b:s5+s4], $0x100, $0x38;
	[tilespmem:$0x1BB80] =	vst v63  }
.Ltmp0:
0x50: {  	s9 =	sadd.s32 @!p2 $0x1, s14;
	_ =	swait.ge @!p5 [sflag:s21], $0x4000;
	(pc) =	sbr.rel @p3 .LBB2_2-.Ltmp0, $4  }
0x51: {  	s22 =	simm.s32 @!p2 $0x80;
	s6 =	sshll.u32 @!p2 s14, $0x8;
	[sflag:s21] =	ssyncset.done @!p5 $0x0  }
0x52: {  	s8 =	sand.u32 @!p1 $0x1, s0;
	s0 =	ssub.s32 @!p1 s0, s13;
	[sflag:s21] =	ssyncadd.s32 @!p5 $0xFFFFC000  }
0x53: {  	s0 =	sand.u32 @!p1 $0xFF, s0;
	s5 =	sshll.u32 @!p1 s8, $0xE;
	_ =	swait.ge @!p2 [sflag:s9], $0x100  }
0x54: {  	s4 =	sshll.u32 @!p1 s0, $0x8;
	s21 =	sor.u32 @!p1 $0x4, s8;
	[sflag:s9] =	ssyncset.done @!p2 $0x0  }
0x55: {  	[sflag:s9] =	ssyncadd.s32 @!p2 $0xFFFFFF00  }
0x56: {  	[tilespmem:s17], [sflag:s31] =	stream.indirect.gather @!p2 [hbm4b:s3+s22], $0x80, s6, s22, $0xb8;
	[tilespmem:$0x1BB80] =	vst v63  }
0x57: {  	_ =	swait.ge @!p1 [sflag:s21], $0x4000  }
0x58: {  	s0 =	rddreg [dreg:$0x3]  }
0x59: {  	s0 =	sadd.s32 s28, s0  }
0x5a: {  	s6 =	sadd.s32 $0x2, s25;
	p2 =	sgt.u32 s0, $0x4E1  }
0x5b: {  	s0 =	smul.u32 @!p2 $0xAB, s6;
	_ =	sdelay $0x1  }
0x5c: {  	s8 =	sor.u32 @!p1 $0x6, s8;
	s9 =	simm.s32 @!p1 $0x80;
	s0 =	sshrl.u32 @!p2 s0, $0x9  }
0x5d: {  	s5 =	sor.u32 @!p1 $0x300, s5;
	[sflag:s21] =	ssyncset.done @!p1 $0x0;
	s0 =	sand.u32 @!p2 $0x7F, s0  }
0x5e: {  	s4 =	sor.u32 @!p1 $0x80, s4;
	[sflag:s21] =	ssyncadd.s32 @!p1 $0xFFFFC000;
	s0 =	smul.u32 @!p2 $0x3, s0  }
0x5f: {  	[spmem:s1] =	stream.indirect.scatter.add.f32 @!p1 [tilespmem:s5], [sflag:s8], $0x80, s4, s9, $0xb8;
	[tilespmem:$0x1BB80] =	vst v63  }
0x60: {  	s0 =	ssub.s32 @!p2 s6, s0  }
0x61: {  	s30 =	sadd.s32 $0x10, s30;
	s0 =	sand.u32 @!p2 $0xFF, s0  }
0x62: {  	s4 =	simm.s32 @!p2 $0x0;
	s5 =	sshll.u32 @!p2 s0, $0x8;
	s0 =	sadd.s32 @!p2 $0x1, s0  }
0x63: {  	[tilespmem:s5], [sflag:s0] =	stream.linear.gather @!p2 [hbm4b:s29+s4], $0x100, $0x38;
	[tilespmem:$0x1BB80] =	vst v63  }
0x64: {  	p2 =	sge.u32 s30, s10  }
0x65: {  	s0 =	smul.u32 @!p2 $0xAB, s26  }
0x66: {  	p1 =	seq.s32 @!p2 s25, $0x0  }
0x67: {  	p3 =	por p1, p2;
	s0 =	sshrl.u32 @!p2 s0, $0x9  }
0x68: {  	s4 =	sxor.u32 @!p3 $0xFFFFFFFF, s25;
	s0 =	sand.u32 @!p2 $0x7F, s0  }
0x69: {  	s4 =	sand.u32 @!p3 $0x1, s4;
	s0 =	smul.u32 @!p2 $0x3, s0  }
0x6a: {  	s4 =	sor.u32 @!p3 $0x6, s4  }
0x6b: {  	_ =	swait.ge @!p3 [sflag:s4], $0x4000;
	s0 =	ssub.s32 @!p2 s26, s0  }
0x6c: {  	s5 =	sand.u32 @!p2 $0x1, s26;
	[sflag:s4] =	ssyncset.done @!p3 $0x0;
	s0 =	sand.u32 @!p2 $0xFF, s0  }
0x6d: {  	p1 =	sge.u32 s28, s10;
	[sflag:s4] =	ssyncadd.s32 @!p3 $0xFFFFC000;
	s6 =	sadd.s32 @!p2 $0x1, s0  }
0x6e: {  	s8 =	smul.u32 @!p1 $0xAB, s25;
	s4 =	sshll.u32 @!p2 s5, $0xE;
	_ =	swait.ge @!p2 [sflag:s6], $0x100  }
0x6f: {  	s5 =	sor.u32 @!p2 $0x4, s5;
	s4 =	sor.u32 @!p2 $0x300, s4;
	[sflag:s6] =	ssyncset.done @!p2 $0x0  }
0x70: {  	s0 =	sshll.u32 @!p2 s0, $0x8;
	[sflag:s6] =	ssyncadd.s32 @!p2 $0xFFFFFF00;
	s6 =	simm.s32 @!p2 $0x80  }
0x71: {  	[tilespmem:s4], [sflag:s5] =	stream.indirect.gather @!p2 [hbm4b:s3+s6], $0x80, s0, s6, $0xb8;
	[tilespmem:$0x1BB80] =	vst v63  }
0x72: {  	s0 =	sshrl.u32 @!p1 s8, $0x9  }
0x73: {  	s0 =	sand.u32 @!p1 $0x7F, s0  }
0x74: {  	s0 =	smul.u32 @!p1 $0x3, s0  }
0x75: {  	s4 =	sand.u32 @!p1 $0x1, s25  }
0x76: {  	s5 =	sor.u32 @!p1 $0x4, s4;
	s6 =	sshll.u32 @!p1 s4, $0xE;
	s0 =	ssub.s32 @!p1 s25, s0  }
0x77: {  	s4 =	sor.u32 @!p1 $0x6, s4;
	_ =	swait.ge @!p1 [sflag:s5], $0x4000;
	s0 =	sand.u32 @!p1 $0xFF, s0  }
0x78: {  	s6 =	sor.u32 @!p1 $0x300, s6;
	[sflag:s5] =	ssyncset.done @!p1 $0x0;
	s0 =	sshll.u32 @!p1 s0, $0x8  }
0x79: {  	[sflag:s5] =	ssyncadd.s32 @!p1 $0xFFFFC000;
	s5 =	simm.s32 @!p1 $0x80;
	s0 =	sor.u32 @!p1 $0x80, s0  }
0x7a: {  	[spmem:s1] =	stream.indirect.scatter.add.f32 @!p1 [tilespmem:s6], [sflag:s4], $0x80, s0, s5, $0xb8;
	[tilespmem:$0x1BB80] =	vst v63  }
0x7b: {  	_ =	swait.ge [sflag:s11], $0x4000  }
0x7c: {  	[sflag:s11] =	ssyncset.done $0x0  }
0x7d: {  	[sflag:s11] =	ssyncadd.s32 $0xFFFFC000  }
0x7e: {  	_ =	swait.ge [sflag:s12], $0x4000  }
0x7f: {  	[sflag:s12] =	ssyncset.done $0x0  }
0x80: {  	[sflag:s12] =	ssyncadd.s32 $0xFFFFC000  }
0x81: {  	[bflag:$0x0] =	sbarrier.arrive $0xFFFF  }
0x82: {  	s31 =	rddreg [dreg:$0x9]  }
0x83: {  	[hbm:s31], [sflag:s7] =	dma.local [spmem:s18], $0x2700  }
0x84: {  	_ =	swait.ge [sflag:s19], $0x2700  }
0x85: {  	s23 =	sadd.s32 $0x1, s23;
	[sflag:s19] =	ssyncset.done $0x0  }
0x86: {  	p1 =	sne.s32 s23, s15;
	s0 =	rddreg [dreg:$0xa];
	[sflag:s19] =	ssyncadd.s32 $0xFFFFD900  }
0x87: {  	[hbm:s0], [sflag:s7] =	dma.local @!p0 [spmem:s24], $0x100  }
.Ltmp1:
0x88: {  	_ = 	snop;
	(pc) =	sbr.rel @p1 .LBB2_1-.Ltmp1, $4  }
0x89: {  	s0 =	simm.s32 @!p0 $0x8  }
0x8a: {  	_ =	swait.ge @!p0 [sflag:s0], $0x100  }
0x8b: {  	[sflag:s0] =	ssyncset.done @!p0 $0x0  }
0x8c: {  	[sflag:s0] =	ssyncadd.s32 @!p0 $0xFFFFFF00  }
0x8d: {  	_ =	sfence.sel $0x180000  }
0x8e: {  	[bflag:$0x0] =	sbarrier.arrive $0xFFFF  }
0x8f: {  	_ =	strace $0x9000004D  }
0x90: {  	[bflag:$0x2] =	sbarrier.arrive $0xFFFF  }
0x91: {  	s0 =	rddreg [dreg:$0x2]  }
0x92: {  	s0 =	sadd.s32 @!p0 $0x100000, s0  }
0x93: {  	[sflag:s0] =	ssyncadd.tile.s32 @!p0 $0x1;
	_ =	shalt  }
.Lfunc_end2:
_tile_overlayer_lowered:
.L_overlay_start_2:
0x94: {  	(tag) =	ssettag $0x2  }
0x95: {  	s0 =	rddreg [dreg:$0x0];
	s2 =	stileid.u32  }
0x96: {  	s1 =	rddreg [dreg:$0x1];
	p0 =	sne.s32 s2, $0x0  }
0x97: {  	s3 =	rddreg [dreg:$0x2];
	[bflag:$0x3] =	sbarrier.arrive $0xFFFF;
	s2 =	simm.s32 @!p0 $0x1C08  }
0x98: {  	[timem:s3], [sflag:s2] =	dma.local @!p0 [hbm:s0], s1  }
0x99: {  	s0 =	simm.s32 @!p0 $0x8  }
0x9a: {  	_ =	swait.ge @!p0 [sflag:s0], s1  }
0x9b: {  	s1 =	ssub.s32 @!p0 $0x0, s1;
	[sflag:s0] =	ssyncset.done @!p0 $0x0  }
0x9c: {  	[sflag:s0] =	ssyncadd.s32 @!p0 s1  }
0x9d: {  	[bflag:$0x3] =	sbarrier.arrive $0xFFFF  }
0x9e: {  	_ =	shalt  }

</sc_bundles>
